<compile_context>
chip_gen: v7x
topology: tpu7x:2x2x1
jax: 0.10.2.dev20260603
libtpu: 0.0.44.dev20260713+nightly
codegen_flags: <defaults>
</compile_context>

<pallas_src>
import functools

import jax
import jax.numpy as jnp
from jax import lax
from jax.experimental import pallas as pl
from jax.experimental.pallas import tpu as pltpu
from jax.experimental.pallas import tpu_sc as plsc

_N = 10000
_D = 128
_E = 320000

_NC = 2
_NS = 16
_NW = _NC * _NS
_EPW = _E // _NW
_CHUNK = 80
_NCHUNK = 128
_EPWP = _NCHUNK * _CHUNK
_NP = 10240
_RPT = _NP // _NS
_PADROW = _NP - _CHUNK

_mesh = plsc.VectorSubcoreMesh(core_axis_name="c", subcore_axis_name="s")


_SCH = 80
_SNCH = _EPW // _SCH


@functools.partial(
    pl.kernel,
    out_type=jax.ShapeDtypeStruct((_NC, _NP, _D), jnp.float32),
    mesh=_mesh,
    scratch_types=(
        [pltpu.VMEM((_SCH,), jnp.int32)] * 8
        + [pltpu.VMEM((_SCH, _D), jnp.float32)] * 4
        + [
            pltpu.VMEM_SHARED((_NP, _D), jnp.float32),
            pltpu.SemaphoreType.DMA,
            pltpu.SemaphoreType.DMA,
            pltpu.SemaphoreType.DMA,
            pltpu.SemaphoreType.DMA,
        ]
    ))
def _sc_segsum(h_hbm, src_hbm, dst_hbm, z_hbm, sum_out,
               srcA, dstA, srcB, dstB, srcC, dstC, srcD, dstD,
               rows0, rows1, rows2, rows3, acc_sh, sem0, sem1, sem2, sem3):
    c = lax.axis_index("c")
    s = lax.axis_index("s")
    wid = c * _NS + s

    def load_idx(i, src_v, dst_v):
        base = pl.multiple_of(wid * _EPW + i * _SCH, 8)
        pltpu.sync_copy(src_hbm.at[pl.ds(base, _SCH)], src_v)
        pltpu.sync_copy(dst_hbm.at[pl.ds(base, _SCH)], dst_v)

    r0 = s * _RPT
    pltpu.sync_copy(z_hbm.at[pl.ds(r0, _RPT)], acc_sh.at[pl.ds(r0, _RPT)])
    load_idx(0, srcA, dstA)
    plsc.subcore_barrier()

    def body(j, carry):
        i = 4 * j
        dg0 = pltpu.async_copy(h_hbm.at[srcA], rows0, sem0)
        load_idx(i + 1, srcB, dstB)
        dg1 = pltpu.async_copy(h_hbm.at[srcB], rows1, sem1)
        load_idx(i + 2, srcC, dstC)
        dg2 = pltpu.async_copy(h_hbm.at[srcC], rows2, sem2)
        load_idx(i + 3, srcD, dstD)
        dg3 = pltpu.async_copy(h_hbm.at[srcD], rows3, sem3)
        dg0.wait()
        pltpu.sync_copy(rows0, acc_sh.at[dstA], add=True)
        load_idx(i + 4, srcA, dstA)
        dg1.wait()
        pltpu.sync_copy(rows1, acc_sh.at[dstB], add=True)
        dg2.wait()
        pltpu.sync_copy(rows2, acc_sh.at[dstC], add=True)
        dg3.wait()
        pltpu.sync_copy(rows3, acc_sh.at[dstD], add=True)
        return carry

    lax.fori_loop(0, _SNCH // 4, body, 0)
    if _SNCH % 4:
        pltpu.async_copy(h_hbm.at[srcA], rows0, sem0).wait()
        pltpu.sync_copy(rows0, acc_sh.at[dstA], add=True)
    plsc.subcore_barrier()

    pltpu.sync_copy(acc_sh.at[pl.ds(r0, _RPT)],
                    sum_out.at[c, pl.ds(r0, _RPT)])


@functools.partial(
    pl.kernel,
    out_type=jax.ShapeDtypeStruct((_NC, _NP, _D), jnp.float32),
    mesh=_mesh,
    scratch_types=[
        pltpu.VMEM((_NCHUNK, _CHUNK), jnp.int32),
        pltpu.VMEM((_CHUNK, _D), jnp.float32),
        pltpu.VMEM_SHARED((_NP, _D), jnp.float32),
        pltpu.SemaphoreType.DMA,
        pltpu.SemaphoreType.DMA,
        pltpu.SemaphoreType.DMA,
        pltpu.SemaphoreType.DMA,
    ])
def _sc_degree(dst_hbm, z_hbm, ones_hbm, cnt_out, dst_v, ones_v, cnt_sh,
               sem0, sem1, sem2, sem3):
    c = lax.axis_index("c")
    s = lax.axis_index("s")

    pltpu.sync_copy(dst_hbm.at[c * _NS + s], dst_v)
    r0 = s * _RPT
    pltpu.sync_copy(z_hbm.at[pl.ds(r0, _RPT)], cnt_sh.at[pl.ds(r0, _RPT)])
    pltpu.sync_copy(ones_hbm, ones_v)
    plsc.subcore_barrier()

    def body(j, carry):
        i = 4 * j
        d0 = pltpu.async_copy(ones_v, cnt_sh.at[dst_v.at[i]], sem0, add=True)
        d1 = pltpu.async_copy(ones_v, cnt_sh.at[dst_v.at[i + 1]], sem1,
                              add=True)
        d2 = pltpu.async_copy(ones_v, cnt_sh.at[dst_v.at[i + 2]], sem2,
                              add=True)
        d3 = pltpu.async_copy(ones_v, cnt_sh.at[dst_v.at[i + 3]], sem3,
                              add=True)
        d0.wait()
        d1.wait()
        d2.wait()
        d3.wait()
        return carry

    lax.fori_loop(0, _NCHUNK // 4, body, 0)
    plsc.subcore_barrier()

    pltpu.sync_copy(cnt_sh.at[pl.ds(r0, _RPT)],
                    cnt_out.at[c, pl.ds(r0, _RPT)])


_BR = 400


def _tc_layer(h, sum2, cnt2, WlT, WrT, bl2d):
    def body(h_ref, s_ref, c_ref, wl_ref, wr_ref, b_ref, o_ref):
        ssum = s_ref[0] + s_ref[1]
        cnt = c_ref[0][:, 0:1] + c_ref[1][:, 0:1]
        mean = ssum / jnp.maximum(cnt, 1.0)
        acc = jax.lax.dot(mean, wl_ref[...],
                          precision=jax.lax.Precision.HIGHEST,
                          preferred_element_type=jnp.float32)
        acc = acc + jax.lax.dot(h_ref[...], wr_ref[...],
                                precision=jax.lax.Precision.HIGHEST,
                                preferred_element_type=jnp.float32)
        o_ref[...] = jnp.maximum(acc + b_ref[...], 0.0)

    return pl.pallas_call(
        body,
        grid=(_N // _BR,),
        in_specs=[
            pl.BlockSpec((_BR, _D), lambda i: (i, 0)),
            pl.BlockSpec((_NC, _BR, _D), lambda i: (0, i, 0)),
            pl.BlockSpec((_NC, _BR, _D), lambda i: (0, i, 0)),
            pl.BlockSpec((_D, _D), lambda i: (0, 0)),
            pl.BlockSpec((_D, _D), lambda i: (0, 0)),
            pl.BlockSpec((1, _D), lambda i: (0, 0)),
        ],
        out_specs=pl.BlockSpec((_BR, _D), lambda i: (i, 0)),
        out_shape=jax.ShapeDtypeStruct((_N, _D), jnp.float32),
    )(h, sum2, cnt2, WlT, WrT, bl2d)


def kernel(x, edge_index, Wl1, bl1, Wr1, Wl2, bl2, Wr2, Wl3, bl3, Wr3):
    pad = _EPWP - _EPW
    srcw = edge_index[0].reshape(_NW, _EPW)
    dstw = edge_index[1].reshape(_NW, _EPW)
    src3 = jnp.pad(srcw, ((0, 0), (0, pad))).reshape(_NW, _NCHUNK, _CHUNK)
    dst3 = jnp.pad(dstw, ((0, 0), (0, pad)),
                   constant_values=_PADROW).reshape(_NW, _NCHUNK, _CHUNK)
    zeros = jnp.zeros((_NP, _D), jnp.float32)
    ones = jnp.ones((_CHUNK, _D), jnp.float32)

    h = x
    cnt2 = _sc_degree(dst3, zeros, ones)
    for Wl, bl, Wr in [(Wl1, bl1, Wr1), (Wl2, bl2, Wr2), (Wl3, bl3, Wr3)]:
        sum2 = _sc_segsum(h, edge_index[0], edge_index[1], zeros)
        h = _tc_layer(h, sum2[:, :_N], cnt2[:, :_N], Wl.T, Wr.T,
                      bl.reshape(1, _D))
    return h

# --- scband reference (transcript-rebuilt; emitter-appended) ---
"""Pipeline reference for scband-gnn-72773925863659 (READ-ONLY COPY).

The authoritative reference and input builder live on the scoring server;
editing this copy changes nothing except your own understanding.
"""

import jax, jax.numpy as jnp
import numpy as np

N = 10000
D = 128
E = 320000


def _sage_conv(x, edge_index, Wl, bl, Wr):
    # PyG SAGEConv with mean aggregation:
    # out = lin_l(mean_{j in N(i)} x_j) + lin_r(x_i)
    src = edge_index[0]
    dst = edge_index[1]
    msg = x[src]
    agg_sum = jax.ops.segment_sum(msg, dst, num_segments=x.shape[0])
    cnt = jax.ops.segment_sum(jnp.ones((edge_index.shape[1],), x.dtype), dst, num_segments=x.shape[0])
    mean = agg_sum / jnp.clip(cnt, 1.0)[:, None]
    return mean @ Wl.T + bl + x @ Wr.T


def setup_inputs(seed: int = 0) -> dict:
    key = jax.random.key(seed)
    ks = jax.random.split(key, 12)
    x = jax.random.normal(ks[0], (N, D), dtype=jnp.float32)
    edge_index = jax.random.randint(ks[1], (2, E), 0, N, dtype=jnp.int32)
    s = 1.0 / np.sqrt(D)
    params = {}
    for i, layer in enumerate([1, 2, 3]):
        params[f'Wl{layer}'] = jax.random.uniform(ks[2 + 3 * i], (D, D), jnp.float32, -s, s)
        params[f'bl{layer}'] = jax.random.uniform(ks[3 + 3 * i], (D,), jnp.float32, -s, s)
        params[f'Wr{layer}'] = jax.random.uniform(ks[4 + 3 * i], (D, D), jnp.float32, -s, s)
    return {'x': x, 'edge_index': edge_index, **params}


def reference(x, edge_index, Wl1, bl1, Wr1, Wl2, bl2, Wr2, Wl3, bl3, Wr3):
    h = jax.nn.relu(_sage_conv(x, edge_index, Wl1, bl1, Wr1))
    h = jax.nn.relu(_sage_conv(h, edge_index, Wl2, bl2, Wr2))
    h = jax.nn.relu(_sage_conv(h, edge_index, Wl3, bl3, Wr3))
    return h

if __name__ == "__main__":
    import jax
    _d = setup_inputs()
    print(jax.jit(kernel)(*tuple(_d.values())))

</pallas_src>

<mosaic_0001>
#map = affine_map<(d0, d1) -> (0, 0, 0)>
#map1 = affine_map<(d0, d1) -> (0, 0)>
module attributes {stable_mosaic.version = 14 : i64} {
  func.func @_sc_degree(%arg0: i32, %arg1: i32, %arg2: memref<32x128x80xi32, #tpu.memory_space<hbm>>, %arg3: memref<10240x128xf32, #tpu.memory_space<hbm>>, %arg4: memref<80x128xf32, #tpu.memory_space<hbm>>, %arg5: memref<2x10240x128xf32, #tpu.memory_space<hbm>>, %arg6: memref<128x80xi32, #tpu.memory_space<vmem>>, %arg7: memref<80x128xf32, #tpu.memory_space<vmem>>, %arg8: memref<10240x128xf32, #tpu.memory_space<vmem_shared>>, %arg9: memref<!tpu.dma_semaphore, #tpu.memory_space<semaphore_mem>>, %arg10: memref<!tpu.dma_semaphore, #tpu.memory_space<semaphore_mem>>, %arg11: memref<!tpu.dma_semaphore, #tpu.memory_space<semaphore_mem>>, %arg12: memref<!tpu.dma_semaphore, #tpu.memory_space<semaphore_mem>>) attributes {dimension_semantics = [#tpu.dimension_semantics<core_parallel>, #tpu.dimension_semantics<subcore_parallel>], iteration_bounds = array<i64: 2, 16>, scalar_prefetch = 0 : i64, scratch_operands = 7 : i64, tpu.core_type = #tpu.core_type<sc_vector_subcore>, window_params = [{transform_indices = #map}, {transform_indices = #map1}, {transform_indices = #map1}, {transform_indices = #map}]} {
    %mul3A = arith.constant 16 : i32
    %mul3A_0 = arith.muli %arg0, %mul3A : i32
    %add3A = arith.addi %mul3A_0, %arg1 : i32
    "tpu.region"() ({
      %run_scoped3A = tpu.sem_alloc : memref<!tpu.dma_semaphore, #tpu.memory_space<semaphore_mem>>
      %dma_start3A = arith.constant 0 : i32
      %dma_start3A_9 = arith.constant 0 : i32
      %dma_start3A_10 = tpu.memref_slice %arg2[%add3A, %dma_start3A, %dma_start3A_9] : memref<32x128x80xi32, #tpu.memory_space<hbm>> -> memref<1x128x80xi32, #tpu.memory_space<hbm>>
      %dma_start3A_11 = tpu.memref_squeeze %dma_start3A_10 : memref<1x128x80xi32, #tpu.memory_space<hbm>> -> memref<128x80xi32, #tpu.memory_space<hbm>>
      %dma_start3A_12 = arith.constant 0 : i32
      %dma_start3A_13 = arith.constant 0 : i32
      %dma_start3A_14 = tpu.memref_slice %arg2[%add3A, %dma_start3A_12, %dma_start3A_13] : memref<32x128x80xi32, #tpu.memory_space<hbm>> -> memref<1x128x80xi32, #tpu.memory_space<hbm>>
      %dma_start3A_15 = tpu.memref_squeeze %dma_start3A_14 : memref<1x128x80xi32, #tpu.memory_space<hbm>> -> memref<128x80xi32, #tpu.memory_space<hbm>>
      tpu.enqueue_dma source(%dma_start3A_15 : memref<128x80xi32, #tpu.memory_space<hbm>>) target(%arg6 : memref<128x80xi32, #tpu.memory_space<vmem>>) target_semaphore(%run_scoped3A : memref<!tpu.dma_semaphore, #tpu.memory_space<semaphore_mem>>)
      %dma_wait3A = arith.constant 0 : i32
      %dma_wait3A_16 = arith.constant 0 : i32
      %dma_wait3A_17 = tpu.memref_slice %arg2[%add3A, %dma_wait3A, %dma_wait3A_16] : memref<32x128x80xi32, #tpu.memory_space<hbm>> -> memref<1x128x80xi32, #tpu.memory_space<hbm>>
      %dma_wait3A_18 = tpu.memref_squeeze %dma_wait3A_17 : memref<1x128x80xi32, #tpu.memory_space<hbm>> -> memref<128x80xi32, #tpu.memory_space<hbm>>
      %dma_wait3A_19 = arith.constant 0 : i32
      %dma_wait3A_20 = arith.constant 0 : i32
      %dma_wait3A_21 = tpu.memref_slice %arg2[%add3A, %dma_wait3A_19, %dma_wait3A_20] : memref<32x128x80xi32, #tpu.memory_space<hbm>> -> memref<1x128x80xi32, #tpu.memory_space<hbm>>
      %dma_wait3A_22 = tpu.memref_squeeze %dma_wait3A_21 : memref<1x128x80xi32, #tpu.memory_space<hbm>> -> memref<128x80xi32, #tpu.memory_space<hbm>>
      tpu.wait_dma2 semaphore(%run_scoped3A : memref<!tpu.dma_semaphore, #tpu.memory_space<semaphore_mem>>) src(%dma_wait3A_22 : memref<128x80xi32, #tpu.memory_space<hbm>>) dst(%arg6 : memref<128x80xi32, #tpu.memory_space<vmem>>)
      tpu.yield
    }) : () -> ()
    %mul3A_1 = arith.constant 640 : i32
    %mul3A_2 = arith.muli %arg1, %mul3A_1 : i32
    "tpu.region"() ({
      %run_scoped3A = tpu.sem_alloc : memref<!tpu.dma_semaphore, #tpu.memory_space<semaphore_mem>>
      %dma_start3A = arith.constant 0 : i32
      %dma_start3A_9 = tpu.memref_slice %arg8[%mul3A_2, %dma_start3A] : memref<10240x128xf32, #tpu.memory_space<vmem_shared>> -> memref<640x128xf32, #tpu.memory_space<vmem_shared>>
      %dma_start3A_10 = arith.constant 0 : i32
      %dma_start3A_11 = tpu.memref_slice %arg3[%mul3A_2, %dma_start3A_10] : memref<10240x128xf32, #tpu.memory_space<hbm>> -> memref<640x128xf32, #tpu.memory_space<hbm>>
      tpu.enqueue_dma source(%dma_start3A_11 : memref<640x128xf32, #tpu.memory_space<hbm>>) target(%dma_start3A_9 : memref<640x128xf32, #tpu.memory_space<vmem_shared>>) target_semaphore(%run_scoped3A : memref<!tpu.dma_semaphore, #tpu.memory_space<semaphore_mem>>)
      %dma_wait3A = arith.constant 0 : i32
      %dma_wait3A_12 = tpu.memref_slice %arg8[%mul3A_2, %dma_wait3A] : memref<10240x128xf32, #tpu.memory_space<vmem_shared>> -> memref<640x128xf32, #tpu.memory_space<vmem_shared>>
      %dma_wait3A_13 = arith.constant 0 : i32
      %dma_wait3A_14 = tpu.memref_slice %arg3[%mul3A_2, %dma_wait3A_13] : memref<10240x128xf32, #tpu.memory_space<hbm>> -> memref<640x128xf32, #tpu.memory_space<hbm>>
      tpu.wait_dma2 semaphore(%run_scoped3A : memref<!tpu.dma_semaphore, #tpu.memory_space<semaphore_mem>>) src(%dma_wait3A_14 : memref<640x128xf32, #tpu.memory_space<hbm>>) dst(%dma_wait3A_12 : memref<640x128xf32, #tpu.memory_space<vmem_shared>>)
      tpu.yield
    }) : () -> ()
    "tpu.region"() ({
      %run_scoped3A = tpu.sem_alloc : memref<!tpu.dma_semaphore, #tpu.memory_space<semaphore_mem>>
      tpu.enqueue_dma source(%arg4 : memref<80x128xf32, #tpu.memory_space<hbm>>) target(%arg7 : memref<80x128xf32, #tpu.memory_space<vmem>>) target_semaphore(%run_scoped3A : memref<!tpu.dma_semaphore, #tpu.memory_space<semaphore_mem>>)
      tpu.wait_dma2 semaphore(%run_scoped3A : memref<!tpu.dma_semaphore, #tpu.memory_space<semaphore_mem>>) src(%arg4 : memref<80x128xf32, #tpu.memory_space<hbm>>) dst(%arg7 : memref<80x128xf32, #tpu.memory_space<vmem>>)
      tpu.yield
    }) : () -> ()
    %barrier3A = arith.constant 0 : index
    tpu.barrier barrier_id(%barrier3A)
    %scan3A = arith.constant 0 : i32
    %scan3A_3 = arith.constant 0 : i32
    %scan3A_4 = arith.constant 32 : i32
    %scan3A_5 = arith.addi %scan3A_3, %scan3A_4 : i32
    %scan3A_6 = arith.constant 1 : i32
    scf.for %scan3A_9 = %scan3A_3 to %scan3A_5 step %scan3A_6  : i32 {
      %mul3A_10 = arith.constant 4 : i32
      %mul3A_11 = arith.muli %mul3A_10, %scan3A_9 : i32
      %dma_start3A = arith.constant 0 : i32
      %dma_start3A_12 = tpu.memref_slice %arg6[%mul3A_11, %dma_start3A] : memref<128x80xi32, #tpu.memory_space<vmem>> -> memref<1x80xi32, #tpu.memory_space<vmem>>
      %dma_start3A_13 = tpu.memref_squeeze %dma_start3A_12 : memref<1x80xi32, #tpu.memory_space<vmem>> -> memref<80xi32, #tpu.memory_space<vmem>>
      %dma_start3A_14 = arith.constant 0 : i32
      %dma_start3A_15 = arith.constant 0 : i32
      %dma_start3A_16 = tpu.memref_slice %arg8[%dma_start3A_14, %dma_start3A_15] : memref<10240x128xf32, #tpu.memory_space<vmem_shared>> -> memref<10240x128xf32, #tpu.memory_space<vmem_shared>>
      tpu.enqueue_indirect_dma source(%arg7 : memref<80x128xf32, #tpu.memory_space<vmem>>) target(%dma_start3A_16 : memref<10240x128xf32, #tpu.memory_space<vmem_shared>>) offsets(%dma_start3A_13 : memref<80xi32, #tpu.memory_space<vmem>>) semaphore(%arg9 : memref<!tpu.dma_semaphore, #tpu.memory_space<semaphore_mem>>) {add = true}
      %add3A_17 = arith.constant 1 : i32
      %add3A_18 = arith.addi %mul3A_11, %add3A_17 : i32
      %dma_start3A_19 = arith.constant 0 : i32
      %dma_start3A_20 = tpu.memref_slice %arg6[%add3A_18, %dma_start3A_19] : memref<128x80xi32, #tpu.memory_space<vmem>> -> memref<1x80xi32, #tpu.memory_space<vmem>>
      %dma_start3A_21 = tpu.memref_squeeze %dma_start3A_20 : memref<1x80xi32, #tpu.memory_space<vmem>> -> memref<80xi32, #tpu.memory_space<vmem>>
      %dma_start3A_22 = arith.constant 0 : i32
      %dma_start3A_23 = arith.constant 0 : i32
      %dma_start3A_24 = tpu.memref_slice %arg8[%dma_start3A_22, %dma_start3A_23] : memref<10240x128xf32, #tpu.memory_space<vmem_shared>> -> memref<10240x128xf32, #tpu.memory_space<vmem_shared>>
      tpu.enqueue_indirect_dma source(%arg7 : memref<80x128xf32, #tpu.memory_space<vmem>>) target(%dma_start3A_24 : memref<10240x128xf32, #tpu.memory_space<vmem_shared>>) offsets(%dma_start3A_21 : memref<80xi32, #tpu.memory_space<vmem>>) semaphore(%arg10 : memref<!tpu.dma_semaphore, #tpu.memory_space<semaphore_mem>>) {add = true}
      %add3A_25 = arith.constant 2 : i32
      %add3A_26 = arith.addi %mul3A_11, %add3A_25 : i32
      %dma_start3A_27 = arith.constant 0 : i32
      %dma_start3A_28 = tpu.memref_slice %arg6[%add3A_26, %dma_start3A_27] : memref<128x80xi32, #tpu.memory_space<vmem>> -> memref<1x80xi32, #tpu.memory_space<vmem>>
      %dma_start3A_29 = tpu.memref_squeeze %dma_start3A_28 : memref<1x80xi32, #tpu.memory_space<vmem>> -> memref<80xi32, #tpu.memory_space<vmem>>
      %dma_start3A_30 = arith.constant 0 : i32
      %dma_start3A_31 = arith.constant 0 : i32
      %dma_start3A_32 = tpu.memref_slice %arg8[%dma_start3A_30, %dma_start3A_31] : memref<10240x128xf32, #tpu.memory_space<vmem_shared>> -> memref<10240x128xf32, #tpu.memory_space<vmem_shared>>
      tpu.enqueue_indirect_dma source(%arg7 : memref<80x128xf32, #tpu.memory_space<vmem>>) target(%dma_start3A_32 : memref<10240x128xf32, #tpu.memory_space<vmem_shared>>) offsets(%dma_start3A_29 : memref<80xi32, #tpu.memory_space<vmem>>) semaphore(%arg11 : memref<!tpu.dma_semaphore, #tpu.memory_space<semaphore_mem>>) {add = true}
      %add3A_33 = arith.constant 3 : i32
      %add3A_34 = arith.addi %mul3A_11, %add3A_33 : i32
      %dma_start3A_35 = arith.constant 0 : i32
      %dma_start3A_36 = tpu.memref_slice %arg6[%add3A_34, %dma_start3A_35] : memref<128x80xi32, #tpu.memory_space<vmem>> -> memref<1x80xi32, #tpu.memory_space<vmem>>
      %dma_start3A_37 = tpu.memref_squeeze %dma_start3A_36 : memref<1x80xi32, #tpu.memory_space<vmem>> -> memref<80xi32, #tpu.memory_space<vmem>>
      %dma_start3A_38 = arith.constant 0 : i32
      %dma_start3A_39 = arith.constant 0 : i32
      %dma_start3A_40 = tpu.memref_slice %arg8[%dma_start3A_38, %dma_start3A_39] : memref<10240x128xf32, #tpu.memory_space<vmem_shared>> -> memref<10240x128xf32, #tpu.memory_space<vmem_shared>>
      tpu.enqueue_indirect_dma source(%arg7 : memref<80x128xf32, #tpu.memory_space<vmem>>) target(%dma_start3A_40 : memref<10240x128xf32, #tpu.memory_space<vmem_shared>>) offsets(%dma_start3A_37 : memref<80xi32, #tpu.memory_space<vmem>>) semaphore(%arg12 : memref<!tpu.dma_semaphore, #tpu.memory_space<semaphore_mem>>) {add = true}
      %dma_wait3A = arith.constant 0 : i32
      %dma_wait3A_41 = tpu.memref_slice %arg6[%mul3A_11, %dma_wait3A] : memref<128x80xi32, #tpu.memory_space<vmem>> -> memref<1x80xi32, #tpu.memory_space<vmem>>
      %dma_wait3A_42 = tpu.memref_squeeze %dma_wait3A_41 : memref<1x80xi32, #tpu.memory_space<vmem>> -> memref<80xi32, #tpu.memory_space<vmem>>
      %dma_wait3A_43 = arith.constant 0 : i32
      %dma_wait3A_44 = arith.constant 0 : i32
      %dma_wait3A_45 = tpu.memref_slice %arg8[%dma_wait3A_43, %dma_wait3A_44] : memref<10240x128xf32, #tpu.memory_space<vmem_shared>> -> memref<10240x128xf32, #tpu.memory_space<vmem_shared>>
      tpu.wait_indirect_dma semaphore(%arg9 : memref<!tpu.dma_semaphore, #tpu.memory_space<semaphore_mem>>) src(%arg7 : memref<80x128xf32, #tpu.memory_space<vmem>>) dst(%dma_wait3A_45 : memref<10240x128xf32, #tpu.memory_space<vmem_shared>>)
      %dma_wait3A_46 = arith.constant 0 : i32
      %dma_wait3A_47 = tpu.memref_slice %arg6[%add3A_18, %dma_wait3A_46] : memref<128x80xi32, #tpu.memory_space<vmem>> -> memref<1x80xi32, #tpu.memory_space<vmem>>
      %dma_wait3A_48 = tpu.memref_squeeze %dma_wait3A_47 : memref<1x80xi32, #tpu.memory_space<vmem>> -> memref<80xi32, #tpu.memory_space<vmem>>
      %dma_wait3A_49 = arith.constant 0 : i32
      %dma_wait3A_50 = arith.constant 0 : i32
      %dma_wait3A_51 = tpu.memref_slice %arg8[%dma_wait3A_49, %dma_wait3A_50] : memref<10240x128xf32, #tpu.memory_space<vmem_shared>> -> memref<10240x128xf32, #tpu.memory_space<vmem_shared>>
      tpu.wait_indirect_dma semaphore(%arg10 : memref<!tpu.dma_semaphore, #tpu.memory_space<semaphore_mem>>) src(%arg7 : memref<80x128xf32, #tpu.memory_space<vmem>>) dst(%dma_wait3A_51 : memref<10240x128xf32, #tpu.memory_space<vmem_shared>>)
      %dma_wait3A_52 = arith.constant 0 : i32
      %dma_wait3A_53 = tpu.memref_slice %arg6[%add3A_26, %dma_wait3A_52] : memref<128x80xi32, #tpu.memory_space<vmem>> -> memref<1x80xi32, #tpu.memory_space<vmem>>
      %dma_wait3A_54 = tpu.memref_squeeze %dma_wait3A_53 : memref<1x80xi32, #tpu.memory_space<vmem>> -> memref<80xi32, #tpu.memory_space<vmem>>
      %dma_wait3A_55 = arith.constant 0 : i32
      %dma_wait3A_56 = arith.constant 0 : i32
      %dma_wait3A_57 = tpu.memref_slice %arg8[%dma_wait3A_55, %dma_wait3A_56] : memref<10240x128xf32, #tpu.memory_space<vmem_shared>> -> memref<10240x128xf32, #tpu.memory_space<vmem_shared>>
      tpu.wait_indirect_dma semaphore(%arg11 : memref<!tpu.dma_semaphore, #tpu.memory_space<semaphore_mem>>) src(%arg7 : memref<80x128xf32, #tpu.memory_space<vmem>>) dst(%dma_wait3A_57 : memref<10240x128xf32, #tpu.memory_space<vmem_shared>>)
      %dma_wait3A_58 = arith.constant 0 : i32
      %dma_wait3A_59 = tpu.memref_slice %arg6[%add3A_34, %dma_wait3A_58] : memref<128x80xi32, #tpu.memory_space<vmem>> -> memref<1x80xi32, #tpu.memory_space<vmem>>
      %dma_wait3A_60 = tpu.memref_squeeze %dma_wait3A_59 : memref<1x80xi32, #tpu.memory_space<vmem>> -> memref<80xi32, #tpu.memory_space<vmem>>
      %dma_wait3A_61 = arith.constant 0 : i32
      %dma_wait3A_62 = arith.constant 0 : i32
      %dma_wait3A_63 = tpu.memref_slice %arg8[%dma_wait3A_61, %dma_wait3A_62] : memref<10240x128xf32, #tpu.memory_space<vmem_shared>> -> memref<10240x128xf32, #tpu.memory_space<vmem_shared>>
      tpu.wait_indirect_dma semaphore(%arg12 : memref<!tpu.dma_semaphore, #tpu.memory_space<semaphore_mem>>) src(%arg7 : memref<80x128xf32, #tpu.memory_space<vmem>>) dst(%dma_wait3A_63 : memref<10240x128xf32, #tpu.memory_space<vmem_shared>>)
    }
    %scan3A_7 = arith.constant 32 : i32
    %barrier3A_8 = arith.constant 0 : index
    tpu.barrier barrier_id(%barrier3A_8)
    "tpu.region"() ({
      %run_scoped3A = tpu.sem_alloc : memref<!tpu.dma_semaphore, #tpu.memory_space<semaphore_mem>>
      %dma_start3A = arith.constant 0 : i32
      %dma_start3A_9 = tpu.memref_slice %arg5[%arg0, %mul3A_2, %dma_start3A] : memref<2x10240x128xf32, #tpu.memory_space<hbm>> -> memref<1x640x128xf32, #tpu.memory_space<hbm>>
      %dma_start3A_10 = tpu.memref_squeeze %dma_start3A_9 : memref<1x640x128xf32, #tpu.memory_space<hbm>> -> memref<640x128xf32, #tpu.memory_space<hbm>>
      %dma_start3A_11 = arith.constant 0 : i32
      %dma_start3A_12 = tpu.memref_slice %arg8[%mul3A_2, %dma_start3A_11] : memref<10240x128xf32, #tpu.memory_space<vmem_shared>> -> memref<640x128xf32, #tpu.memory_space<vmem_shared>>
      tpu.enqueue_dma source(%dma_start3A_12 : memref<640x128xf32, #tpu.memory_space<vmem_shared>>) target(%dma_start3A_10 : memref<640x128xf32, #tpu.memory_space<hbm>>) target_semaphore(%run_scoped3A : memref<!tpu.dma_semaphore, #tpu.memory_space<semaphore_mem>>)
      %dma_wait3A = arith.constant 0 : i32
      %dma_wait3A_13 = tpu.memref_slice %arg5[%arg0, %mul3A_2, %dma_wait3A] : memref<2x10240x128xf32, #tpu.memory_space<hbm>> -> memref<1x640x128xf32, #tpu.memory_space<hbm>>
      %dma_wait3A_14 = tpu.memref_squeeze %dma_wait3A_13 : memref<1x640x128xf32, #tpu.memory_space<hbm>> -> memref<640x128xf32, #tpu.memory_space<hbm>>
      %dma_wait3A_15 = arith.constant 0 : i32
      %dma_wait3A_16 = tpu.memref_slice %arg8[%mul3A_2, %dma_wait3A_15] : memref<10240x128xf32, #tpu.memory_space<vmem_shared>> -> memref<640x128xf32, #tpu.memory_space<vmem_shared>>
      tpu.wait_dma2 semaphore(%run_scoped3A : memref<!tpu.dma_semaphore, #tpu.memory_space<semaphore_mem>>) src(%dma_wait3A_16 : memref<640x128xf32, #tpu.memory_space<vmem_shared>>) dst(%dma_wait3A_14 : memref<640x128xf32, #tpu.memory_space<hbm>>)
      tpu.yield
    }) : () -> ()
    return
  }
}

#map = affine_map<(d0, d1) -> (0, 0)>
#map1 = affine_map<(d0, d1) -> (0)>
#map2 = affine_map<(d0, d1) -> (0, 0, 0)>
module attributes {stable_mosaic.version = 14 : i64} {
  func.func @_sc_segsum(%arg0: i32, %arg1: i32, %arg2: memref<10000x128xf32, #tpu.memory_space<hbm>>, %arg3: memref<320000xi32, #tpu.memory_space<hbm>>, %arg4: memref<320000xi32, #tpu.memory_space<hbm>>, %arg5: memref<10240x128xf32, #tpu.memory_space<hbm>>, %arg6: memref<2x10240x128xf32, #tpu.memory_space<hbm>>, %arg7: memref<80xi32, #tpu.memory_space<vmem>>, %arg8: memref<80xi32, #tpu.memory_space<vmem>>, %arg9: memref<80xi32, #tpu.memory_space<vmem>>, %arg10: memref<80xi32, #tpu.memory_space<vmem>>, %arg11: memref<80xi32, #tpu.memory_space<vmem>>, %arg12: memref<80xi32, #tpu.memory_space<vmem>>, %arg13: memref<80xi32, #tpu.memory_space<vmem>>, %arg14: memref<80xi32, #tpu.memory_space<vmem>>, %arg15: memref<80x128xf32, #tpu.memory_space<vmem>>, %arg16: memref<80x128xf32, #tpu.memory_space<vmem>>, %arg17: memref<80x128xf32, #tpu.memory_space<vmem>>, %arg18: memref<80x128xf32, #tpu.memory_space<vmem>>, %arg19: memref<10240x128xf32, #tpu.memory_space<vmem_shared>>, %arg20: memref<!tpu.dma_semaphore, #tpu.memory_space<semaphore_mem>>, %arg21: memref<!tpu.dma_semaphore, #tpu.memory_space<semaphore_mem>>, %arg22: memref<!tpu.dma_semaphore, #tpu.memory_space<semaphore_mem>>, %arg23: memref<!tpu.dma_semaphore, #tpu.memory_space<semaphore_mem>>) attributes {dimension_semantics = [#tpu.dimension_semantics<core_parallel>, #tpu.dimension_semantics<subcore_parallel>], iteration_bounds = array<i64: 2, 16>, scalar_prefetch = 0 : i64, scratch_operands = 17 : i64, tpu.core_type = #tpu.core_type<sc_vector_subcore>, window_params = [{transform_indices = #map}, {transform_indices = #map1}, {transform_indices = #map1}, {transform_indices = #map}, {transform_indices = #map2}]} {
    %mul3A = arith.constant 16 : i32
    %mul3A_0 = arith.muli %arg0, %mul3A : i32
    %add3A = arith.addi %mul3A_0, %arg1 : i32
    %mul3A_1 = arith.constant 640 : i32
    %mul3A_2 = arith.muli %arg1, %mul3A_1 : i32
    "tpu.region"() ({
      %run_scoped3A = tpu.sem_alloc : memref<!tpu.dma_semaphore, #tpu.memory_space<semaphore_mem>>
      %dma_start3A_17 = arith.constant 0 : i32
      %dma_start3A_18 = tpu.memref_slice %arg19[%mul3A_2, %dma_start3A_17] : memref<10240x128xf32, #tpu.memory_space<vmem_shared>> -> memref<640x128xf32, #tpu.memory_space<vmem_shared>>
      %dma_start3A_19 = arith.constant 0 : i32
      %dma_start3A_20 = tpu.memref_slice %arg5[%mul3A_2, %dma_start3A_19] : memref<10240x128xf32, #tpu.memory_space<hbm>> -> memref<640x128xf32, #tpu.memory_space<hbm>>
      tpu.enqueue_dma source(%dma_start3A_20 : memref<640x128xf32, #tpu.memory_space<hbm>>) target(%dma_start3A_18 : memref<640x128xf32, #tpu.memory_space<vmem_shared>>) target_semaphore(%run_scoped3A : memref<!tpu.dma_semaphore, #tpu.memory_space<semaphore_mem>>)
      %dma_wait3A_21 = arith.constant 0 : i32
      %dma_wait3A_22 = tpu.memref_slice %arg19[%mul3A_2, %dma_wait3A_21] : memref<10240x128xf32, #tpu.memory_space<vmem_shared>> -> memref<640x128xf32, #tpu.memory_space<vmem_shared>>
      %dma_wait3A_23 = arith.constant 0 : i32
      %dma_wait3A_24 = tpu.memref_slice %arg5[%mul3A_2, %dma_wait3A_23] : memref<10240x128xf32, #tpu.memory_space<hbm>> -> memref<640x128xf32, #tpu.memory_space<hbm>>
      tpu.wait_dma2 semaphore(%run_scoped3A : memref<!tpu.dma_semaphore, #tpu.memory_space<semaphore_mem>>) src(%dma_wait3A_24 : memref<640x128xf32, #tpu.memory_space<hbm>>) dst(%dma_wait3A_22 : memref<640x128xf32, #tpu.memory_space<vmem_shared>>)
      tpu.yield
    }) : () -> ()
    %mul3A_3 = arith.constant 10000 : i32
    %mul3A_4 = arith.muli %add3A, %mul3A_3 : i32
    %add3A_5 = arith.constant 0 : i32
    %add3A_6 = arith.addi %mul3A_4, %add3A_5 : i32
    %multiple_of3A = tpu.assume_multiple %add3A_6, 8 : i32
    "tpu.region"() ({
      %run_scoped3A = tpu.sem_alloc : memref<!tpu.dma_semaphore, #tpu.memory_space<semaphore_mem>>
      %dma_start3A_17 = tpu.memref_slice %arg3[%multiple_of3A] : memref<320000xi32, #tpu.memory_space<hbm>> -> memref<80xi32, #tpu.memory_space<hbm>>
      %dma_start3A_18 = tpu.memref_slice %arg3[%multiple_of3A] : memref<320000xi32, #tpu.memory_space<hbm>> -> memref<80xi32, #tpu.memory_space<hbm>>
      tpu.enqueue_dma source(%dma_start3A_18 : memref<80xi32, #tpu.memory_space<hbm>>) target(%arg7 : memref<80xi32, #tpu.memory_space<vmem>>) target_semaphore(%run_scoped3A : memref<!tpu.dma_semaphore, #tpu.memory_space<semaphore_mem>>)
      %dma_wait3A_19 = tpu.memref_slice %arg3[%multiple_of3A] : memref<320000xi32, #tpu.memory_space<hbm>> -> memref<80xi32, #tpu.memory_space<hbm>>
      %dma_wait3A_20 = tpu.memref_slice %arg3[%multiple_of3A] : memref<320000xi32, #tpu.memory_space<hbm>> -> memref<80xi32, #tpu.memory_space<hbm>>
      tpu.wait_dma2 semaphore(%run_scoped3A : memref<!tpu.dma_semaphore, #tpu.memory_space<semaphore_mem>>) src(%dma_wait3A_20 : memref<80xi32, #tpu.memory_space<hbm>>) dst(%arg7 : memref<80xi32, #tpu.memory_space<vmem>>)
      tpu.yield
    }) : () -> ()
    "tpu.region"() ({
      %run_scoped3A = tpu.sem_alloc : memref<!tpu.dma_semaphore, #tpu.memory_space<semaphore_mem>>
      %dma_start3A_17 = tpu.memref_slice %arg4[%multiple_of3A] : memref<320000xi32, #tpu.memory_space<hbm>> -> memref<80xi32, #tpu.memory_space<hbm>>
      %dma_start3A_18 = tpu.memref_slice %arg4[%multiple_of3A] : memref<320000xi32, #tpu.memory_space<hbm>> -> memref<80xi32, #tpu.memory_space<hbm>>
      tpu.enqueue_dma source(%dma_start3A_18 : memref<80xi32, #tpu.memory_space<hbm>>) target(%arg8 : memref<80xi32, #tpu.memory_space<vmem>>) target_semaphore(%run_scoped3A : memref<!tpu.dma_semaphore, #tpu.memory_space<semaphore_mem>>)
      %dma_wait3A_19 = tpu.memref_slice %arg4[%multiple_of3A] : memref<320000xi32, #tpu.memory_space<hbm>> -> memref<80xi32, #tpu.memory_space<hbm>>
      %dma_wait3A_20 = tpu.memref_slice %arg4[%multiple_of3A] : memref<320000xi32, #tpu.memory_space<hbm>> -> memref<80xi32, #tpu.memory_space<hbm>>
      tpu.wait_dma2 semaphore(%run_scoped3A : memref<!tpu.dma_semaphore, #tpu.memory_space<semaphore_mem>>) src(%dma_wait3A_20 : memref<80xi32, #tpu.memory_space<hbm>>) dst(%arg8 : memref<80xi32, #tpu.memory_space<vmem>>)
      tpu.yield
    }) : () -> ()
    %barrier3A = arith.constant 0 : index
    tpu.barrier barrier_id(%barrier3A)
    %scan3A = arith.constant 0 : i32
    %scan3A_7 = arith.constant 0 : i32
    %scan3A_8 = arith.constant 31 : i32
    %scan3A_9 = arith.addi %scan3A_7, %scan3A_8 : i32
    %scan3A_10 = arith.constant 1 : i32
    scf.for %scan3A_17 = %scan3A_7 to %scan3A_9 step %scan3A_10  : i32 {
      %mul3A_18 = arith.constant 4 : i32
      %mul3A_19 = arith.muli %mul3A_18, %scan3A_17 : i32
      %dma_start3A_20 = arith.constant 0 : i32
      %dma_start3A_21 = arith.constant 0 : i32
      %dma_start3A_22 = tpu.memref_slice %arg2[%dma_start3A_20, %dma_start3A_21] : memref<10000x128xf32, #tpu.memory_space<hbm>> -> memref<10000x128xf32, #tpu.memory_space<hbm>>
      tpu.enqueue_indirect_dma source(%dma_start3A_22 : memref<10000x128xf32, #tpu.memory_space<hbm>>) target(%arg15 : memref<80x128xf32, #tpu.memory_space<vmem>>) offsets(%arg7 : memref<80xi32, #tpu.memory_space<vmem>>) semaphore(%arg20 : memref<!tpu.dma_semaphore, #tpu.memory_space<semaphore_mem>>)
      %add3A_23 = arith.constant 1 : i32
      %add3A_24 = arith.addi %mul3A_19, %add3A_23 : i32
      %mul3A_25 = arith.constant 10000 : i32
      %mul3A_26 = arith.muli %add3A, %mul3A_25 : i32
      %mul3A_27 = arith.constant 80 : i32
      %mul3A_28 = arith.muli %add3A_24, %mul3A_27 : i32
      %add3A_29 = arith.addi %mul3A_26, %mul3A_28 : i32
      %multiple_of3A_30 = tpu.assume_multiple %add3A_29, 8 : i32
      "tpu.region"() ({
        %run_scoped3A = tpu.sem_alloc : memref<!tpu.dma_semaphore, #tpu.memory_space<semaphore_mem>>
        %dma_start3A_76 = tpu.memref_slice %arg3[%multiple_of3A_30] : memref<320000xi32, #tpu.memory_space<hbm>> -> memref<80xi32, #tpu.memory_space<hbm>>
        %dma_start3A_77 = tpu.memref_slice %arg3[%multiple_of3A_30] : memref<320000xi32, #tpu.memory_space<hbm>> -> memref<80xi32, #tpu.memory_space<hbm>>
        tpu.enqueue_dma source(%dma_start3A_77 : memref<80xi32, #tpu.memory_space<hbm>>) target(%arg9 : memref<80xi32, #tpu.memory_space<vmem>>) target_semaphore(%run_scoped3A : memref<!tpu.dma_semaphore, #tpu.memory_space<semaphore_mem>>)
        %dma_wait3A_78 = tpu.memref_slice %arg3[%multiple_of3A_30] : memref<320000xi32, #tpu.memory_space<hbm>> -> memref<80xi32, #tpu.memory_space<hbm>>
        %dma_wait3A_79 = tpu.memref_slice %arg3[%multiple_of3A_30] : memref<320000xi32, #tpu.memory_space<hbm>> -> memref<80xi32, #tpu.memory_space<hbm>>
        tpu.wait_dma2 semaphore(%run_scoped3A : memref<!tpu.dma_semaphore, #tpu.memory_space<semaphore_mem>>) src(%dma_wait3A_79 : memref<80xi32, #tpu.memory_space<hbm>>) dst(%arg9 : memref<80xi32, #tpu.memory_space<vmem>>)
        tpu.yield
      }) : () -> ()
      "tpu.region"() ({
        %run_scoped3A = tpu.sem_alloc : memref<!tpu.dma_semaphore, #tpu.memory_space<semaphore_mem>>
        %dma_start3A_76 = tpu.memref_slice %arg4[%multiple_of3A_30] : memref<320000xi32, #tpu.memory_space<hbm>> -> memref<80xi32, #tpu.memory_space<hbm>>
        %dma_start3A_77 = tpu.memref_slice %arg4[%multiple_of3A_30] : memref<320000xi32, #tpu.memory_space<hbm>> -> memref<80xi32, #tpu.memory_space<hbm>>
        tpu.enqueue_dma source(%dma_start3A_77 : memref<80xi32, #tpu.memory_space<hbm>>) target(%arg10 : memref<80xi32, #tpu.memory_space<vmem>>) target_semaphore(%run_scoped3A : memref<!tpu.dma_semaphore, #tpu.memory_space<semaphore_mem>>)
        %dma_wait3A_78 = tpu.memref_slice %arg4[%multiple_of3A_30] : memref<320000xi32, #tpu.memory_space<hbm>> -> memref<80xi32, #tpu.memory_space<hbm>>
        %dma_wait3A_79 = tpu.memref_slice %arg4[%multiple_of3A_30] : memref<320000xi32, #tpu.memory_space<hbm>> -> memref<80xi32, #tpu.memory_space<hbm>>
        tpu.wait_dma2 semaphore(%run_scoped3A : memref<!tpu.dma_semaphore, #tpu.memory_space<semaphore_mem>>) src(%dma_wait3A_79 : memref<80xi32, #tpu.memory_space<hbm>>) dst(%arg10 : memref<80xi32, #tpu.memory_space<vmem>>)
        tpu.yield
      }) : () -> ()
      %dma_start3A_31 = arith.constant 0 : i32
      %dma_start3A_32 = arith.constant 0 : i32
      %dma_start3A_33 = tpu.memref_slice %arg2[%dma_start3A_31, %dma_start3A_32] : memref<10000x128xf32, #tpu.memory_space<hbm>> -> memref<10000x128xf32, #tpu.memory_space<hbm>>
      tpu.enqueue_indirect_dma source(%dma_start3A_33 : memref<10000x128xf32, #tpu.memory_space<hbm>>) target(%arg16 : memref<80x128xf32, #tpu.memory_space<vmem>>) offsets(%arg9 : memref<80xi32, #tpu.memory_space<vmem>>) semaphore(%arg21 : memref<!tpu.dma_semaphore, #tpu.memory_space<semaphore_mem>>)
      %add3A_34 = arith.constant 2 : i32
      %add3A_35 = arith.addi %mul3A_19, %add3A_34 : i32
      %mul3A_36 = arith.constant 10000 : i32
      %mul3A_37 = arith.muli %add3A, %mul3A_36 : i32
      %mul3A_38 = arith.constant 80 : i32
      %mul3A_39 = arith.muli %add3A_35, %mul3A_38 : i32
      %add3A_40 = arith.addi %mul3A_37, %mul3A_39 : i32
      %multiple_of3A_41 = tpu.assume_multiple %add3A_40, 8 : i32
      "tpu.region"() ({
        %run_scoped3A = tpu.sem_alloc : memref<!tpu.dma_semaphore, #tpu.memory_space<semaphore_mem>>
        %dma_start3A_76 = tpu.memref_slice %arg3[%multiple_of3A_41] : memref<320000xi32, #tpu.memory_space<hbm>> -> memref<80xi32, #tpu.memory_space<hbm>>
        %dma_start3A_77 = tpu.memref_slice %arg3[%multiple_of3A_41] : memref<320000xi32, #tpu.memory_space<hbm>> -> memref<80xi32, #tpu.memory_space<hbm>>
        tpu.enqueue_dma source(%dma_start3A_77 : memref<80xi32, #tpu.memory_space<hbm>>) target(%arg11 : memref<80xi32, #tpu.memory_space<vmem>>) target_semaphore(%run_scoped3A : memref<!tpu.dma_semaphore, #tpu.memory_space<semaphore_mem>>)
        %dma_wait3A_78 = tpu.memref_slice %arg3[%multiple_of3A_41] : memref<320000xi32, #tpu.memory_space<hbm>> -> memref<80xi32, #tpu.memory_space<hbm>>
        %dma_wait3A_79 = tpu.memref_slice %arg3[%multiple_of3A_41] : memref<320000xi32, #tpu.memory_space<hbm>> -> memref<80xi32, #tpu.memory_space<hbm>>
        tpu.wait_dma2 semaphore(%run_scoped3A : memref<!tpu.dma_semaphore, #tpu.memory_space<semaphore_mem>>) src(%dma_wait3A_79 : memref<80xi32, #tpu.memory_space<hbm>>) dst(%arg11 : memref<80xi32, #tpu.memory_space<vmem>>)
        tpu.yield
      }) : () -> ()
      "tpu.region"() ({
        %run_scoped3A = tpu.sem_alloc : memref<!tpu.dma_semaphore, #tpu.memory_space<semaphore_mem>>
        %dma_start3A_76 = tpu.memref_slice %arg4[%multiple_of3A_41] : memref<320000xi32, #tpu.memory_space<hbm>> -> memref<80xi32, #tpu.memory_space<hbm>>
        %dma_start3A_77 = tpu.memref_slice %arg4[%multiple_of3A_41] : memref<320000xi32, #tpu.memory_space<hbm>> -> memref<80xi32, #tpu.memory_space<hbm>>
        tpu.enqueue_dma source(%dma_start3A_77 : memref<80xi32, #tpu.memory_space<hbm>>) target(%arg12 : memref<80xi32, #tpu.memory_space<vmem>>) target_semaphore(%run_scoped3A : memref<!tpu.dma_semaphore, #tpu.memory_space<semaphore_mem>>)
        %dma_wait3A_78 = tpu.memref_slice %arg4[%multiple_of3A_41] : memref<320000xi32, #tpu.memory_space<hbm>> -> memref<80xi32, #tpu.memory_space<hbm>>
        %dma_wait3A_79 = tpu.memref_slice %arg4[%multiple_of3A_41] : memref<320000xi32, #tpu.memory_space<hbm>> -> memref<80xi32, #tpu.memory_space<hbm>>
        tpu.wait_dma2 semaphore(%run_scoped3A : memref<!tpu.dma_semaphore, #tpu.memory_space<semaphore_mem>>) src(%dma_wait3A_79 : memref<80xi32, #tpu.memory_space<hbm>>) dst(%arg12 : memref<80xi32, #tpu.memory_space<vmem>>)
        tpu.yield
      }) : () -> ()
      %dma_start3A_42 = arith.constant 0 : i32
      %dma_start3A_43 = arith.constant 0 : i32
      %dma_start3A_44 = tpu.memref_slice %arg2[%dma_start3A_42, %dma_start3A_43] : memref<10000x128xf32, #tpu.memory_space<hbm>> -> memref<10000x128xf32, #tpu.memory_space<hbm>>
      tpu.enqueue_indirect_dma source(%dma_start3A_44 : memref<10000x128xf32, #tpu.memory_space<hbm>>) target(%arg17 : memref<80x128xf32, #tpu.memory_space<vmem>>) offsets(%arg11 : memref<80xi32, #tpu.memory_space<vmem>>) semaphore(%arg22 : memref<!tpu.dma_semaphore, #tpu.memory_space<semaphore_mem>>)
      %add3A_45 = arith.constant 3 : i32
      %add3A_46 = arith.addi %mul3A_19, %add3A_45 : i32
      %mul3A_47 = arith.constant 10000 : i32
      %mul3A_48 = arith.muli %add3A, %mul3A_47 : i32
      %mul3A_49 = arith.constant 80 : i32
      %mul3A_50 = arith.muli %add3A_46, %mul3A_49 : i32
      %add3A_51 = arith.addi %mul3A_48, %mul3A_50 : i32
      %multiple_of3A_52 = tpu.assume_multiple %add3A_51, 8 : i32
      "tpu.region"() ({
        %run_scoped3A = tpu.sem_alloc : memref<!tpu.dma_semaphore, #tpu.memory_space<semaphore_mem>>
        %dma_start3A_76 = tpu.memref_slice %arg3[%multiple_of3A_52] : memref<320000xi32, #tpu.memory_space<hbm>> -> memref<80xi32, #tpu.memory_space<hbm>>
        %dma_start3A_77 = tpu.memref_slice %arg3[%multiple_of3A_52] : memref<320000xi32, #tpu.memory_space<hbm>> -> memref<80xi32, #tpu.memory_space<hbm>>
        tpu.enqueue_dma source(%dma_start3A_77 : memref<80xi32, #tpu.memory_space<hbm>>) target(%arg13 : memref<80xi32, #tpu.memory_space<vmem>>) target_semaphore(%run_scoped3A : memref<!tpu.dma_semaphore, #tpu.memory_space<semaphore_mem>>)
        %dma_wait3A_78 = tpu.memref_slice %arg3[%multiple_of3A_52] : memref<320000xi32, #tpu.memory_space<hbm>> -> memref<80xi32, #tpu.memory_space<hbm>>
        %dma_wait3A_79 = tpu.memref_slice %arg3[%multiple_of3A_52] : memref<320000xi32, #tpu.memory_space<hbm>> -> memref<80xi32, #tpu.memory_space<hbm>>
        tpu.wait_dma2 semaphore(%run_scoped3A : memref<!tpu.dma_semaphore, #tpu.memory_space<semaphore_mem>>) src(%dma_wait3A_79 : memref<80xi32, #tpu.memory_space<hbm>>) dst(%arg13 : memref<80xi32, #tpu.memory_space<vmem>>)
        tpu.yield
      }) : () -> ()
      "tpu.region"() ({
        %run_scoped3A = tpu.sem_alloc : memref<!tpu.dma_semaphore, #tpu.memory_space<semaphore_mem>>
        %dma_start3A_76 = tpu.memref_slice %arg4[%multiple_of3A_52] : memref<320000xi32, #tpu.memory_space<hbm>> -> memref<80xi32, #tpu.memory_space<hbm>>
        %dma_start3A_77 = tpu.memref_slice %arg4[%multiple_of3A_52] : memref<320000xi32, #tpu.memory_space<hbm>> -> memref<80xi32, #tpu.memory_space<hbm>>
        tpu.enqueue_dma source(%dma_start3A_77 : memref<80xi32, #tpu.memory_space<hbm>>) target(%arg14 : memref<80xi32, #tpu.memory_space<vmem>>) target_semaphore(%run_scoped3A : memref<!tpu.dma_semaphore, #tpu.memory_space<semaphore_mem>>)
        %dma_wait3A_78 = tpu.memref_slice %arg4[%multiple_of3A_52] : memref<320000xi32, #tpu.memory_space<hbm>> -> memref<80xi32, #tpu.memory_space<hbm>>
        %dma_wait3A_79 = tpu.memref_slice %arg4[%multiple_of3A_52] : memref<320000xi32, #tpu.memory_space<hbm>> -> memref<80xi32, #tpu.memory_space<hbm>>
        tpu.wait_dma2 semaphore(%run_scoped3A : memref<!tpu.dma_semaphore, #tpu.memory_space<semaphore_mem>>) src(%dma_wait3A_79 : memref<80xi32, #tpu.memory_space<hbm>>) dst(%arg14 : memref<80xi32, #tpu.memory_space<vmem>>)
        tpu.yield
      }) : () -> ()
      %dma_start3A_53 = arith.constant 0 : i32
      %dma_start3A_54 = arith.constant 0 : i32
      %dma_start3A_55 = tpu.memref_slice %arg2[%dma_start3A_53, %dma_start3A_54] : memref<10000x128xf32, #tpu.memory_space<hbm>> -> memref<10000x128xf32, #tpu.memory_space<hbm>>
      tpu.enqueue_indirect_dma source(%dma_start3A_55 : memref<10000x128xf32, #tpu.memory_space<hbm>>) target(%arg18 : memref<80x128xf32, #tpu.memory_space<vmem>>) offsets(%arg13 : memref<80xi32, #tpu.memory_space<vmem>>) semaphore(%arg23 : memref<!tpu.dma_semaphore, #tpu.memory_space<semaphore_mem>>)
      %dma_wait3A_56 = arith.constant 0 : i32
      %dma_wait3A_57 = arith.constant 0 : i32
      %dma_wait3A_58 = tpu.memref_slice %arg2[%dma_wait3A_56, %dma_wait3A_57] : memref<10000x128xf32, #tpu.memory_space<hbm>> -> memref<10000x128xf32, #tpu.memory_space<hbm>>
      tpu.wait_indirect_dma semaphore(%arg20 : memref<!tpu.dma_semaphore, #tpu.memory_space<semaphore_mem>>) src(%dma_wait3A_58 : memref<10000x128xf32, #tpu.memory_space<hbm>>) dst(%arg15 : memref<80x128xf32, #tpu.memory_space<vmem>>)
      "tpu.region"() ({
        %run_scoped3A = tpu.sem_alloc : memref<!tpu.dma_semaphore, #tpu.memory_space<semaphore_mem>>
        %dma_start3A_76 = arith.constant 0 : i32
        %dma_start3A_77 = arith.constant 0 : i32
        %dma_start3A_78 = tpu.memref_slice %arg19[%dma_start3A_76, %dma_start3A_77] : memref<10240x128xf32, #tpu.memory_space<vmem_shared>> -> memref<10240x128xf32, #tpu.memory_space<vmem_shared>>
        tpu.enqueue_indirect_dma source(%arg15 : memref<80x128xf32, #tpu.memory_space<vmem>>) target(%dma_start3A_78 : memref<10240x128xf32, #tpu.memory_space<vmem_shared>>) offsets(%arg8 : memref<80xi32, #tpu.memory_space<vmem>>) semaphore(%run_scoped3A : memref<!tpu.dma_semaphore, #tpu.memory_space<semaphore_mem>>) {add = true}
        %dma_wait3A_79 = arith.constant 0 : i32
        %dma_wait3A_80 = arith.constant 0 : i32
        %dma_wait3A_81 = tpu.memref_slice %arg19[%dma_wait3A_79, %dma_wait3A_80] : memref<10240x128xf32, #tpu.memory_space<vmem_shared>> -> memref<10240x128xf32, #tpu.memory_space<vmem_shared>>
        tpu.wait_indirect_dma semaphore(%run_scoped3A : memref<!tpu.dma_semaphore, #tpu.memory_space<semaphore_mem>>) src(%arg15 : memref<80x128xf32, #tpu.memory_space<vmem>>) dst(%dma_wait3A_81 : memref<10240x128xf32, #tpu.memory_space<vmem_shared>>)
        tpu.yield
      }) : () -> ()
      %add3A_59 = arith.constant 4 : i32
      %add3A_60 = arith.addi %mul3A_19, %add3A_59 : i32
      %mul3A_61 = arith.constant 10000 : i32
      %mul3A_62 = arith.muli %add3A, %mul3A_61 : i32
      %mul3A_63 = arith.constant 80 : i32
      %mul3A_64 = arith.muli %add3A_60, %mul3A_63 : i32
      %add3A_65 = arith.addi %mul3A_62, %mul3A_64 : i32
      %multiple_of3A_66 = tpu.assume_multiple %add3A_65, 8 : i32
      "tpu.region"() ({
        %run_scoped3A = tpu.sem_alloc : memref<!tpu.dma_semaphore, #tpu.memory_space<semaphore_mem>>
        %dma_start3A_76 = tpu.memref_slice %arg3[%multiple_of3A_66] : memref<320000xi32, #tpu.memory_space<hbm>> -> memref<80xi32, #tpu.memory_space<hbm>>
        %dma_start3A_77 = tpu.memref_slice %arg3[%multiple_of3A_66] : memref<320000xi32, #tpu.memory_space<hbm>> -> memref<80xi32, #tpu.memory_space<hbm>>
        tpu.enqueue_dma source(%dma_start3A_77 : memref<80xi32, #tpu.memory_space<hbm>>) target(%arg7 : memref<80xi32, #tpu.memory_space<vmem>>) target_semaphore(%run_scoped3A : memref<!tpu.dma_semaphore, #tpu.memory_space<semaphore_mem>>)
        %dma_wait3A_78 = tpu.memref_slice %arg3[%multiple_of3A_66] : memref<320000xi32, #tpu.memory_space<hbm>> -> memref<80xi32, #tpu.memory_space<hbm>>
        %dma_wait3A_79 = tpu.memref_slice %arg3[%multiple_of3A_66] : memref<320000xi32, #tpu.memory_space<hbm>> -> memref<80xi32, #tpu.memory_space<hbm>>
        tpu.wait_dma2 semaphore(%run_scoped3A : memref<!tpu.dma_semaphore, #tpu.memory_space<semaphore_mem>>) src(%dma_wait3A_79 : memref<80xi32, #tpu.memory_space<hbm>>) dst(%arg7 : memref<80xi32, #tpu.memory_space<vmem>>)
        tpu.yield
      }) : () -> ()
      "tpu.region"() ({
        %run_scoped3A = tpu.sem_alloc : memref<!tpu.dma_semaphore, #tpu.memory_space<semaphore_mem>>
        %dma_start3A_76 = tpu.memref_slice %arg4[%multiple_of3A_66] : memref<320000xi32, #tpu.memory_space<hbm>> -> memref<80xi32, #tpu.memory_space<hbm>>
        %dma_start3A_77 = tpu.memref_slice %arg4[%multiple_of3A_66] : memref<320000xi32, #tpu.memory_space<hbm>> -> memref<80xi32, #tpu.memory_space<hbm>>
        tpu.enqueue_dma source(%dma_start3A_77 : memref<80xi32, #tpu.memory_space<hbm>>) target(%arg8 : memref<80xi32, #tpu.memory_space<vmem>>) target_semaphore(%run_scoped3A : memref<!tpu.dma_semaphore, #tpu.memory_space<semaphore_mem>>)
        %dma_wait3A_78 = tpu.memref_slice %arg4[%multiple_of3A_66] : memref<320000xi32, #tpu.memory_space<hbm>> -> memref<80xi32, #tpu.memory_space<hbm>>
        %dma_wait3A_79 = tpu.memref_slice %arg4[%multiple_of3A_66] : memref<320000xi32, #tpu.memory_space<hbm>> -> memref<80xi32, #tpu.memory_space<hbm>>
        tpu.wait_dma2 semaphore(%run_scoped3A : memref<!tpu.dma_semaphore, #tpu.memory_space<semaphore_mem>>) src(%dma_wait3A_79 : memref<80xi32, #tpu.memory_space<hbm>>) dst(%arg8 : memref<80xi32, #tpu.memory_space<vmem>>)
        tpu.yield
      }) : () -> ()
      %dma_wait3A_67 = arith.constant 0 : i32
      %dma_wait3A_68 = arith.constant 0 : i32
      %dma_wait3A_69 = tpu.memref_slice %arg2[%dma_wait3A_67, %dma_wait3A_68] : memref<10000x128xf32, #tpu.memory_space<hbm>> -> memref<10000x128xf32, #tpu.memory_space<hbm>>
      tpu.wait_indirect_dma semaphore(%arg21 : memref<!tpu.dma_semaphore, #tpu.memory_space<semaphore_mem>>) src(%dma_wait3A_69 : memref<10000x128xf32, #tpu.memory_space<hbm>>) dst(%arg16 : memref<80x128xf32, #tpu.memory_space<vmem>>)
      "tpu.region"() ({
        %run_scoped3A = tpu.sem_alloc : memref<!tpu.dma_semaphore, #tpu.memory_space<semaphore_mem>>
        %dma_start3A_76 = arith.constant 0 : i32
        %dma_start3A_77 = arith.constant 0 : i32
        %dma_start3A_78 = tpu.memref_slice %arg19[%dma_start3A_76, %dma_start3A_77] : memref<10240x128xf32, #tpu.memory_space<vmem_shared>> -> memref<10240x128xf32, #tpu.memory_space<vmem_shared>>
        tpu.enqueue_indirect_dma source(%arg16 : memref<80x128xf32, #tpu.memory_space<vmem>>) target(%dma_start3A_78 : memref<10240x128xf32, #tpu.memory_space<vmem_shared>>) offsets(%arg10 : memref<80xi32, #tpu.memory_space<vmem>>) semaphore(%run_scoped3A : memref<!tpu.dma_semaphore, #tpu.memory_space<semaphore_mem>>) {add = true}
        %dma_wait3A_79 = arith.constant 0 : i32
        %dma_wait3A_80 = arith.constant 0 : i32
        %dma_wait3A_81 = tpu.memref_slice %arg19[%dma_wait3A_79, %dma_wait3A_80] : memref<10240x128xf32, #tpu.memory_space<vmem_shared>> -> memref<10240x128xf32, #tpu.memory_space<vmem_shared>>
        tpu.wait_indirect_dma semaphore(%run_scoped3A : memref<!tpu.dma_semaphore, #tpu.memory_space<semaphore_mem>>) src(%arg16 : memref<80x128xf32, #tpu.memory_space<vmem>>) dst(%dma_wait3A_81 : memref<10240x128xf32, #tpu.memory_space<vmem_shared>>)
        tpu.yield
      }) : () -> ()
      %dma_wait3A_70 = arith.constant 0 : i32
      %dma_wait3A_71 = arith.constant 0 : i32
      %dma_wait3A_72 = tpu.memref_slice %arg2[%dma_wait3A_70, %dma_wait3A_71] : memref<10000x128xf32, #tpu.memory_space<hbm>> -> memref<10000x128xf32, #tpu.memory_space<hbm>>
      tpu.wait_indirect_dma semaphore(%arg22 : memref<!tpu.dma_semaphore, #tpu.memory_space<semaphore_mem>>) src(%dma_wait3A_72 : memref<10000x128xf32, #tpu.memory_space<hbm>>) dst(%arg17 : memref<80x128xf32, #tpu.memory_space<vmem>>)
      "tpu.region"() ({
        %run_scoped3A = tpu.sem_alloc : memref<!tpu.dma_semaphore, #tpu.memory_space<semaphore_mem>>
        %dma_start3A_76 = arith.constant 0 : i32
        %dma_start3A_77 = arith.constant 0 : i32
        %dma_start3A_78 = tpu.memref_slice %arg19[%dma_start3A_76, %dma_start3A_77] : memref<10240x128xf32, #tpu.memory_space<vmem_shared>> -> memref<10240x128xf32, #tpu.memory_space<vmem_shared>>
        tpu.enqueue_indirect_dma source(%arg17 : memref<80x128xf32, #tpu.memory_space<vmem>>) target(%dma_start3A_78 : memref<10240x128xf32, #tpu.memory_space<vmem_shared>>) offsets(%arg12 : memref<80xi32, #tpu.memory_space<vmem>>) semaphore(%run_scoped3A : memref<!tpu.dma_semaphore, #tpu.memory_space<semaphore_mem>>) {add = true}
        %dma_wait3A_79 = arith.constant 0 : i32
        %dma_wait3A_80 = arith.constant 0 : i32
        %dma_wait3A_81 = tpu.memref_slice %arg19[%dma_wait3A_79, %dma_wait3A_80] : memref<10240x128xf32, #tpu.memory_space<vmem_shared>> -> memref<10240x128xf32, #tpu.memory_space<vmem_shared>>
        tpu.wait_indirect_dma semaphore(%run_scoped3A : memref<!tpu.dma_semaphore, #tpu.memory_space<semaphore_mem>>) src(%arg17 : memref<80x128xf32, #tpu.memory_space<vmem>>) dst(%dma_wait3A_81 : memref<10240x128xf32, #tpu.memory_space<vmem_shared>>)
        tpu.yield
      }) : () -> ()
      %dma_wait3A_73 = arith.constant 0 : i32
      %dma_wait3A_74 = arith.constant 0 : i32
      %dma_wait3A_75 = tpu.memref_slice %arg2[%dma_wait3A_73, %dma_wait3A_74] : memref<10000x128xf32, #tpu.memory_space<hbm>> -> memref<10000x128xf32, #tpu.memory_space<hbm>>
      tpu.wait_indirect_dma semaphore(%arg23 : memref<!tpu.dma_semaphore, #tpu.memory_space<semaphore_mem>>) src(%dma_wait3A_75 : memref<10000x128xf32, #tpu.memory_space<hbm>>) dst(%arg18 : memref<80x128xf32, #tpu.memory_space<vmem>>)
      "tpu.region"() ({
        %run_scoped3A = tpu.sem_alloc : memref<!tpu.dma_semaphore, #tpu.memory_space<semaphore_mem>>
        %dma_start3A_76 = arith.constant 0 : i32
        %dma_start3A_77 = arith.constant 0 : i32
        %dma_start3A_78 = tpu.memref_slice %arg19[%dma_start3A_76, %dma_start3A_77] : memref<10240x128xf32, #tpu.memory_space<vmem_shared>> -> memref<10240x128xf32, #tpu.memory_space<vmem_shared>>
        tpu.enqueue_indirect_dma source(%arg18 : memref<80x128xf32, #tpu.memory_space<vmem>>) target(%dma_start3A_78 : memref<10240x128xf32, #tpu.memory_space<vmem_shared>>) offsets(%arg14 : memref<80xi32, #tpu.memory_space<vmem>>) semaphore(%run_scoped3A : memref<!tpu.dma_semaphore, #tpu.memory_space<semaphore_mem>>) {add = true}
        %dma_wait3A_79 = arith.constant 0 : i32
        %dma_wait3A_80 = arith.constant 0 : i32
        %dma_wait3A_81 = tpu.memref_slice %arg19[%dma_wait3A_79, %dma_wait3A_80] : memref<10240x128xf32, #tpu.memory_space<vmem_shared>> -> memref<10240x128xf32, #tpu.memory_space<vmem_shared>>
        tpu.wait_indirect_dma semaphore(%run_scoped3A : memref<!tpu.dma_semaphore, #tpu.memory_space<semaphore_mem>>) src(%arg18 : memref<80x128xf32, #tpu.memory_space<vmem>>) dst(%dma_wait3A_81 : memref<10240x128xf32, #tpu.memory_space<vmem_shared>>)
        tpu.yield
      }) : () -> ()
    }
    %scan3A_11 = arith.constant 31 : i32
    %dma_start3A = arith.constant 0 : i32
    %dma_start3A_12 = arith.constant 0 : i32
    %dma_start3A_13 = tpu.memref_slice %arg2[%dma_start3A, %dma_start3A_12] : memref<10000x128xf32, #tpu.memory_space<hbm>> -> memref<10000x128xf32, #tpu.memory_space<hbm>>
    tpu.enqueue_indirect_dma source(%dma_start3A_13 : memref<10000x128xf32, #tpu.memory_space<hbm>>) target(%arg15 : memref<80x128xf32, #tpu.memory_space<vmem>>) offsets(%arg7 : memref<80xi32, #tpu.memory_space<vmem>>) semaphore(%arg20 : memref<!tpu.dma_semaphore, #tpu.memory_space<semaphore_mem>>)
    %dma_wait3A = arith.constant 0 : i32
    %dma_wait3A_14 = arith.constant 0 : i32
    %dma_wait3A_15 = tpu.memref_slice %arg2[%dma_wait3A, %dma_wait3A_14] : memref<10000x128xf32, #tpu.memory_space<hbm>> -> memref<10000x128xf32, #tpu.memory_space<hbm>>
    tpu.wait_indirect_dma semaphore(%arg20 : memref<!tpu.dma_semaphore, #tpu.memory_space<semaphore_mem>>) src(%dma_wait3A_15 : memref<10000x128xf32, #tpu.memory_space<hbm>>) dst(%arg15 : memref<80x128xf32, #tpu.memory_space<vmem>>)
    "tpu.region"() ({
      %run_scoped3A = tpu.sem_alloc : memref<!tpu.dma_semaphore, #tpu.memory_space<semaphore_mem>>
      %dma_start3A_17 = arith.constant 0 : i32
      %dma_start3A_18 = arith.constant 0 : i32
      %dma_start3A_19 = tpu.memref_slice %arg19[%dma_start3A_17, %dma_start3A_18] : memref<10240x128xf32, #tpu.memory_space<vmem_shared>> -> memref<10240x128xf32, #tpu.memory_space<vmem_shared>>
      tpu.enqueue_indirect_dma source(%arg15 : memref<80x128xf32, #tpu.memory_space<vmem>>) target(%dma_start3A_19 : memref<10240x128xf32, #tpu.memory_space<vmem_shared>>) offsets(%arg8 : memref<80xi32, #tpu.memory_space<vmem>>) semaphore(%run_scoped3A : memref<!tpu.dma_semaphore, #tpu.memory_space<semaphore_mem>>) {add = true}
      %dma_wait3A_20 = arith.constant 0 : i32
      %dma_wait3A_21 = arith.constant 0 : i32
      %dma_wait3A_22 = tpu.memref_slice %arg19[%dma_wait3A_20, %dma_wait3A_21] : memref<10240x128xf32, #tpu.memory_space<vmem_shared>> -> memref<10240x128xf32, #tpu.memory_space<vmem_shared>>
      tpu.wait_indirect_dma semaphore(%run_scoped3A : memref<!tpu.dma_semaphore, #tpu.memory_space<semaphore_mem>>) src(%arg15 : memref<80x128xf32, #tpu.memory_space<vmem>>) dst(%dma_wait3A_22 : memref<10240x128xf32, #tpu.memory_space<vmem_shared>>)
      tpu.yield
    }) : () -> ()
    %barrier3A_16 = arith.constant 0 : index
    tpu.barrier barrier_id(%barrier3A_16)
    "tpu.region"() ({
      %run_scoped3A = tpu.sem_alloc : memref<!tpu.dma_semaphore, #tpu.memory_space<semaphore_mem>>
      %dma_start3A_17 = arith.constant 0 : i32
      %dma_start3A_18 = tpu.memref_slice %arg6[%arg0, %mul3A_2, %dma_start3A_17] : memref<2x10240x128xf32, #tpu.memory_space<hbm>> -> memref<1x640x128xf32, #tpu.memory_space<hbm>>
      %dma_start3A_19 = tpu.memref_squeeze %dma_start3A_18 : memref<1x640x128xf32, #tpu.memory_space<hbm>> -> memref<640x128xf32, #tpu.memory_space<hbm>>
      %dma_start3A_20 = arith.constant 0 : i32
      %dma_start3A_21 = tpu.memref_slice %arg19[%mul3A_2, %dma_start3A_20] : memref<10240x128xf32, #tpu.memory_space<vmem_shared>> -> memref<640x128xf32, #tpu.memory_space<vmem_shared>>
      tpu.enqueue_dma source(%dma_start3A_21 : memref<640x128xf32, #tpu.memory_space<vmem_shared>>) target(%dma_start3A_19 : memref<640x128xf32, #tpu.memory_space<hbm>>) target_semaphore(%run_scoped3A : memref<!tpu.dma_semaphore, #tpu.memory_space<semaphore_mem>>)
      %dma_wait3A_22 = arith.constant 0 : i32
      %dma_wait3A_23 = tpu.memref_slice %arg6[%arg0, %mul3A_2, %dma_wait3A_22] : memref<2x10240x128xf32, #tpu.memory_space<hbm>> -> memref<1x640x128xf32, #tpu.memory_space<hbm>>
      %dma_wait3A_24 = tpu.memref_squeeze %dma_wait3A_23 : memref<1x640x128xf32, #tpu.memory_space<hbm>> -> memref<640x128xf32, #tpu.memory_space<hbm>>
      %dma_wait3A_25 = arith.constant 0 : i32
      %dma_wait3A_26 = tpu.memref_slice %arg19[%mul3A_2, %dma_wait3A_25] : memref<10240x128xf32, #tpu.memory_space<vmem_shared>> -> memref<640x128xf32, #tpu.memory_space<vmem_shared>>
      tpu.wait_dma2 semaphore(%run_scoped3A : memref<!tpu.dma_semaphore, #tpu.memory_space<semaphore_mem>>) src(%dma_wait3A_26 : memref<640x128xf32, #tpu.memory_space<vmem_shared>>) dst(%dma_wait3A_24 : memref<640x128xf32, #tpu.memory_space<hbm>>)
      tpu.yield
    }) : () -> ()
    return
  }
}

#map = affine_map<(d0, d1) -> (0, 0)>
#map1 = affine_map<(d0, d1) -> (0)>
#map2 = affine_map<(d0, d1) -> (0, 0, 0)>
module attributes {stable_mosaic.version = 14 : i64} {
  func.func @_sc_segsum(%arg0: i32, %arg1: i32, %arg2: memref<10000x128xf32, #tpu.memory_space<hbm>>, %arg3: memref<320000xi32, #tpu.memory_space<hbm>>, %arg4: memref<320000xi32, #tpu.memory_space<hbm>>, %arg5: memref<10240x128xf32, #tpu.memory_space<hbm>>, %arg6: memref<2x10240x128xf32, #tpu.memory_space<hbm>>, %arg7: memref<80xi32, #tpu.memory_space<vmem>>, %arg8: memref<80xi32, #tpu.memory_space<vmem>>, %arg9: memref<80xi32, #tpu.memory_space<vmem>>, %arg10: memref<80xi32, #tpu.memory_space<vmem>>, %arg11: memref<80xi32, #tpu.memory_space<vmem>>, %arg12: memref<80xi32, #tpu.memory_space<vmem>>, %arg13: memref<80xi32, #tpu.memory_space<vmem>>, %arg14: memref<80xi32, #tpu.memory_space<vmem>>, %arg15: memref<80x128xf32, #tpu.memory_space<vmem>>, %arg16: memref<80x128xf32, #tpu.memory_space<vmem>>, %arg17: memref<80x128xf32, #tpu.memory_space<vmem>>, %arg18: memref<80x128xf32, #tpu.memory_space<vmem>>, %arg19: memref<10240x128xf32, #tpu.memory_space<vmem_shared>>, %arg20: memref<!tpu.dma_semaphore, #tpu.memory_space<semaphore_mem>>, %arg21: memref<!tpu.dma_semaphore, #tpu.memory_space<semaphore_mem>>, %arg22: memref<!tpu.dma_semaphore, #tpu.memory_space<semaphore_mem>>, %arg23: memref<!tpu.dma_semaphore, #tpu.memory_space<semaphore_mem>>) attributes {dimension_semantics = [#tpu.dimension_semantics<core_parallel>, #tpu.dimension_semantics<subcore_parallel>], iteration_bounds = array<i64: 2, 16>, scalar_prefetch = 0 : i64, scratch_operands = 17 : i64, tpu.core_type = #tpu.core_type<sc_vector_subcore>, window_params = [{transform_indices = #map}, {transform_indices = #map1}, {transform_indices = #map1}, {transform_indices = #map}, {transform_indices = #map2}]} {
    %mul3A = arith.constant 16 : i32
    %mul3A_0 = arith.muli %arg0, %mul3A : i32
    %add3A = arith.addi %mul3A_0, %arg1 : i32
    %mul3A_1 = arith.constant 640 : i32
    %mul3A_2 = arith.muli %arg1, %mul3A_1 : i32
    "tpu.region"() ({
      %run_scoped3A = tpu.sem_alloc : memref<!tpu.dma_semaphore, #tpu.memory_space<semaphore_mem>>
      %dma_start3A_17 = arith.constant 0 : i32
      %dma_start3A_18 = tpu.memref_slice %arg19[%mul3A_2, %dma_start3A_17] : memref<10240x128xf32, #tpu.memory_space<vmem_shared>> -> memref<640x128xf32, #tpu.memory_space<vmem_shared>>
      %dma_start3A_19 = arith.constant 0 : i32
      %dma_start3A_20 = tpu.memref_slice %arg5[%mul3A_2, %dma_start3A_19] : memref<10240x128xf32, #tpu.memory_space<hbm>> -> memref<640x128xf32, #tpu.memory_space<hbm>>
      tpu.enqueue_dma source(%dma_start3A_20 : memref<640x128xf32, #tpu.memory_space<hbm>>) target(%dma_start3A_18 : memref<640x128xf32, #tpu.memory_space<vmem_shared>>) target_semaphore(%run_scoped3A : memref<!tpu.dma_semaphore, #tpu.memory_space<semaphore_mem>>)
      %dma_wait3A_21 = arith.constant 0 : i32
      %dma_wait3A_22 = tpu.memref_slice %arg19[%mul3A_2, %dma_wait3A_21] : memref<10240x128xf32, #tpu.memory_space<vmem_shared>> -> memref<640x128xf32, #tpu.memory_space<vmem_shared>>
      %dma_wait3A_23 = arith.constant 0 : i32
      %dma_wait3A_24 = tpu.memref_slice %arg5[%mul3A_2, %dma_wait3A_23] : memref<10240x128xf32, #tpu.memory_space<hbm>> -> memref<640x128xf32, #tpu.memory_space<hbm>>
      tpu.wait_dma2 semaphore(%run_scoped3A : memref<!tpu.dma_semaphore, #tpu.memory_space<semaphore_mem>>) src(%dma_wait3A_24 : memref<640x128xf32, #tpu.memory_space<hbm>>) dst(%dma_wait3A_22 : memref<640x128xf32, #tpu.memory_space<vmem_shared>>)
      tpu.yield
    }) : () -> ()
    %mul3A_3 = arith.constant 10000 : i32
    %mul3A_4 = arith.muli %add3A, %mul3A_3 : i32
    %add3A_5 = arith.constant 0 : i32
    %add3A_6 = arith.addi %mul3A_4, %add3A_5 : i32
    %multiple_of3A = tpu.assume_multiple %add3A_6, 8 : i32
    "tpu.region"() ({
      %run_scoped3A = tpu.sem_alloc : memref<!tpu.dma_semaphore, #tpu.memory_space<semaphore_mem>>
      %dma_start3A_17 = tpu.memref_slice %arg3[%multiple_of3A] : memref<320000xi32, #tpu.memory_space<hbm>> -> memref<80xi32, #tpu.memory_space<hbm>>
      %dma_start3A_18 = tpu.memref_slice %arg3[%multiple_of3A] : memref<320000xi32, #tpu.memory_space<hbm>> -> memref<80xi32, #tpu.memory_space<hbm>>
      tpu.enqueue_dma source(%dma_start3A_18 : memref<80xi32, #tpu.memory_space<hbm>>) target(%arg7 : memref<80xi32, #tpu.memory_space<vmem>>) target_semaphore(%run_scoped3A : memref<!tpu.dma_semaphore, #tpu.memory_space<semaphore_mem>>)
      %dma_wait3A_19 = tpu.memref_slice %arg3[%multiple_of3A] : memref<320000xi32, #tpu.memory_space<hbm>> -> memref<80xi32, #tpu.memory_space<hbm>>
      %dma_wait3A_20 = tpu.memref_slice %arg3[%multiple_of3A] : memref<320000xi32, #tpu.memory_space<hbm>> -> memref<80xi32, #tpu.memory_space<hbm>>
      tpu.wait_dma2 semaphore(%run_scoped3A : memref<!tpu.dma_semaphore, #tpu.memory_space<semaphore_mem>>) src(%dma_wait3A_20 : memref<80xi32, #tpu.memory_space<hbm>>) dst(%arg7 : memref<80xi32, #tpu.memory_space<vmem>>)
      tpu.yield
    }) : () -> ()
    "tpu.region"() ({
      %run_scoped3A = tpu.sem_alloc : memref<!tpu.dma_semaphore, #tpu.memory_space<semaphore_mem>>
      %dma_start3A_17 = tpu.memref_slice %arg4[%multiple_of3A] : memref<320000xi32, #tpu.memory_space<hbm>> -> memref<80xi32, #tpu.memory_space<hbm>>
      %dma_start3A_18 = tpu.memref_slice %arg4[%multiple_of3A] : memref<320000xi32, #tpu.memory_space<hbm>> -> memref<80xi32, #tpu.memory_space<hbm>>
      tpu.enqueue_dma source(%dma_start3A_18 : memref<80xi32, #tpu.memory_space<hbm>>) target(%arg8 : memref<80xi32, #tpu.memory_space<vmem>>) target_semaphore(%run_scoped3A : memref<!tpu.dma_semaphore, #tpu.memory_space<semaphore_mem>>)
      %dma_wait3A_19 = tpu.memref_slice %arg4[%multiple_of3A] : memref<320000xi32, #tpu.memory_space<hbm>> -> memref<80xi32, #tpu.memory_space<hbm>>
      %dma_wait3A_20 = tpu.memref_slice %arg4[%multiple_of3A] : memref<320000xi32, #tpu.memory_space<hbm>> -> memref<80xi32, #tpu.memory_space<hbm>>
      tpu.wait_dma2 semaphore(%run_scoped3A : memref<!tpu.dma_semaphore, #tpu.memory_space<semaphore_mem>>) src(%dma_wait3A_20 : memref<80xi32, #tpu.memory_space<hbm>>) dst(%arg8 : memref<80xi32, #tpu.memory_space<vmem>>)
      tpu.yield
    }) : () -> ()
    %barrier3A = arith.constant 0 : index
    tpu.barrier barrier_id(%barrier3A)
    %scan3A = arith.constant 0 : i32
    %scan3A_7 = arith.constant 0 : i32
    %scan3A_8 = arith.constant 31 : i32
    %scan3A_9 = arith.addi %scan3A_7, %scan3A_8 : i32
    %scan3A_10 = arith.constant 1 : i32
    scf.for %scan3A_17 = %scan3A_7 to %scan3A_9 step %scan3A_10  : i32 {
      %mul3A_18 = arith.constant 4 : i32
      %mul3A_19 = arith.muli %mul3A_18, %scan3A_17 : i32
      %dma_start3A_20 = arith.constant 0 : i32
      %dma_start3A_21 = arith.constant 0 : i32
      %dma_start3A_22 = tpu.memref_slice %arg2[%dma_start3A_20, %dma_start3A_21] : memref<10000x128xf32, #tpu.memory_space<hbm>> -> memref<10000x128xf32, #tpu.memory_space<hbm>>
      tpu.enqueue_indirect_dma source(%dma_start3A_22 : memref<10000x128xf32, #tpu.memory_space<hbm>>) target(%arg15 : memref<80x128xf32, #tpu.memory_space<vmem>>) offsets(%arg7 : memref<80xi32, #tpu.memory_space<vmem>>) semaphore(%arg20 : memref<!tpu.dma_semaphore, #tpu.memory_space<semaphore_mem>>)
      %add3A_23 = arith.constant 1 : i32
      %add3A_24 = arith.addi %mul3A_19, %add3A_23 : i32
      %mul3A_25 = arith.constant 10000 : i32
      %mul3A_26 = arith.muli %add3A, %mul3A_25 : i32
      %mul3A_27 = arith.constant 80 : i32
      %mul3A_28 = arith.muli %add3A_24, %mul3A_27 : i32
      %add3A_29 = arith.addi %mul3A_26, %mul3A_28 : i32
      %multiple_of3A_30 = tpu.assume_multiple %add3A_29, 8 : i32
      "tpu.region"() ({
        %run_scoped3A = tpu.sem_alloc : memref<!tpu.dma_semaphore, #tpu.memory_space<semaphore_mem>>
        %dma_start3A_76 = tpu.memref_slice %arg3[%multiple_of3A_30] : memref<320000xi32, #tpu.memory_space<hbm>> -> memref<80xi32, #tpu.memory_space<hbm>>
        %dma_start3A_77 = tpu.memref_slice %arg3[%multiple_of3A_30] : memref<320000xi32, #tpu.memory_space<hbm>> -> memref<80xi32, #tpu.memory_space<hbm>>
        tpu.enqueue_dma source(%dma_start3A_77 : memref<80xi32, #tpu.memory_space<hbm>>) target(%arg9 : memref<80xi32, #tpu.memory_space<vmem>>) target_semaphore(%run_scoped3A : memref<!tpu.dma_semaphore, #tpu.memory_space<semaphore_mem>>)
        %dma_wait3A_78 = tpu.memref_slice %arg3[%multiple_of3A_30] : memref<320000xi32, #tpu.memory_space<hbm>> -> memref<80xi32, #tpu.memory_space<hbm>>
        %dma_wait3A_79 = tpu.memref_slice %arg3[%multiple_of3A_30] : memref<320000xi32, #tpu.memory_space<hbm>> -> memref<80xi32, #tpu.memory_space<hbm>>
        tpu.wait_dma2 semaphore(%run_scoped3A : memref<!tpu.dma_semaphore, #tpu.memory_space<semaphore_mem>>) src(%dma_wait3A_79 : memref<80xi32, #tpu.memory_space<hbm>>) dst(%arg9 : memref<80xi32, #tpu.memory_space<vmem>>)
        tpu.yield
      }) : () -> ()
      "tpu.region"() ({
        %run_scoped3A = tpu.sem_alloc : memref<!tpu.dma_semaphore, #tpu.memory_space<semaphore_mem>>
        %dma_start3A_76 = tpu.memref_slice %arg4[%multiple_of3A_30] : memref<320000xi32, #tpu.memory_space<hbm>> -> memref<80xi32, #tpu.memory_space<hbm>>
        %dma_start3A_77 = tpu.memref_slice %arg4[%multiple_of3A_30] : memref<320000xi32, #tpu.memory_space<hbm>> -> memref<80xi32, #tpu.memory_space<hbm>>
        tpu.enqueue_dma source(%dma_start3A_77 : memref<80xi32, #tpu.memory_space<hbm>>) target(%arg10 : memref<80xi32, #tpu.memory_space<vmem>>) target_semaphore(%run_scoped3A : memref<!tpu.dma_semaphore, #tpu.memory_space<semaphore_mem>>)
        %dma_wait3A_78 = tpu.memref_slice %arg4[%multiple_of3A_30] : memref<320000xi32, #tpu.memory_space<hbm>> -> memref<80xi32, #tpu.memory_space<hbm>>
        %dma_wait3A_79 = tpu.memref_slice %arg4[%multiple_of3A_30] : memref<320000xi32, #tpu.memory_space<hbm>> -> memref<80xi32, #tpu.memory_space<hbm>>
        tpu.wait_dma2 semaphore(%run_scoped3A : memref<!tpu.dma_semaphore, #tpu.memory_space<semaphore_mem>>) src(%dma_wait3A_79 : memref<80xi32, #tpu.memory_space<hbm>>) dst(%arg10 : memref<80xi32, #tpu.memory_space<vmem>>)
        tpu.yield
      }) : () -> ()
      %dma_start3A_31 = arith.constant 0 : i32
      %dma_start3A_32 = arith.constant 0 : i32
      %dma_start3A_33 = tpu.memref_slice %arg2[%dma_start3A_31, %dma_start3A_32] : memref<10000x128xf32, #tpu.memory_space<hbm>> -> memref<10000x128xf32, #tpu.memory_space<hbm>>
      tpu.enqueue_indirect_dma source(%dma_start3A_33 : memref<10000x128xf32, #tpu.memory_space<hbm>>) target(%arg16 : memref<80x128xf32, #tpu.memory_space<vmem>>) offsets(%arg9 : memref<80xi32, #tpu.memory_space<vmem>>) semaphore(%arg21 : memref<!tpu.dma_semaphore, #tpu.memory_space<semaphore_mem>>)
      %add3A_34 = arith.constant 2 : i32
      %add3A_35 = arith.addi %mul3A_19, %add3A_34 : i32
      %mul3A_36 = arith.constant 10000 : i32
      %mul3A_37 = arith.muli %add3A, %mul3A_36 : i32
      %mul3A_38 = arith.constant 80 : i32
      %mul3A_39 = arith.muli %add3A_35, %mul3A_38 : i32
      %add3A_40 = arith.addi %mul3A_37, %mul3A_39 : i32
      %multiple_of3A_41 = tpu.assume_multiple %add3A_40, 8 : i32
      "tpu.region"() ({
        %run_scoped3A = tpu.sem_alloc : memref<!tpu.dma_semaphore, #tpu.memory_space<semaphore_mem>>
        %dma_start3A_76 = tpu.memref_slice %arg3[%multiple_of3A_41] : memref<320000xi32, #tpu.memory_space<hbm>> -> memref<80xi32, #tpu.memory_space<hbm>>
        %dma_start3A_77 = tpu.memref_slice %arg3[%multiple_of3A_41] : memref<320000xi32, #tpu.memory_space<hbm>> -> memref<80xi32, #tpu.memory_space<hbm>>
        tpu.enqueue_dma source(%dma_start3A_77 : memref<80xi32, #tpu.memory_space<hbm>>) target(%arg11 : memref<80xi32, #tpu.memory_space<vmem>>) target_semaphore(%run_scoped3A : memref<!tpu.dma_semaphore, #tpu.memory_space<semaphore_mem>>)
        %dma_wait3A_78 = tpu.memref_slice %arg3[%multiple_of3A_41] : memref<320000xi32, #tpu.memory_space<hbm>> -> memref<80xi32, #tpu.memory_space<hbm>>
        %dma_wait3A_79 = tpu.memref_slice %arg3[%multiple_of3A_41] : memref<320000xi32, #tpu.memory_space<hbm>> -> memref<80xi32, #tpu.memory_space<hbm>>
        tpu.wait_dma2 semaphore(%run_scoped3A : memref<!tpu.dma_semaphore, #tpu.memory_space<semaphore_mem>>) src(%dma_wait3A_79 : memref<80xi32, #tpu.memory_space<hbm>>) dst(%arg11 : memref<80xi32, #tpu.memory_space<vmem>>)
        tpu.yield
      }) : () -> ()
      "tpu.region"() ({
        %run_scoped3A = tpu.sem_alloc : memref<!tpu.dma_semaphore, #tpu.memory_space<semaphore_mem>>
        %dma_start3A_76 = tpu.memref_slice %arg4[%multiple_of3A_41] : memref<320000xi32, #tpu.memory_space<hbm>> -> memref<80xi32, #tpu.memory_space<hbm>>
        %dma_start3A_77 = tpu.memref_slice %arg4[%multiple_of3A_41] : memref<320000xi32, #tpu.memory_space<hbm>> -> memref<80xi32, #tpu.memory_space<hbm>>
        tpu.enqueue_dma source(%dma_start3A_77 : memref<80xi32, #tpu.memory_space<hbm>>) target(%arg12 : memref<80xi32, #tpu.memory_space<vmem>>) target_semaphore(%run_scoped3A : memref<!tpu.dma_semaphore, #tpu.memory_space<semaphore_mem>>)
        %dma_wait3A_78 = tpu.memref_slice %arg4[%multiple_of3A_41] : memref<320000xi32, #tpu.memory_space<hbm>> -> memref<80xi32, #tpu.memory_space<hbm>>
        %dma_wait3A_79 = tpu.memref_slice %arg4[%multiple_of3A_41] : memref<320000xi32, #tpu.memory_space<hbm>> -> memref<80xi32, #tpu.memory_space<hbm>>
        tpu.wait_dma2 semaphore(%run_scoped3A : memref<!tpu.dma_semaphore, #tpu.memory_space<semaphore_mem>>) src(%dma_wait3A_79 : memref<80xi32, #tpu.memory_space<hbm>>) dst(%arg12 : memref<80xi32, #tpu.memory_space<vmem>>)
        tpu.yield
      }) : () -> ()
      %dma_start3A_42 = arith.constant 0 : i32
      %dma_start3A_43 = arith.constant 0 : i32
      %dma_start3A_44 = tpu.memref_slice %arg2[%dma_start3A_42, %dma_start3A_43] : memref<10000x128xf32, #tpu.memory_space<hbm>> -> memref<10000x128xf32, #tpu.memory_space<hbm>>
      tpu.enqueue_indirect_dma source(%dma_start3A_44 : memref<10000x128xf32, #tpu.memory_space<hbm>>) target(%arg17 : memref<80x128xf32, #tpu.memory_space<vmem>>) offsets(%arg11 : memref<80xi32, #tpu.memory_space<vmem>>) semaphore(%arg22 : memref<!tpu.dma_semaphore, #tpu.memory_space<semaphore_mem>>)
      %add3A_45 = arith.constant 3 : i32
      %add3A_46 = arith.addi %mul3A_19, %add3A_45 : i32
      %mul3A_47 = arith.constant 10000 : i32
      %mul3A_48 = arith.muli %add3A, %mul3A_47 : i32
      %mul3A_49 = arith.constant 80 : i32
      %mul3A_50 = arith.muli %add3A_46, %mul3A_49 : i32
      %add3A_51 = arith.addi %mul3A_48, %mul3A_50 : i32
      %multiple_of3A_52 = tpu.assume_multiple %add3A_51, 8 : i32
      "tpu.region"() ({
        %run_scoped3A = tpu.sem_alloc : memref<!tpu.dma_semaphore, #tpu.memory_space<semaphore_mem>>
        %dma_start3A_76 = tpu.memref_slice %arg3[%multiple_of3A_52] : memref<320000xi32, #tpu.memory_space<hbm>> -> memref<80xi32, #tpu.memory_space<hbm>>
        %dma_start3A_77 = tpu.memref_slice %arg3[%multiple_of3A_52] : memref<320000xi32, #tpu.memory_space<hbm>> -> memref<80xi32, #tpu.memory_space<hbm>>
        tpu.enqueue_dma source(%dma_start3A_77 : memref<80xi32, #tpu.memory_space<hbm>>) target(%arg13 : memref<80xi32, #tpu.memory_space<vmem>>) target_semaphore(%run_scoped3A : memref<!tpu.dma_semaphore, #tpu.memory_space<semaphore_mem>>)
        %dma_wait3A_78 = tpu.memref_slice %arg3[%multiple_of3A_52] : memref<320000xi32, #tpu.memory_space<hbm>> -> memref<80xi32, #tpu.memory_space<hbm>>
        %dma_wait3A_79 = tpu.memref_slice %arg3[%multiple_of3A_52] : memref<320000xi32, #tpu.memory_space<hbm>> -> memref<80xi32, #tpu.memory_space<hbm>>
        tpu.wait_dma2 semaphore(%run_scoped3A : memref<!tpu.dma_semaphore, #tpu.memory_space<semaphore_mem>>) src(%dma_wait3A_79 : memref<80xi32, #tpu.memory_space<hbm>>) dst(%arg13 : memref<80xi32, #tpu.memory_space<vmem>>)
        tpu.yield
      }) : () -> ()
      "tpu.region"() ({
        %run_scoped3A = tpu.sem_alloc : memref<!tpu.dma_semaphore, #tpu.memory_space<semaphore_mem>>
        %dma_start3A_76 = tpu.memref_slice %arg4[%multiple_of3A_52] : memref<320000xi32, #tpu.memory_space<hbm>> -> memref<80xi32, #tpu.memory_space<hbm>>
        %dma_start3A_77 = tpu.memref_slice %arg4[%multiple_of3A_52] : memref<320000xi32, #tpu.memory_space<hbm>> -> memref<80xi32, #tpu.memory_space<hbm>>
        tpu.enqueue_dma source(%dma_start3A_77 : memref<80xi32, #tpu.memory_space<hbm>>) target(%arg14 : memref<80xi32, #tpu.memory_space<vmem>>) target_semaphore(%run_scoped3A : memref<!tpu.dma_semaphore, #tpu.memory_space<semaphore_mem>>)
        %dma_wait3A_78 = tpu.memref_slice %arg4[%multiple_of3A_52] : memref<320000xi32, #tpu.memory_space<hbm>> -> memref<80xi32, #tpu.memory_space<hbm>>
        %dma_wait3A_79 = tpu.memref_slice %arg4[%multiple_of3A_52] : memref<320000xi32, #tpu.memory_space<hbm>> -> memref<80xi32, #tpu.memory_space<hbm>>
        tpu.wait_dma2 semaphore(%run_scoped3A : memref<!tpu.dma_semaphore, #tpu.memory_space<semaphore_mem>>) src(%dma_wait3A_79 : memref<80xi32, #tpu.memory_space<hbm>>) dst(%arg14 : memref<80xi32, #tpu.memory_space<vmem>>)
        tpu.yield
      }) : () -> ()
      %dma_start3A_53 = arith.constant 0 : i32
      %dma_start3A_54 = arith.constant 0 : i32
      %dma_start3A_55 = tpu.memref_slice %arg2[%dma_start3A_53, %dma_start3A_54] : memref<10000x128xf32, #tpu.memory_space<hbm>> -> memref<10000x128xf32, #tpu.memory_space<hbm>>
      tpu.enqueue_indirect_dma source(%dma_start3A_55 : memref<10000x128xf32, #tpu.memory_space<hbm>>) target(%arg18 : memref<80x128xf32, #tpu.memory_space<vmem>>) offsets(%arg13 : memref<80xi32, #tpu.memory_space<vmem>>) semaphore(%arg23 : memref<!tpu.dma_semaphore, #tpu.memory_space<semaphore_mem>>)
      %dma_wait3A_56 = arith.constant 0 : i32
      %dma_wait3A_57 = arith.constant 0 : i32
      %dma_wait3A_58 = tpu.memref_slice %arg2[%dma_wait3A_56, %dma_wait3A_57] : memref<10000x128xf32, #tpu.memory_space<hbm>> -> memref<10000x128xf32, #tpu.memory_space<hbm>>
      tpu.wait_indirect_dma semaphore(%arg20 : memref<!tpu.dma_semaphore, #tpu.memory_space<semaphore_mem>>) src(%dma_wait3A_58 : memref<10000x128xf32, #tpu.memory_space<hbm>>) dst(%arg15 : memref<80x128xf32, #tpu.memory_space<vmem>>)
      "tpu.region"() ({
        %run_scoped3A = tpu.sem_alloc : memref<!tpu.dma_semaphore, #tpu.memory_space<semaphore_mem>>
        %dma_start3A_76 = arith.constant 0 : i32
        %dma_start3A_77 = arith.constant 0 : i32
        %dma_start3A_78 = tpu.memref_slice %arg19[%dma_start3A_76, %dma_start3A_77] : memref<10240x128xf32, #tpu.memory_space<vmem_shared>> -> memref<10240x128xf32, #tpu.memory_space<vmem_shared>>
        tpu.enqueue_indirect_dma source(%arg15 : memref<80x128xf32, #tpu.memory_space<vmem>>) target(%dma_start3A_78 : memref<10240x128xf32, #tpu.memory_space<vmem_shared>>) offsets(%arg8 : memref<80xi32, #tpu.memory_space<vmem>>) semaphore(%run_scoped3A : memref<!tpu.dma_semaphore, #tpu.memory_space<semaphore_mem>>) {add = true}
        %dma_wait3A_79 = arith.constant 0 : i32
        %dma_wait3A_80 = arith.constant 0 : i32
        %dma_wait3A_81 = tpu.memref_slice %arg19[%dma_wait3A_79, %dma_wait3A_80] : memref<10240x128xf32, #tpu.memory_space<vmem_shared>> -> memref<10240x128xf32, #tpu.memory_space<vmem_shared>>
        tpu.wait_indirect_dma semaphore(%run_scoped3A : memref<!tpu.dma_semaphore, #tpu.memory_space<semaphore_mem>>) src(%arg15 : memref<80x128xf32, #tpu.memory_space<vmem>>) dst(%dma_wait3A_81 : memref<10240x128xf32, #tpu.memory_space<vmem_shared>>)
        tpu.yield
      }) : () -> ()
      %add3A_59 = arith.constant 4 : i32
      %add3A_60 = arith.addi %mul3A_19, %add3A_59 : i32
      %mul3A_61 = arith.constant 10000 : i32
      %mul3A_62 = arith.muli %add3A, %mul3A_61 : i32
      %mul3A_63 = arith.constant 80 : i32
      %mul3A_64 = arith.muli %add3A_60, %mul3A_63 : i32
      %add3A_65 = arith.addi %mul3A_62, %mul3A_64 : i32
      %multiple_of3A_66 = tpu.assume_multiple %add3A_65, 8 : i32
      "tpu.region"() ({
        %run_scoped3A = tpu.sem_alloc : memref<!tpu.dma_semaphore, #tpu.memory_space<semaphore_mem>>
        %dma_start3A_76 = tpu.memref_slice %arg3[%multiple_of3A_66] : memref<320000xi32, #tpu.memory_space<hbm>> -> memref<80xi32, #tpu.memory_space<hbm>>
        %dma_start3A_77 = tpu.memref_slice %arg3[%multiple_of3A_66] : memref<320000xi32, #tpu.memory_space<hbm>> -> memref<80xi32, #tpu.memory_space<hbm>>
        tpu.enqueue_dma source(%dma_start3A_77 : memref<80xi32, #tpu.memory_space<hbm>>) target(%arg7 : memref<80xi32, #tpu.memory_space<vmem>>) target_semaphore(%run_scoped3A : memref<!tpu.dma_semaphore, #tpu.memory_space<semaphore_mem>>)
        %dma_wait3A_78 = tpu.memref_slice %arg3[%multiple_of3A_66] : memref<320000xi32, #tpu.memory_space<hbm>> -> memref<80xi32, #tpu.memory_space<hbm>>
        %dma_wait3A_79 = tpu.memref_slice %arg3[%multiple_of3A_66] : memref<320000xi32, #tpu.memory_space<hbm>> -> memref<80xi32, #tpu.memory_space<hbm>>
        tpu.wait_dma2 semaphore(%run_scoped3A : memref<!tpu.dma_semaphore, #tpu.memory_space<semaphore_mem>>) src(%dma_wait3A_79 : memref<80xi32, #tpu.memory_space<hbm>>) dst(%arg7 : memref<80xi32, #tpu.memory_space<vmem>>)
        tpu.yield
      }) : () -> ()
      "tpu.region"() ({
        %run_scoped3A = tpu.sem_alloc : memref<!tpu.dma_semaphore, #tpu.memory_space<semaphore_mem>>
        %dma_start3A_76 = tpu.memref_slice %arg4[%multiple_of3A_66] : memref<320000xi32, #tpu.memory_space<hbm>> -> memref<80xi32, #tpu.memory_space<hbm>>
        %dma_start3A_77 = tpu.memref_slice %arg4[%multiple_of3A_66] : memref<320000xi32, #tpu.memory_space<hbm>> -> memref<80xi32, #tpu.memory_space<hbm>>
        tpu.enqueue_dma source(%dma_start3A_77 : memref<80xi32, #tpu.memory_space<hbm>>) target(%arg8 : memref<80xi32, #tpu.memory_space<vmem>>) target_semaphore(%run_scoped3A : memref<!tpu.dma_semaphore, #tpu.memory_space<semaphore_mem>>)
        %dma_wait3A_78 = tpu.memref_slice %arg4[%multiple_of3A_66] : memref<320000xi32, #tpu.memory_space<hbm>> -> memref<80xi32, #tpu.memory_space<hbm>>
        %dma_wait3A_79 = tpu.memref_slice %arg4[%multiple_of3A_66] : memref<320000xi32, #tpu.memory_space<hbm>> -> memref<80xi32, #tpu.memory_space<hbm>>
        tpu.wait_dma2 semaphore(%run_scoped3A : memref<!tpu.dma_semaphore, #tpu.memory_space<semaphore_mem>>) src(%dma_wait3A_79 : memref<80xi32, #tpu.memory_space<hbm>>) dst(%arg8 : memref<80xi32, #tpu.memory_space<vmem>>)
        tpu.yield
      }) : () -> ()
      %dma_wait3A_67 = arith.constant 0 : i32
      %dma_wait3A_68 = arith.constant 0 : i32
      %dma_wait3A_69 = tpu.memref_slice %arg2[%dma_wait3A_67, %dma_wait3A_68] : memref<10000x128xf32, #tpu.memory_space<hbm>> -> memref<10000x128xf32, #tpu.memory_space<hbm>>
      tpu.wait_indirect_dma semaphore(%arg21 : memref<!tpu.dma_semaphore, #tpu.memory_space<semaphore_mem>>) src(%dma_wait3A_69 : memref<10000x128xf32, #tpu.memory_space<hbm>>) dst(%arg16 : memref<80x128xf32, #tpu.memory_space<vmem>>)
      "tpu.region"() ({
        %run_scoped3A = tpu.sem_alloc : memref<!tpu.dma_semaphore, #tpu.memory_space<semaphore_mem>>
        %dma_start3A_76 = arith.constant 0 : i32
        %dma_start3A_77 = arith.constant 0 : i32
        %dma_start3A_78 = tpu.memref_slice %arg19[%dma_start3A_76, %dma_start3A_77] : memref<10240x128xf32, #tpu.memory_space<vmem_shared>> -> memref<10240x128xf32, #tpu.memory_space<vmem_shared>>
        tpu.enqueue_indirect_dma source(%arg16 : memref<80x128xf32, #tpu.memory_space<vmem>>) target(%dma_start3A_78 : memref<10240x128xf32, #tpu.memory_space<vmem_shared>>) offsets(%arg10 : memref<80xi32, #tpu.memory_space<vmem>>) semaphore(%run_scoped3A : memref<!tpu.dma_semaphore, #tpu.memory_space<semaphore_mem>>) {add = true}
        %dma_wait3A_79 = arith.constant 0 : i32
        %dma_wait3A_80 = arith.constant 0 : i32
        %dma_wait3A_81 = tpu.memref_slice %arg19[%dma_wait3A_79, %dma_wait3A_80] : memref<10240x128xf32, #tpu.memory_space<vmem_shared>> -> memref<10240x128xf32, #tpu.memory_space<vmem_shared>>
        tpu.wait_indirect_dma semaphore(%run_scoped3A : memref<!tpu.dma_semaphore, #tpu.memory_space<semaphore_mem>>) src(%arg16 : memref<80x128xf32, #tpu.memory_space<vmem>>) dst(%dma_wait3A_81 : memref<10240x128xf32, #tpu.memory_space<vmem_shared>>)
        tpu.yield
      }) : () -> ()
      %dma_wait3A_70 = arith.constant 0 : i32
      %dma_wait3A_71 = arith.constant 0 : i32
      %dma_wait3A_72 = tpu.memref_slice %arg2[%dma_wait3A_70, %dma_wait3A_71] : memref<10000x128xf32, #tpu.memory_space<hbm>> -> memref<10000x128xf32, #tpu.memory_space<hbm>>
      tpu.wait_indirect_dma semaphore(%arg22 : memref<!tpu.dma_semaphore, #tpu.memory_space<semaphore_mem>>) src(%dma_wait3A_72 : memref<10000x128xf32, #tpu.memory_space<hbm>>) dst(%arg17 : memref<80x128xf32, #tpu.memory_space<vmem>>)
      "tpu.region"() ({
        %run_scoped3A = tpu.sem_alloc : memref<!tpu.dma_semaphore, #tpu.memory_space<semaphore_mem>>
        %dma_start3A_76 = arith.constant 0 : i32
        %dma_start3A_77 = arith.constant 0 : i32
        %dma_start3A_78 = tpu.memref_slice %arg19[%dma_start3A_76, %dma_start3A_77] : memref<10240x128xf32, #tpu.memory_space<vmem_shared>> -> memref<10240x128xf32, #tpu.memory_space<vmem_shared>>
        tpu.enqueue_indirect_dma source(%arg17 : memref<80x128xf32, #tpu.memory_space<vmem>>) target(%dma_start3A_78 : memref<10240x128xf32, #tpu.memory_space<vmem_shared>>) offsets(%arg12 : memref<80xi32, #tpu.memory_space<vmem>>) semaphore(%run_scoped3A : memref<!tpu.dma_semaphore, #tpu.memory_space<semaphore_mem>>) {add = true}
        %dma_wait3A_79 = arith.constant 0 : i32
        %dma_wait3A_80 = arith.constant 0 : i32
        %dma_wait3A_81 = tpu.memref_slice %arg19[%dma_wait3A_79, %dma_wait3A_80] : memref<10240x128xf32, #tpu.memory_space<vmem_shared>> -> memref<10240x128xf32, #tpu.memory_space<vmem_shared>>
        tpu.wait_indirect_dma semaphore(%run_scoped3A : memref<!tpu.dma_semaphore, #tpu.memory_space<semaphore_mem>>) src(%arg17 : memref<80x128xf32, #tpu.memory_space<vmem>>) dst(%dma_wait3A_81 : memref<10240x128xf32, #tpu.memory_space<vmem_shared>>)
        tpu.yield
      }) : () -> ()
      %dma_wait3A_73 = arith.constant 0 : i32
      %dma_wait3A_74 = arith.constant 0 : i32
      %dma_wait3A_75 = tpu.memref_slice %arg2[%dma_wait3A_73, %dma_wait3A_74] : memref<10000x128xf32, #tpu.memory_space<hbm>> -> memref<10000x128xf32, #tpu.memory_space<hbm>>
      tpu.wait_indirect_dma semaphore(%arg23 : memref<!tpu.dma_semaphore, #tpu.memory_space<semaphore_mem>>) src(%dma_wait3A_75 : memref<10000x128xf32, #tpu.memory_space<hbm>>) dst(%arg18 : memref<80x128xf32, #tpu.memory_space<vmem>>)
      "tpu.region"() ({
        %run_scoped3A = tpu.sem_alloc : memref<!tpu.dma_semaphore, #tpu.memory_space<semaphore_mem>>
        %dma_start3A_76 = arith.constant 0 : i32
        %dma_start3A_77 = arith.constant 0 : i32
        %dma_start3A_78 = tpu.memref_slice %arg19[%dma_start3A_76, %dma_start3A_77] : memref<10240x128xf32, #tpu.memory_space<vmem_shared>> -> memref<10240x128xf32, #tpu.memory_space<vmem_shared>>
        tpu.enqueue_indirect_dma source(%arg18 : memref<80x128xf32, #tpu.memory_space<vmem>>) target(%dma_start3A_78 : memref<10240x128xf32, #tpu.memory_space<vmem_shared>>) offsets(%arg14 : memref<80xi32, #tpu.memory_space<vmem>>) semaphore(%run_scoped3A : memref<!tpu.dma_semaphore, #tpu.memory_space<semaphore_mem>>) {add = true}
        %dma_wait3A_79 = arith.constant 0 : i32
        %dma_wait3A_80 = arith.constant 0 : i32
        %dma_wait3A_81 = tpu.memref_slice %arg19[%dma_wait3A_79, %dma_wait3A_80] : memref<10240x128xf32, #tpu.memory_space<vmem_shared>> -> memref<10240x128xf32, #tpu.memory_space<vmem_shared>>
        tpu.wait_indirect_dma semaphore(%run_scoped3A : memref<!tpu.dma_semaphore, #tpu.memory_space<semaphore_mem>>) src(%arg18 : memref<80x128xf32, #tpu.memory_space<vmem>>) dst(%dma_wait3A_81 : memref<10240x128xf32, #tpu.memory_space<vmem_shared>>)
        tpu.yield
      }) : () -> ()
    }
    %scan3A_11 = arith.constant 31 : i32
    %dma_start3A = arith.constant 0 : i32
    %dma_start3A_12 = arith.constant 0 : i32
    %dma_start3A_13 = tpu.memref_slice %arg2[%dma_start3A, %dma_start3A_12] : memref<10000x128xf32, #tpu.memory_space<hbm>> -> memref<10000x128xf32, #tpu.memory_space<hbm>>
    tpu.enqueue_indirect_dma source(%dma_start3A_13 : memref<10000x128xf32, #tpu.memory_space<hbm>>) target(%arg15 : memref<80x128xf32, #tpu.memory_space<vmem>>) offsets(%arg7 : memref<80xi32, #tpu.memory_space<vmem>>) semaphore(%arg20 : memref<!tpu.dma_semaphore, #tpu.memory_space<semaphore_mem>>)
    %dma_wait3A = arith.constant 0 : i32
    %dma_wait3A_14 = arith.constant 0 : i32
    %dma_wait3A_15 = tpu.memref_slice %arg2[%dma_wait3A, %dma_wait3A_14] : memref<10000x128xf32, #tpu.memory_space<hbm>> -> memref<10000x128xf32, #tpu.memory_space<hbm>>
    tpu.wait_indirect_dma semaphore(%arg20 : memref<!tpu.dma_semaphore, #tpu.memory_space<semaphore_mem>>) src(%dma_wait3A_15 : memref<10000x128xf32, #tpu.memory_space<hbm>>) dst(%arg15 : memref<80x128xf32, #tpu.memory_space<vmem>>)
    "tpu.region"() ({
      %run_scoped3A = tpu.sem_alloc : memref<!tpu.dma_semaphore, #tpu.memory_space<semaphore_mem>>
      %dma_start3A_17 = arith.constant 0 : i32
      %dma_start3A_18 = arith.constant 0 : i32
      %dma_start3A_19 = tpu.memref_slice %arg19[%dma_start3A_17, %dma_start3A_18] : memref<10240x128xf32, #tpu.memory_space<vmem_shared>> -> memref<10240x128xf32, #tpu.memory_space<vmem_shared>>
      tpu.enqueue_indirect_dma source(%arg15 : memref<80x128xf32, #tpu.memory_space<vmem>>) target(%dma_start3A_19 : memref<10240x128xf32, #tpu.memory_space<vmem_shared>>) offsets(%arg8 : memref<80xi32, #tpu.memory_space<vmem>>) semaphore(%run_scoped3A : memref<!tpu.dma_semaphore, #tpu.memory_space<semaphore_mem>>) {add = true}
      %dma_wait3A_20 = arith.constant 0 : i32
      %dma_wait3A_21 = arith.constant 0 : i32
      %dma_wait3A_22 = tpu.memref_slice %arg19[%dma_wait3A_20, %dma_wait3A_21] : memref<10240x128xf32, #tpu.memory_space<vmem_shared>> -> memref<10240x128xf32, #tpu.memory_space<vmem_shared>>
      tpu.wait_indirect_dma semaphore(%run_scoped3A : memref<!tpu.dma_semaphore, #tpu.memory_space<semaphore_mem>>) src(%arg15 : memref<80x128xf32, #tpu.memory_space<vmem>>) dst(%dma_wait3A_22 : memref<10240x128xf32, #tpu.memory_space<vmem_shared>>)
      tpu.yield
    }) : () -> ()
    %barrier3A_16 = arith.constant 0 : index
    tpu.barrier barrier_id(%barrier3A_16)
    "tpu.region"() ({
      %run_scoped3A = tpu.sem_alloc : memref<!tpu.dma_semaphore, #tpu.memory_space<semaphore_mem>>
      %dma_start3A_17 = arith.constant 0 : i32
      %dma_start3A_18 = tpu.memref_slice %arg6[%arg0, %mul3A_2, %dma_start3A_17] : memref<2x10240x128xf32, #tpu.memory_space<hbm>> -> memref<1x640x128xf32, #tpu.memory_space<hbm>>
      %dma_start3A_19 = tpu.memref_squeeze %dma_start3A_18 : memref<1x640x128xf32, #tpu.memory_space<hbm>> -> memref<640x128xf32, #tpu.memory_space<hbm>>
      %dma_start3A_20 = arith.constant 0 : i32
      %dma_start3A_21 = tpu.memref_slice %arg19[%mul3A_2, %dma_start3A_20] : memref<10240x128xf32, #tpu.memory_space<vmem_shared>> -> memref<640x128xf32, #tpu.memory_space<vmem_shared>>
      tpu.enqueue_dma source(%dma_start3A_21 : memref<640x128xf32, #tpu.memory_space<vmem_shared>>) target(%dma_start3A_19 : memref<640x128xf32, #tpu.memory_space<hbm>>) target_semaphore(%run_scoped3A : memref<!tpu.dma_semaphore, #tpu.memory_space<semaphore_mem>>)
      %dma_wait3A_22 = arith.constant 0 : i32
      %dma_wait3A_23 = tpu.memref_slice %arg6[%arg0, %mul3A_2, %dma_wait3A_22] : memref<2x10240x128xf32, #tpu.memory_space<hbm>> -> memref<1x640x128xf32, #tpu.memory_space<hbm>>
      %dma_wait3A_24 = tpu.memref_squeeze %dma_wait3A_23 : memref<1x640x128xf32, #tpu.memory_space<hbm>> -> memref<640x128xf32, #tpu.memory_space<hbm>>
      %dma_wait3A_25 = arith.constant 0 : i32
      %dma_wait3A_26 = tpu.memref_slice %arg19[%mul3A_2, %dma_wait3A_25] : memref<10240x128xf32, #tpu.memory_space<vmem_shared>> -> memref<640x128xf32, #tpu.memory_space<vmem_shared>>
      tpu.wait_dma2 semaphore(%run_scoped3A : memref<!tpu.dma_semaphore, #tpu.memory_space<semaphore_mem>>) src(%dma_wait3A_26 : memref<640x128xf32, #tpu.memory_space<vmem_shared>>) dst(%dma_wait3A_24 : memref<640x128xf32, #tpu.memory_space<hbm>>)
      tpu.yield
    }) : () -> ()
    return
  }
}

#map = affine_map<(d0, d1) -> (0, 0)>
#map1 = affine_map<(d0, d1) -> (0)>
#map2 = affine_map<(d0, d1) -> (0, 0, 0)>
module attributes {stable_mosaic.version = 14 : i64} {
  func.func @_sc_segsum(%arg0: i32, %arg1: i32, %arg2: memref<10000x128xf32, #tpu.memory_space<hbm>>, %arg3: memref<320000xi32, #tpu.memory_space<hbm>>, %arg4: memref<320000xi32, #tpu.memory_space<hbm>>, %arg5: memref<10240x128xf32, #tpu.memory_space<hbm>>, %arg6: memref<2x10240x128xf32, #tpu.memory_space<hbm>>, %arg7: memref<80xi32, #tpu.memory_space<vmem>>, %arg8: memref<80xi32, #tpu.memory_space<vmem>>, %arg9: memref<80xi32, #tpu.memory_space<vmem>>, %arg10: memref<80xi32, #tpu.memory_space<vmem>>, %arg11: memref<80xi32, #tpu.memory_space<vmem>>, %arg12: memref<80xi32, #tpu.memory_space<vmem>>, %arg13: memref<80xi32, #tpu.memory_space<vmem>>, %arg14: memref<80xi32, #tpu.memory_space<vmem>>, %arg15: memref<80x128xf32, #tpu.memory_space<vmem>>, %arg16: memref<80x128xf32, #tpu.memory_space<vmem>>, %arg17: memref<80x128xf32, #tpu.memory_space<vmem>>, %arg18: memref<80x128xf32, #tpu.memory_space<vmem>>, %arg19: memref<10240x128xf32, #tpu.memory_space<vmem_shared>>, %arg20: memref<!tpu.dma_semaphore, #tpu.memory_space<semaphore_mem>>, %arg21: memref<!tpu.dma_semaphore, #tpu.memory_space<semaphore_mem>>, %arg22: memref<!tpu.dma_semaphore, #tpu.memory_space<semaphore_mem>>, %arg23: memref<!tpu.dma_semaphore, #tpu.memory_space<semaphore_mem>>) attributes {dimension_semantics = [#tpu.dimension_semantics<core_parallel>, #tpu.dimension_semantics<subcore_parallel>], iteration_bounds = array<i64: 2, 16>, scalar_prefetch = 0 : i64, scratch_operands = 17 : i64, tpu.core_type = #tpu.core_type<sc_vector_subcore>, window_params = [{transform_indices = #map}, {transform_indices = #map1}, {transform_indices = #map1}, {transform_indices = #map}, {transform_indices = #map2}]} {
    %mul3A = arith.constant 16 : i32
    %mul3A_0 = arith.muli %arg0, %mul3A : i32
    %add3A = arith.addi %mul3A_0, %arg1 : i32
    %mul3A_1 = arith.constant 640 : i32
    %mul3A_2 = arith.muli %arg1, %mul3A_1 : i32
    "tpu.region"() ({
      %run_scoped3A = tpu.sem_alloc : memref<!tpu.dma_semaphore, #tpu.memory_space<semaphore_mem>>
      %dma_start3A_17 = arith.constant 0 : i32
      %dma_start3A_18 = tpu.memref_slice %arg19[%mul3A_2, %dma_start3A_17] : memref<10240x128xf32, #tpu.memory_space<vmem_shared>> -> memref<640x128xf32, #tpu.memory_space<vmem_shared>>
      %dma_start3A_19 = arith.constant 0 : i32
      %dma_start3A_20 = tpu.memref_slice %arg5[%mul3A_2, %dma_start3A_19] : memref<10240x128xf32, #tpu.memory_space<hbm>> -> memref<640x128xf32, #tpu.memory_space<hbm>>
      tpu.enqueue_dma source(%dma_start3A_20 : memref<640x128xf32, #tpu.memory_space<hbm>>) target(%dma_start3A_18 : memref<640x128xf32, #tpu.memory_space<vmem_shared>>) target_semaphore(%run_scoped3A : memref<!tpu.dma_semaphore, #tpu.memory_space<semaphore_mem>>)
      %dma_wait3A_21 = arith.constant 0 : i32
      %dma_wait3A_22 = tpu.memref_slice %arg19[%mul3A_2, %dma_wait3A_21] : memref<10240x128xf32, #tpu.memory_space<vmem_shared>> -> memref<640x128xf32, #tpu.memory_space<vmem_shared>>
      %dma_wait3A_23 = arith.constant 0 : i32
      %dma_wait3A_24 = tpu.memref_slice %arg5[%mul3A_2, %dma_wait3A_23] : memref<10240x128xf32, #tpu.memory_space<hbm>> -> memref<640x128xf32, #tpu.memory_space<hbm>>
      tpu.wait_dma2 semaphore(%run_scoped3A : memref<!tpu.dma_semaphore, #tpu.memory_space<semaphore_mem>>) src(%dma_wait3A_24 : memref<640x128xf32, #tpu.memory_space<hbm>>) dst(%dma_wait3A_22 : memref<640x128xf32, #tpu.memory_space<vmem_shared>>)
      tpu.yield
    }) : () -> ()
    %mul3A_3 = arith.constant 10000 : i32
    %mul3A_4 = arith.muli %add3A, %mul3A_3 : i32
    %add3A_5 = arith.constant 0 : i32
    %add3A_6 = arith.addi %mul3A_4, %add3A_5 : i32
    %multiple_of3A = tpu.assume_multiple %add3A_6, 8 : i32
    "tpu.region"() ({
      %run_scoped3A = tpu.sem_alloc : memref<!tpu.dma_semaphore, #tpu.memory_space<semaphore_mem>>
      %dma_start3A_17 = tpu.memref_slice %arg3[%multiple_of3A] : memref<320000xi32, #tpu.memory_space<hbm>> -> memref<80xi32, #tpu.memory_space<hbm>>
      %dma_start3A_18 = tpu.memref_slice %arg3[%multiple_of3A] : memref<320000xi32, #tpu.memory_space<hbm>> -> memref<80xi32, #tpu.memory_space<hbm>>
      tpu.enqueue_dma source(%dma_start3A_18 : memref<80xi32, #tpu.memory_space<hbm>>) target(%arg7 : memref<80xi32, #tpu.memory_space<vmem>>) target_semaphore(%run_scoped3A : memref<!tpu.dma_semaphore, #tpu.memory_space<semaphore_mem>>)
      %dma_wait3A_19 = tpu.memref_slice %arg3[%multiple_of3A] : memref<320000xi32, #tpu.memory_space<hbm>> -> memref<80xi32, #tpu.memory_space<hbm>>
      %dma_wait3A_20 = tpu.memref_slice %arg3[%multiple_of3A] : memref<320000xi32, #tpu.memory_space<hbm>> -> memref<80xi32, #tpu.memory_space<hbm>>
      tpu.wait_dma2 semaphore(%run_scoped3A : memref<!tpu.dma_semaphore, #tpu.memory_space<semaphore_mem>>) src(%dma_wait3A_20 : memref<80xi32, #tpu.memory_space<hbm>>) dst(%arg7 : memref<80xi32, #tpu.memory_space<vmem>>)
      tpu.yield
    }) : () -> ()
    "tpu.region"() ({
      %run_scoped3A = tpu.sem_alloc : memref<!tpu.dma_semaphore, #tpu.memory_space<semaphore_mem>>
      %dma_start3A_17 = tpu.memref_slice %arg4[%multiple_of3A] : memref<320000xi32, #tpu.memory_space<hbm>> -> memref<80xi32, #tpu.memory_space<hbm>>
      %dma_start3A_18 = tpu.memref_slice %arg4[%multiple_of3A] : memref<320000xi32, #tpu.memory_space<hbm>> -> memref<80xi32, #tpu.memory_space<hbm>>
      tpu.enqueue_dma source(%dma_start3A_18 : memref<80xi32, #tpu.memory_space<hbm>>) target(%arg8 : memref<80xi32, #tpu.memory_space<vmem>>) target_semaphore(%run_scoped3A : memref<!tpu.dma_semaphore, #tpu.memory_space<semaphore_mem>>)
      %dma_wait3A_19 = tpu.memref_slice %arg4[%multiple_of3A] : memref<320000xi32, #tpu.memory_space<hbm>> -> memref<80xi32, #tpu.memory_space<hbm>>
      %dma_wait3A_20 = tpu.memref_slice %arg4[%multiple_of3A] : memref<320000xi32, #tpu.memory_space<hbm>> -> memref<80xi32, #tpu.memory_space<hbm>>
      tpu.wait_dma2 semaphore(%run_scoped3A : memref<!tpu.dma_semaphore, #tpu.memory_space<semaphore_mem>>) src(%dma_wait3A_20 : memref<80xi32, #tpu.memory_space<hbm>>) dst(%arg8 : memref<80xi32, #tpu.memory_space<vmem>>)
      tpu.yield
    }) : () -> ()
    %barrier3A = arith.constant 0 : index
    tpu.barrier barrier_id(%barrier3A)
    %scan3A = arith.constant 0 : i32
    %scan3A_7 = arith.constant 0 : i32
    %scan3A_8 = arith.constant 31 : i32
    %scan3A_9 = arith.addi %scan3A_7, %scan3A_8 : i32
    %scan3A_10 = arith.constant 1 : i32
    scf.for %scan3A_17 = %scan3A_7 to %scan3A_9 step %scan3A_10  : i32 {
      %mul3A_18 = arith.constant 4 : i32
      %mul3A_19 = arith.muli %mul3A_18, %scan3A_17 : i32
      %dma_start3A_20 = arith.constant 0 : i32
      %dma_start3A_21 = arith.constant 0 : i32
      %dma_start3A_22 = tpu.memref_slice %arg2[%dma_start3A_20, %dma_start3A_21] : memref<10000x128xf32, #tpu.memory_space<hbm>> -> memref<10000x128xf32, #tpu.memory_space<hbm>>
      tpu.enqueue_indirect_dma source(%dma_start3A_22 : memref<10000x128xf32, #tpu.memory_space<hbm>>) target(%arg15 : memref<80x128xf32, #tpu.memory_space<vmem>>) offsets(%arg7 : memref<80xi32, #tpu.memory_space<vmem>>) semaphore(%arg20 : memref<!tpu.dma_semaphore, #tpu.memory_space<semaphore_mem>>)
      %add3A_23 = arith.constant 1 : i32
      %add3A_24 = arith.addi %mul3A_19, %add3A_23 : i32
      %mul3A_25 = arith.constant 10000 : i32
      %mul3A_26 = arith.muli %add3A, %mul3A_25 : i32
      %mul3A_27 = arith.constant 80 : i32
      %mul3A_28 = arith.muli %add3A_24, %mul3A_27 : i32
      %add3A_29 = arith.addi %mul3A_26, %mul3A_28 : i32
      %multiple_of3A_30 = tpu.assume_multiple %add3A_29, 8 : i32
      "tpu.region"() ({
        %run_scoped3A = tpu.sem_alloc : memref<!tpu.dma_semaphore, #tpu.memory_space<semaphore_mem>>
        %dma_start3A_76 = tpu.memref_slice %arg3[%multiple_of3A_30] : memref<320000xi32, #tpu.memory_space<hbm>> -> memref<80xi32, #tpu.memory_space<hbm>>
        %dma_start3A_77 = tpu.memref_slice %arg3[%multiple_of3A_30] : memref<320000xi32, #tpu.memory_space<hbm>> -> memref<80xi32, #tpu.memory_space<hbm>>
        tpu.enqueue_dma source(%dma_start3A_77 : memref<80xi32, #tpu.memory_space<hbm>>) target(%arg9 : memref<80xi32, #tpu.memory_space<vmem>>) target_semaphore(%run_scoped3A : memref<!tpu.dma_semaphore, #tpu.memory_space<semaphore_mem>>)
        %dma_wait3A_78 = tpu.memref_slice %arg3[%multiple_of3A_30] : memref<320000xi32, #tpu.memory_space<hbm>> -> memref<80xi32, #tpu.memory_space<hbm>>
        %dma_wait3A_79 = tpu.memref_slice %arg3[%multiple_of3A_30] : memref<320000xi32, #tpu.memory_space<hbm>> -> memref<80xi32, #tpu.memory_space<hbm>>
        tpu.wait_dma2 semaphore(%run_scoped3A : memref<!tpu.dma_semaphore, #tpu.memory_space<semaphore_mem>>) src(%dma_wait3A_79 : memref<80xi32, #tpu.memory_space<hbm>>) dst(%arg9 : memref<80xi32, #tpu.memory_space<vmem>>)
        tpu.yield
      }) : () -> ()
      "tpu.region"() ({
        %run_scoped3A = tpu.sem_alloc : memref<!tpu.dma_semaphore, #tpu.memory_space<semaphore_mem>>
        %dma_start3A_76 = tpu.memref_slice %arg4[%multiple_of3A_30] : memref<320000xi32, #tpu.memory_space<hbm>> -> memref<80xi32, #tpu.memory_space<hbm>>
        %dma_start3A_77 = tpu.memref_slice %arg4[%multiple_of3A_30] : memref<320000xi32, #tpu.memory_space<hbm>> -> memref<80xi32, #tpu.memory_space<hbm>>
        tpu.enqueue_dma source(%dma_start3A_77 : memref<80xi32, #tpu.memory_space<hbm>>) target(%arg10 : memref<80xi32, #tpu.memory_space<vmem>>) target_semaphore(%run_scoped3A : memref<!tpu.dma_semaphore, #tpu.memory_space<semaphore_mem>>)
        %dma_wait3A_78 = tpu.memref_slice %arg4[%multiple_of3A_30] : memref<320000xi32, #tpu.memory_space<hbm>> -> memref<80xi32, #tpu.memory_space<hbm>>
        %dma_wait3A_79 = tpu.memref_slice %arg4[%multiple_of3A_30] : memref<320000xi32, #tpu.memory_space<hbm>> -> memref<80xi32, #tpu.memory_space<hbm>>
        tpu.wait_dma2 semaphore(%run_scoped3A : memref<!tpu.dma_semaphore, #tpu.memory_space<semaphore_mem>>) src(%dma_wait3A_79 : memref<80xi32, #tpu.memory_space<hbm>>) dst(%arg10 : memref<80xi32, #tpu.memory_space<vmem>>)
        tpu.yield
      }) : () -> ()
      %dma_start3A_31 = arith.constant 0 : i32
      %dma_start3A_32 = arith.constant 0 : i32
      %dma_start3A_33 = tpu.memref_slice %arg2[%dma_start3A_31, %dma_start3A_32] : memref<10000x128xf32, #tpu.memory_space<hbm>> -> memref<10000x128xf32, #tpu.memory_space<hbm>>
      tpu.enqueue_indirect_dma source(%dma_start3A_33 : memref<10000x128xf32, #tpu.memory_space<hbm>>) target(%arg16 : memref<80x128xf32, #tpu.memory_space<vmem>>) offsets(%arg9 : memref<80xi32, #tpu.memory_space<vmem>>) semaphore(%arg21 : memref<!tpu.dma_semaphore, #tpu.memory_space<semaphore_mem>>)
      %add3A_34 = arith.constant 2 : i32
      %add3A_35 = arith.addi %mul3A_19, %add3A_34 : i32
      %mul3A_36 = arith.constant 10000 : i32
      %mul3A_37 = arith.muli %add3A, %mul3A_36 : i32
      %mul3A_38 = arith.constant 80 : i32
      %mul3A_39 = arith.muli %add3A_35, %mul3A_38 : i32
      %add3A_40 = arith.addi %mul3A_37, %mul3A_39 : i32
      %multiple_of3A_41 = tpu.assume_multiple %add3A_40, 8 : i32
      "tpu.region"() ({
        %run_scoped3A = tpu.sem_alloc : memref<!tpu.dma_semaphore, #tpu.memory_space<semaphore_mem>>
        %dma_start3A_76 = tpu.memref_slice %arg3[%multiple_of3A_41] : memref<320000xi32, #tpu.memory_space<hbm>> -> memref<80xi32, #tpu.memory_space<hbm>>
        %dma_start3A_77 = tpu.memref_slice %arg3[%multiple_of3A_41] : memref<320000xi32, #tpu.memory_space<hbm>> -> memref<80xi32, #tpu.memory_space<hbm>>
        tpu.enqueue_dma source(%dma_start3A_77 : memref<80xi32, #tpu.memory_space<hbm>>) target(%arg11 : memref<80xi32, #tpu.memory_space<vmem>>) target_semaphore(%run_scoped3A : memref<!tpu.dma_semaphore, #tpu.memory_space<semaphore_mem>>)
        %dma_wait3A_78 = tpu.memref_slice %arg3[%multiple_of3A_41] : memref<320000xi32, #tpu.memory_space<hbm>> -> memref<80xi32, #tpu.memory_space<hbm>>
        %dma_wait3A_79 = tpu.memref_slice %arg3[%multiple_of3A_41] : memref<320000xi32, #tpu.memory_space<hbm>> -> memref<80xi32, #tpu.memory_space<hbm>>
        tpu.wait_dma2 semaphore(%run_scoped3A : memref<!tpu.dma_semaphore, #tpu.memory_space<semaphore_mem>>) src(%dma_wait3A_79 : memref<80xi32, #tpu.memory_space<hbm>>) dst(%arg11 : memref<80xi32, #tpu.memory_space<vmem>>)
        tpu.yield
      }) : () -> ()
      "tpu.region"() ({
        %run_scoped3A = tpu.sem_alloc : memref<!tpu.dma_semaphore, #tpu.memory_space<semaphore_mem>>
        %dma_start3A_76 = tpu.memref_slice %arg4[%multiple_of3A_41] : memref<320000xi32, #tpu.memory_space<hbm>> -> memref<80xi32, #tpu.memory_space<hbm>>
        %dma_start3A_77 = tpu.memref_slice %arg4[%multiple_of3A_41] : memref<320000xi32, #tpu.memory_space<hbm>> -> memref<80xi32, #tpu.memory_space<hbm>>
        tpu.enqueue_dma source(%dma_start3A_77 : memref<80xi32, #tpu.memory_space<hbm>>) target(%arg12 : memref<80xi32, #tpu.memory_space<vmem>>) target_semaphore(%run_scoped3A : memref<!tpu.dma_semaphore, #tpu.memory_space<semaphore_mem>>)
        %dma_wait3A_78 = tpu.memref_slice %arg4[%multiple_of3A_41] : memref<320000xi32, #tpu.memory_space<hbm>> -> memref<80xi32, #tpu.memory_space<hbm>>
        %dma_wait3A_79 = tpu.memref_slice %arg4[%multiple_of3A_41] : memref<320000xi32, #tpu.memory_space<hbm>> -> memref<80xi32, #tpu.memory_space<hbm>>
        tpu.wait_dma2 semaphore(%run_scoped3A : memref<!tpu.dma_semaphore, #tpu.memory_space<semaphore_mem>>) src(%dma_wait3A_79 : memref<80xi32, #tpu.memory_space<hbm>>) dst(%arg12 : memref<80xi32, #tpu.memory_space<vmem>>)
        tpu.yield
      }) : () -> ()
      %dma_start3A_42 = arith.constant 0 : i32
      %dma_start3A_43 = arith.constant 0 : i32
      %dma_start3A_44 = tpu.memref_slice %arg2[%dma_start3A_42, %dma_start3A_43] : memref<10000x128xf32, #tpu.memory_space<hbm>> -> memref<10000x128xf32, #tpu.memory_space<hbm>>
      tpu.enqueue_indirect_dma source(%dma_start3A_44 : memref<10000x128xf32, #tpu.memory_space<hbm>>) target(%arg17 : memref<80x128xf32, #tpu.memory_space<vmem>>) offsets(%arg11 : memref<80xi32, #tpu.memory_space<vmem>>) semaphore(%arg22 : memref<!tpu.dma_semaphore, #tpu.memory_space<semaphore_mem>>)
      %add3A_45 = arith.constant 3 : i32
      %add3A_46 = arith.addi %mul3A_19, %add3A_45 : i32
      %mul3A_47 = arith.constant 10000 : i32
      %mul3A_48 = arith.muli %add3A, %mul3A_47 : i32
      %mul3A_49 = arith.constant 80 : i32
      %mul3A_50 = arith.muli %add3A_46, %mul3A_49 : i32
      %add3A_51 = arith.addi %mul3A_48, %mul3A_50 : i32
      %multiple_of3A_52 = tpu.assume_multiple %add3A_51, 8 : i32
      "tpu.region"() ({
        %run_scoped3A = tpu.sem_alloc : memref<!tpu.dma_semaphore, #tpu.memory_space<semaphore_mem>>
        %dma_start3A_76 = tpu.memref_slice %arg3[%multiple_of3A_52] : memref<320000xi32, #tpu.memory_space<hbm>> -> memref<80xi32, #tpu.memory_space<hbm>>
        %dma_start3A_77 = tpu.memref_slice %arg3[%multiple_of3A_52] : memref<320000xi32, #tpu.memory_space<hbm>> -> memref<80xi32, #tpu.memory_space<hbm>>
        tpu.enqueue_dma source(%dma_start3A_77 : memref<80xi32, #tpu.memory_space<hbm>>) target(%arg13 : memref<80xi32, #tpu.memory_space<vmem>>) target_semaphore(%run_scoped3A : memref<!tpu.dma_semaphore, #tpu.memory_space<semaphore_mem>>)
        %dma_wait3A_78 = tpu.memref_slice %arg3[%multiple_of3A_52] : memref<320000xi32, #tpu.memory_space<hbm>> -> memref<80xi32, #tpu.memory_space<hbm>>
        %dma_wait3A_79 = tpu.memref_slice %arg3[%multiple_of3A_52] : memref<320000xi32, #tpu.memory_space<hbm>> -> memref<80xi32, #tpu.memory_space<hbm>>
        tpu.wait_dma2 semaphore(%run_scoped3A : memref<!tpu.dma_semaphore, #tpu.memory_space<semaphore_mem>>) src(%dma_wait3A_79 : memref<80xi32, #tpu.memory_space<hbm>>) dst(%arg13 : memref<80xi32, #tpu.memory_space<vmem>>)
        tpu.yield
      }) : () -> ()
      "tpu.region"() ({
        %run_scoped3A = tpu.sem_alloc : memref<!tpu.dma_semaphore, #tpu.memory_space<semaphore_mem>>
        %dma_start3A_76 = tpu.memref_slice %arg4[%multiple_of3A_52] : memref<320000xi32, #tpu.memory_space<hbm>> -> memref<80xi32, #tpu.memory_space<hbm>>
        %dma_start3A_77 = tpu.memref_slice %arg4[%multiple_of3A_52] : memref<320000xi32, #tpu.memory_space<hbm>> -> memref<80xi32, #tpu.memory_space<hbm>>
        tpu.enqueue_dma source(%dma_start3A_77 : memref<80xi32, #tpu.memory_space<hbm>>) target(%arg14 : memref<80xi32, #tpu.memory_space<vmem>>) target_semaphore(%run_scoped3A : memref<!tpu.dma_semaphore, #tpu.memory_space<semaphore_mem>>)
        %dma_wait3A_78 = tpu.memref_slice %arg4[%multiple_of3A_52] : memref<320000xi32, #tpu.memory_space<hbm>> -> memref<80xi32, #tpu.memory_space<hbm>>
        %dma_wait3A_79 = tpu.memref_slice %arg4[%multiple_of3A_52] : memref<320000xi32, #tpu.memory_space<hbm>> -> memref<80xi32, #tpu.memory_space<hbm>>
        tpu.wait_dma2 semaphore(%run_scoped3A : memref<!tpu.dma_semaphore, #tpu.memory_space<semaphore_mem>>) src(%dma_wait3A_79 : memref<80xi32, #tpu.memory_space<hbm>>) dst(%arg14 : memref<80xi32, #tpu.memory_space<vmem>>)
        tpu.yield
      }) : () -> ()
      %dma_start3A_53 = arith.constant 0 : i32
      %dma_start3A_54 = arith.constant 0 : i32
      %dma_start3A_55 = tpu.memref_slice %arg2[%dma_start3A_53, %dma_start3A_54] : memref<10000x128xf32, #tpu.memory_space<hbm>> -> memref<10000x128xf32, #tpu.memory_space<hbm>>
      tpu.enqueue_indirect_dma source(%dma_start3A_55 : memref<10000x128xf32, #tpu.memory_space<hbm>>) target(%arg18 : memref<80x128xf32, #tpu.memory_space<vmem>>) offsets(%arg13 : memref<80xi32, #tpu.memory_space<vmem>>) semaphore(%arg23 : memref<!tpu.dma_semaphore, #tpu.memory_space<semaphore_mem>>)
      %dma_wait3A_56 = arith.constant 0 : i32
      %dma_wait3A_57 = arith.constant 0 : i32
      %dma_wait3A_58 = tpu.memref_slice %arg2[%dma_wait3A_56, %dma_wait3A_57] : memref<10000x128xf32, #tpu.memory_space<hbm>> -> memref<10000x128xf32, #tpu.memory_space<hbm>>
      tpu.wait_indirect_dma semaphore(%arg20 : memref<!tpu.dma_semaphore, #tpu.memory_space<semaphore_mem>>) src(%dma_wait3A_58 : memref<10000x128xf32, #tpu.memory_space<hbm>>) dst(%arg15 : memref<80x128xf32, #tpu.memory_space<vmem>>)
      "tpu.region"() ({
        %run_scoped3A = tpu.sem_alloc : memref<!tpu.dma_semaphore, #tpu.memory_space<semaphore_mem>>
        %dma_start3A_76 = arith.constant 0 : i32
        %dma_start3A_77 = arith.constant 0 : i32
        %dma_start3A_78 = tpu.memref_slice %arg19[%dma_start3A_76, %dma_start3A_77] : memref<10240x128xf32, #tpu.memory_space<vmem_shared>> -> memref<10240x128xf32, #tpu.memory_space<vmem_shared>>
        tpu.enqueue_indirect_dma source(%arg15 : memref<80x128xf32, #tpu.memory_space<vmem>>) target(%dma_start3A_78 : memref<10240x128xf32, #tpu.memory_space<vmem_shared>>) offsets(%arg8 : memref<80xi32, #tpu.memory_space<vmem>>) semaphore(%run_scoped3A : memref<!tpu.dma_semaphore, #tpu.memory_space<semaphore_mem>>) {add = true}
        %dma_wait3A_79 = arith.constant 0 : i32
        %dma_wait3A_80 = arith.constant 0 : i32
        %dma_wait3A_81 = tpu.memref_slice %arg19[%dma_wait3A_79, %dma_wait3A_80] : memref<10240x128xf32, #tpu.memory_space<vmem_shared>> -> memref<10240x128xf32, #tpu.memory_space<vmem_shared>>
        tpu.wait_indirect_dma semaphore(%run_scoped3A : memref<!tpu.dma_semaphore, #tpu.memory_space<semaphore_mem>>) src(%arg15 : memref<80x128xf32, #tpu.memory_space<vmem>>) dst(%dma_wait3A_81 : memref<10240x128xf32, #tpu.memory_space<vmem_shared>>)
        tpu.yield
      }) : () -> ()
      %add3A_59 = arith.constant 4 : i32
      %add3A_60 = arith.addi %mul3A_19, %add3A_59 : i32
      %mul3A_61 = arith.constant 10000 : i32
      %mul3A_62 = arith.muli %add3A, %mul3A_61 : i32
      %mul3A_63 = arith.constant 80 : i32
      %mul3A_64 = arith.muli %add3A_60, %mul3A_63 : i32
      %add3A_65 = arith.addi %mul3A_62, %mul3A_64 : i32
      %multiple_of3A_66 = tpu.assume_multiple %add3A_65, 8 : i32
      "tpu.region"() ({
        %run_scoped3A = tpu.sem_alloc : memref<!tpu.dma_semaphore, #tpu.memory_space<semaphore_mem>>
        %dma_start3A_76 = tpu.memref_slice %arg3[%multiple_of3A_66] : memref<320000xi32, #tpu.memory_space<hbm>> -> memref<80xi32, #tpu.memory_space<hbm>>
        %dma_start3A_77 = tpu.memref_slice %arg3[%multiple_of3A_66] : memref<320000xi32, #tpu.memory_space<hbm>> -> memref<80xi32, #tpu.memory_space<hbm>>
        tpu.enqueue_dma source(%dma_start3A_77 : memref<80xi32, #tpu.memory_space<hbm>>) target(%arg7 : memref<80xi32, #tpu.memory_space<vmem>>) target_semaphore(%run_scoped3A : memref<!tpu.dma_semaphore, #tpu.memory_space<semaphore_mem>>)
        %dma_wait3A_78 = tpu.memref_slice %arg3[%multiple_of3A_66] : memref<320000xi32, #tpu.memory_space<hbm>> -> memref<80xi32, #tpu.memory_space<hbm>>
        %dma_wait3A_79 = tpu.memref_slice %arg3[%multiple_of3A_66] : memref<320000xi32, #tpu.memory_space<hbm>> -> memref<80xi32, #tpu.memory_space<hbm>>
        tpu.wait_dma2 semaphore(%run_scoped3A : memref<!tpu.dma_semaphore, #tpu.memory_space<semaphore_mem>>) src(%dma_wait3A_79 : memref<80xi32, #tpu.memory_space<hbm>>) dst(%arg7 : memref<80xi32, #tpu.memory_space<vmem>>)
        tpu.yield
      }) : () -> ()
      "tpu.region"() ({
        %run_scoped3A = tpu.sem_alloc : memref<!tpu.dma_semaphore, #tpu.memory_space<semaphore_mem>>
        %dma_start3A_76 = tpu.memref_slice %arg4[%multiple_of3A_66] : memref<320000xi32, #tpu.memory_space<hbm>> -> memref<80xi32, #tpu.memory_space<hbm>>
        %dma_start3A_77 = tpu.memref_slice %arg4[%multiple_of3A_66] : memref<320000xi32, #tpu.memory_space<hbm>> -> memref<80xi32, #tpu.memory_space<hbm>>
        tpu.enqueue_dma source(%dma_start3A_77 : memref<80xi32, #tpu.memory_space<hbm>>) target(%arg8 : memref<80xi32, #tpu.memory_space<vmem>>) target_semaphore(%run_scoped3A : memref<!tpu.dma_semaphore, #tpu.memory_space<semaphore_mem>>)
        %dma_wait3A_78 = tpu.memref_slice %arg4[%multiple_of3A_66] : memref<320000xi32, #tpu.memory_space<hbm>> -> memref<80xi32, #tpu.memory_space<hbm>>
        %dma_wait3A_79 = tpu.memref_slice %arg4[%multiple_of3A_66] : memref<320000xi32, #tpu.memory_space<hbm>> -> memref<80xi32, #tpu.memory_space<hbm>>
        tpu.wait_dma2 semaphore(%run_scoped3A : memref<!tpu.dma_semaphore, #tpu.memory_space<semaphore_mem>>) src(%dma_wait3A_79 : memref<80xi32, #tpu.memory_space<hbm>>) dst(%arg8 : memref<80xi32, #tpu.memory_space<vmem>>)
        tpu.yield
      }) : () -> ()
      %dma_wait3A_67 = arith.constant 0 : i32
      %dma_wait3A_68 = arith.constant 0 : i32
      %dma_wait3A_69 = tpu.memref_slice %arg2[%dma_wait3A_67, %dma_wait3A_68] : memref<10000x128xf32, #tpu.memory_space<hbm>> -> memref<10000x128xf32, #tpu.memory_space<hbm>>
      tpu.wait_indirect_dma semaphore(%arg21 : memref<!tpu.dma_semaphore, #tpu.memory_space<semaphore_mem>>) src(%dma_wait3A_69 : memref<10000x128xf32, #tpu.memory_space<hbm>>) dst(%arg16 : memref<80x128xf32, #tpu.memory_space<vmem>>)
      "tpu.region"() ({
        %run_scoped3A = tpu.sem_alloc : memref<!tpu.dma_semaphore, #tpu.memory_space<semaphore_mem>>
        %dma_start3A_76 = arith.constant 0 : i32
        %dma_start3A_77 = arith.constant 0 : i32
        %dma_start3A_78 = tpu.memref_slice %arg19[%dma_start3A_76, %dma_start3A_77] : memref<10240x128xf32, #tpu.memory_space<vmem_shared>> -> memref<10240x128xf32, #tpu.memory_space<vmem_shared>>
        tpu.enqueue_indirect_dma source(%arg16 : memref<80x128xf32, #tpu.memory_space<vmem>>) target(%dma_start3A_78 : memref<10240x128xf32, #tpu.memory_space<vmem_shared>>) offsets(%arg10 : memref<80xi32, #tpu.memory_space<vmem>>) semaphore(%run_scoped3A : memref<!tpu.dma_semaphore, #tpu.memory_space<semaphore_mem>>) {add = true}
        %dma_wait3A_79 = arith.constant 0 : i32
        %dma_wait3A_80 = arith.constant 0 : i32
        %dma_wait3A_81 = tpu.memref_slice %arg19[%dma_wait3A_79, %dma_wait3A_80] : memref<10240x128xf32, #tpu.memory_space<vmem_shared>> -> memref<10240x128xf32, #tpu.memory_space<vmem_shared>>
        tpu.wait_indirect_dma semaphore(%run_scoped3A : memref<!tpu.dma_semaphore, #tpu.memory_space<semaphore_mem>>) src(%arg16 : memref<80x128xf32, #tpu.memory_space<vmem>>) dst(%dma_wait3A_81 : memref<10240x128xf32, #tpu.memory_space<vmem_shared>>)
        tpu.yield
      }) : () -> ()
      %dma_wait3A_70 = arith.constant 0 : i32
      %dma_wait3A_71 = arith.constant 0 : i32
      %dma_wait3A_72 = tpu.memref_slice %arg2[%dma_wait3A_70, %dma_wait3A_71] : memref<10000x128xf32, #tpu.memory_space<hbm>> -> memref<10000x128xf32, #tpu.memory_space<hbm>>
      tpu.wait_indirect_dma semaphore(%arg22 : memref<!tpu.dma_semaphore, #tpu.memory_space<semaphore_mem>>) src(%dma_wait3A_72 : memref<10000x128xf32, #tpu.memory_space<hbm>>) dst(%arg17 : memref<80x128xf32, #tpu.memory_space<vmem>>)
      "tpu.region"() ({
        %run_scoped3A = tpu.sem_alloc : memref<!tpu.dma_semaphore, #tpu.memory_space<semaphore_mem>>
        %dma_start3A_76 = arith.constant 0 : i32
        %dma_start3A_77 = arith.constant 0 : i32
        %dma_start3A_78 = tpu.memref_slice %arg19[%dma_start3A_76, %dma_start3A_77] : memref<10240x128xf32, #tpu.memory_space<vmem_shared>> -> memref<10240x128xf32, #tpu.memory_space<vmem_shared>>
        tpu.enqueue_indirect_dma source(%arg17 : memref<80x128xf32, #tpu.memory_space<vmem>>) target(%dma_start3A_78 : memref<10240x128xf32, #tpu.memory_space<vmem_shared>>) offsets(%arg12 : memref<80xi32, #tpu.memory_space<vmem>>) semaphore(%run_scoped3A : memref<!tpu.dma_semaphore, #tpu.memory_space<semaphore_mem>>) {add = true}
        %dma_wait3A_79 = arith.constant 0 : i32
        %dma_wait3A_80 = arith.constant 0 : i32
        %dma_wait3A_81 = tpu.memref_slice %arg19[%dma_wait3A_79, %dma_wait3A_80] : memref<10240x128xf32, #tpu.memory_space<vmem_shared>> -> memref<10240x128xf32, #tpu.memory_space<vmem_shared>>
        tpu.wait_indirect_dma semaphore(%run_scoped3A : memref<!tpu.dma_semaphore, #tpu.memory_space<semaphore_mem>>) src(%arg17 : memref<80x128xf32, #tpu.memory_space<vmem>>) dst(%dma_wait3A_81 : memref<10240x128xf32, #tpu.memory_space<vmem_shared>>)
        tpu.yield
      }) : () -> ()
      %dma_wait3A_73 = arith.constant 0 : i32
      %dma_wait3A_74 = arith.constant 0 : i32
      %dma_wait3A_75 = tpu.memref_slice %arg2[%dma_wait3A_73, %dma_wait3A_74] : memref<10000x128xf32, #tpu.memory_space<hbm>> -> memref<10000x128xf32, #tpu.memory_space<hbm>>
      tpu.wait_indirect_dma semaphore(%arg23 : memref<!tpu.dma_semaphore, #tpu.memory_space<semaphore_mem>>) src(%dma_wait3A_75 : memref<10000x128xf32, #tpu.memory_space<hbm>>) dst(%arg18 : memref<80x128xf32, #tpu.memory_space<vmem>>)
      "tpu.region"() ({
        %run_scoped3A = tpu.sem_alloc : memref<!tpu.dma_semaphore, #tpu.memory_space<semaphore_mem>>
        %dma_start3A_76 = arith.constant 0 : i32
        %dma_start3A_77 = arith.constant 0 : i32
        %dma_start3A_78 = tpu.memref_slice %arg19[%dma_start3A_76, %dma_start3A_77] : memref<10240x128xf32, #tpu.memory_space<vmem_shared>> -> memref<10240x128xf32, #tpu.memory_space<vmem_shared>>
        tpu.enqueue_indirect_dma source(%arg18 : memref<80x128xf32, #tpu.memory_space<vmem>>) target(%dma_start3A_78 : memref<10240x128xf32, #tpu.memory_space<vmem_shared>>) offsets(%arg14 : memref<80xi32, #tpu.memory_space<vmem>>) semaphore(%run_scoped3A : memref<!tpu.dma_semaphore, #tpu.memory_space<semaphore_mem>>) {add = true}
        %dma_wait3A_79 = arith.constant 0 : i32
        %dma_wait3A_80 = arith.constant 0 : i32
        %dma_wait3A_81 = tpu.memref_slice %arg19[%dma_wait3A_79, %dma_wait3A_80] : memref<10240x128xf32, #tpu.memory_space<vmem_shared>> -> memref<10240x128xf32, #tpu.memory_space<vmem_shared>>
        tpu.wait_indirect_dma semaphore(%run_scoped3A : memref<!tpu.dma_semaphore, #tpu.memory_space<semaphore_mem>>) src(%arg18 : memref<80x128xf32, #tpu.memory_space<vmem>>) dst(%dma_wait3A_81 : memref<10240x128xf32, #tpu.memory_space<vmem_shared>>)
        tpu.yield
      }) : () -> ()
    }
    %scan3A_11 = arith.constant 31 : i32
    %dma_start3A = arith.constant 0 : i32
    %dma_start3A_12 = arith.constant 0 : i32
    %dma_start3A_13 = tpu.memref_slice %arg2[%dma_start3A, %dma_start3A_12] : memref<10000x128xf32, #tpu.memory_space<hbm>> -> memref<10000x128xf32, #tpu.memory_space<hbm>>
    tpu.enqueue_indirect_dma source(%dma_start3A_13 : memref<10000x128xf32, #tpu.memory_space<hbm>>) target(%arg15 : memref<80x128xf32, #tpu.memory_space<vmem>>) offsets(%arg7 : memref<80xi32, #tpu.memory_space<vmem>>) semaphore(%arg20 : memref<!tpu.dma_semaphore, #tpu.memory_space<semaphore_mem>>)
    %dma_wait3A = arith.constant 0 : i32
    %dma_wait3A_14 = arith.constant 0 : i32
    %dma_wait3A_15 = tpu.memref_slice %arg2[%dma_wait3A, %dma_wait3A_14] : memref<10000x128xf32, #tpu.memory_space<hbm>> -> memref<10000x128xf32, #tpu.memory_space<hbm>>
    tpu.wait_indirect_dma semaphore(%arg20 : memref<!tpu.dma_semaphore, #tpu.memory_space<semaphore_mem>>) src(%dma_wait3A_15 : memref<10000x128xf32, #tpu.memory_space<hbm>>) dst(%arg15 : memref<80x128xf32, #tpu.memory_space<vmem>>)
    "tpu.region"() ({
      %run_scoped3A = tpu.sem_alloc : memref<!tpu.dma_semaphore, #tpu.memory_space<semaphore_mem>>
      %dma_start3A_17 = arith.constant 0 : i32
      %dma_start3A_18 = arith.constant 0 : i32
      %dma_start3A_19 = tpu.memref_slice %arg19[%dma_start3A_17, %dma_start3A_18] : memref<10240x128xf32, #tpu.memory_space<vmem_shared>> -> memref<10240x128xf32, #tpu.memory_space<vmem_shared>>
      tpu.enqueue_indirect_dma source(%arg15 : memref<80x128xf32, #tpu.memory_space<vmem>>) target(%dma_start3A_19 : memref<10240x128xf32, #tpu.memory_space<vmem_shared>>) offsets(%arg8 : memref<80xi32, #tpu.memory_space<vmem>>) semaphore(%run_scoped3A : memref<!tpu.dma_semaphore, #tpu.memory_space<semaphore_mem>>) {add = true}
      %dma_wait3A_20 = arith.constant 0 : i32
      %dma_wait3A_21 = arith.constant 0 : i32
      %dma_wait3A_22 = tpu.memref_slice %arg19[%dma_wait3A_20, %dma_wait3A_21] : memref<10240x128xf32, #tpu.memory_space<vmem_shared>> -> memref<10240x128xf32, #tpu.memory_space<vmem_shared>>
      tpu.wait_indirect_dma semaphore(%run_scoped3A : memref<!tpu.dma_semaphore, #tpu.memory_space<semaphore_mem>>) src(%arg15 : memref<80x128xf32, #tpu.memory_space<vmem>>) dst(%dma_wait3A_22 : memref<10240x128xf32, #tpu.memory_space<vmem_shared>>)
      tpu.yield
    }) : () -> ()
    %barrier3A_16 = arith.constant 0 : index
    tpu.barrier barrier_id(%barrier3A_16)
    "tpu.region"() ({
      %run_scoped3A = tpu.sem_alloc : memref<!tpu.dma_semaphore, #tpu.memory_space<semaphore_mem>>
      %dma_start3A_17 = arith.constant 0 : i32
      %dma_start3A_18 = tpu.memref_slice %arg6[%arg0, %mul3A_2, %dma_start3A_17] : memref<2x10240x128xf32, #tpu.memory_space<hbm>> -> memref<1x640x128xf32, #tpu.memory_space<hbm>>
      %dma_start3A_19 = tpu.memref_squeeze %dma_start3A_18 : memref<1x640x128xf32, #tpu.memory_space<hbm>> -> memref<640x128xf32, #tpu.memory_space<hbm>>
      %dma_start3A_20 = arith.constant 0 : i32
      %dma_start3A_21 = tpu.memref_slice %arg19[%mul3A_2, %dma_start3A_20] : memref<10240x128xf32, #tpu.memory_space<vmem_shared>> -> memref<640x128xf32, #tpu.memory_space<vmem_shared>>
      tpu.enqueue_dma source(%dma_start3A_21 : memref<640x128xf32, #tpu.memory_space<vmem_shared>>) target(%dma_start3A_19 : memref<640x128xf32, #tpu.memory_space<hbm>>) target_semaphore(%run_scoped3A : memref<!tpu.dma_semaphore, #tpu.memory_space<semaphore_mem>>)
      %dma_wait3A_22 = arith.constant 0 : i32
      %dma_wait3A_23 = tpu.memref_slice %arg6[%arg0, %mul3A_2, %dma_wait3A_22] : memref<2x10240x128xf32, #tpu.memory_space<hbm>> -> memref<1x640x128xf32, #tpu.memory_space<hbm>>
      %dma_wait3A_24 = tpu.memref_squeeze %dma_wait3A_23 : memref<1x640x128xf32, #tpu.memory_space<hbm>> -> memref<640x128xf32, #tpu.memory_space<hbm>>
      %dma_wait3A_25 = arith.constant 0 : i32
      %dma_wait3A_26 = tpu.memref_slice %arg19[%mul3A_2, %dma_wait3A_25] : memref<10240x128xf32, #tpu.memory_space<vmem_shared>> -> memref<640x128xf32, #tpu.memory_space<vmem_shared>>
      tpu.wait_dma2 semaphore(%run_scoped3A : memref<!tpu.dma_semaphore, #tpu.memory_space<semaphore_mem>>) src(%dma_wait3A_26 : memref<640x128xf32, #tpu.memory_space<vmem_shared>>) dst(%dma_wait3A_24 : memref<640x128xf32, #tpu.memory_space<hbm>>)
      tpu.yield
    }) : () -> ()
    return
  }
}

module attributes {stable_mosaic.version = 14 : i64} {
  func.func @body(%arg0: i32, %arg1: memref<400x128xf32, #tpu.memory_space<vmem>>, %arg2: memref<2x400x128xf32, #tpu.memory_space<vmem>>, %arg3: memref<2x400x128xf32, #tpu.memory_space<vmem>>, %arg4: memref<128x128xf32, #tpu.memory_space<vmem>>, %arg5: memref<128x128xf32, #tpu.memory_space<vmem>>, %arg6: memref<1x128xf32, #tpu.memory_space<vmem>>, %arg7: memref<400x128xf32, #tpu.memory_space<vmem>>) attributes {dimension_semantics = [#tpu.dimension_semantics<arbitrary>], iteration_bounds = array<i64: 25>, scalar_prefetch = 0 : i64, scratch_operands = 0 : i64, tpu.core_type = #tpu.core_type<tc>, window_params = [{transform_indices = @transform_0, window_bounds = array<i64: 400, 128>}, {transform_indices = @transform_1, window_bounds = array<i64: 2, 400, 128>}, {transform_indices = @transform_2, window_bounds = array<i64: 2, 400, 128>}, {pipeline_mode = #tpu.pipeline_mode<synchronous>, transform_indices = @transform_3, window_bounds = array<i64: 128, 128>}, {pipeline_mode = #tpu.pipeline_mode<synchronous>, transform_indices = @transform_4, window_bounds = array<i64: 128, 128>}, {pipeline_mode = #tpu.pipeline_mode<synchronous>, transform_indices = @transform_5, window_bounds = array<i64: 1, 128>}, {transform_indices = @transform_6, window_bounds = array<i64: 400, 128>}]} {
    %get3A = arith.constant 0 : index
    %get3A_0 = arith.constant 0 : index
    %get3A_1 = arith.constant 0 : index
    %get3A_2 = vector.load %arg2[%get3A, %get3A_0, %get3A_1] : memref<2x400x128xf32, #tpu.memory_space<vmem>>, vector<1x400x128xf32>
    %get3A_3 = vector.shape_cast %get3A_2 : vector<1x400x128xf32> to vector<400x128xf32>
    %get3A_4 = arith.constant 1 : index
    %get3A_5 = arith.constant 0 : index
    %get3A_6 = arith.constant 0 : index
    %get3A_7 = vector.load %arg2[%get3A_4, %get3A_5, %get3A_6] : memref<2x400x128xf32, #tpu.memory_space<vmem>>, vector<1x400x128xf32>
    %get3A_8 = vector.shape_cast %get3A_7 : vector<1x400x128xf32> to vector<400x128xf32>
    %add3A = arith.addf %get3A_3, %get3A_8 : vector<400x128xf32>
    %get3A_9 = arith.constant 0 : index
    %get3A_10 = arith.constant 0 : index
    %get3A_11 = arith.constant 0 : index
    %get3A_12 = vector.load %arg3[%get3A_9, %get3A_10, %get3A_11] : memref<2x400x128xf32, #tpu.memory_space<vmem>>, vector<1x400x128xf32>
    %get3A_13 = vector.shape_cast %get3A_12 : vector<1x400x128xf32> to vector<400x128xf32>
    %slice3A = vector.extract_strided_slice %get3A_13 {offsets = [0, 0], sizes = [400, 1], strides = [1, 1]} : vector<400x128xf32> to vector<400x1xf32>
    %get3A_14 = arith.constant 1 : index
    %get3A_15 = arith.constant 0 : index
    %get3A_16 = arith.constant 0 : index
    %get3A_17 = vector.load %arg3[%get3A_14, %get3A_15, %get3A_16] : memref<2x400x128xf32, #tpu.memory_space<vmem>>, vector<1x400x128xf32>
    %get3A_18 = vector.shape_cast %get3A_17 : vector<1x400x128xf32> to vector<400x128xf32>
    %slice3A_19 = vector.extract_strided_slice %get3A_18 {offsets = [0, 0], sizes = [400, 1], strides = [1, 1]} : vector<400x128xf32> to vector<400x1xf32>
    %add3A_20 = arith.addf %slice3A, %slice3A_19 : vector<400x1xf32>
    %max3A = arith.constant 1.000000e+00 : f32
    %max3A_21 = vector.broadcast %max3A : f32 to vector<400x1xf32>
    %max3A_22 = arith.maximumf %add3A_20, %max3A_21 : vector<400x1xf32>
    %div3A = vector.broadcast %max3A_22 : vector<400x1xf32> to vector<400x128xf32>
    %div3A_23 = arith.divf %add3A, %div3A : vector<400x128xf32>
    %get3A_24 = arith.constant 0 : index
    %get3A_25 = arith.constant 0 : index
    %get3A_26 = vector.load %arg4[%get3A_24, %get3A_25] : memref<128x128xf32, #tpu.memory_space<vmem>>, vector<128x128xf32>
    %dot_general3A = arith.constant dense<0.000000e+00> : vector<400x128xf32>
    %dot_general3A_27 = tpu.matmul %div3A_23, %get3A_26, %dot_general3A {dimension_numbers = #tpu.dot_dimension_numbers<[1], [0], [0], [1], [0, 0, 1, 1], [], []>, precision = #tpu.contract_precision<fp32>, transpose_lhs_hint = false} : vector<400x128xf32>, vector<128x128xf32>, vector<400x128xf32> -> vector<400x128xf32>
    %get3A_28 = arith.constant 0 : index
    %get3A_29 = arith.constant 0 : index
    %get3A_30 = vector.load %arg1[%get3A_28, %get3A_29] : memref<400x128xf32, #tpu.memory_space<vmem>>, vector<400x128xf32>
    %get3A_31 = arith.constant 0 : index
    %get3A_32 = arith.constant 0 : index
    %get3A_33 = vector.load %arg5[%get3A_31, %get3A_32] : memref<128x128xf32, #tpu.memory_space<vmem>>, vector<128x128xf32>
    %dot_general3A_34 = arith.constant dense<0.000000e+00> : vector<400x128xf32>
    %dot_general3A_35 = tpu.matmul %get3A_30, %get3A_33, %dot_general3A_34 {dimension_numbers = #tpu.dot_dimension_numbers<[1], [0], [0], [1], [0, 0, 1, 1], [], []>, precision = #tpu.contract_precision<fp32>, transpose_lhs_hint = false} : vector<400x128xf32>, vector<128x128xf32>, vector<400x128xf32> -> vector<400x128xf32>
    %add3A_36 = arith.addf %dot_general3A_27, %dot_general3A_35 : vector<400x128xf32>
    %get3A_37 = arith.constant 0 : index
    %get3A_38 = arith.constant 0 : index
    %get3A_39 = vector.load %arg6[%get3A_37, %get3A_38] : memref<1x128xf32, #tpu.memory_space<vmem>>, vector<1x128xf32>
    %add3A_40 = vector.broadcast %get3A_39 : vector<1x128xf32> to vector<400x128xf32>
    %add3A_41 = arith.addf %add3A_36, %add3A_40 : vector<400x128xf32>
    %max3A_42 = arith.constant 0.000000e+00 : f32
    %max3A_43 = vector.broadcast %max3A_42 : f32 to vector<400x128xf32>
    %max3A_44 = arith.maximumf %add3A_41, %max3A_43 : vector<400x128xf32>
    %swap3A = arith.constant 0 : index
    %swap3A_45 = arith.constant 0 : index
    %swap3A_46 = vector.load %arg7[%swap3A, %swap3A_45] : memref<400x128xf32, #tpu.memory_space<vmem>>, vector<400x128xf32>
    tpu.vector_store %arg7[%swap3A, %swap3A_45], %max3A_44 {strides = array<i32>} : memref<400x128xf32, #tpu.memory_space<vmem>>, vector<400x128xf32>,
    return
  }
  func.func @transform_0(%arg0: i32) -> (i32, i32) {
    %c0_i32 = arith.constant 0 : i32
    %c0_i32_0 = arith.constant 0 : i32
    return %arg0, %c0_i32 : i32, i32
  }
  func.func @transform_1(%arg0: i32) -> (i32, i32, i32) {
    %c0_i32 = arith.constant 0 : i32
    %c0_i32_0 = arith.constant 0 : i32
    %c0_i32_1 = arith.constant 0 : i32
    return %c0_i32, %arg0, %c0_i32_0 : i32, i32, i32
  }
  func.func @transform_2(%arg0: i32) -> (i32, i32, i32) {
    %c0_i32 = arith.constant 0 : i32
    %c0_i32_0 = arith.constant 0 : i32
    %c0_i32_1 = arith.constant 0 : i32
    return %c0_i32, %arg0, %c0_i32_0 : i32, i32, i32
  }
  func.func @transform_3(%arg0: i32) -> (i32, i32) {
    %c0_i32 = arith.constant 0 : i32
    %c0_i32_0 = arith.constant 0 : i32
    %c0_i32_1 = arith.constant 0 : i32
    return %c0_i32, %c0_i32_0 : i32, i32
  }
  func.func @transform_4(%arg0: i32) -> (i32, i32) {
    %c0_i32 = arith.constant 0 : i32
    %c0_i32_0 = arith.constant 0 : i32
    %c0_i32_1 = arith.constant 0 : i32
    return %c0_i32, %c0_i32_0 : i32, i32
  }
  func.func @transform_5(%arg0: i32) -> (i32, i32) {
    %c0_i32 = arith.constant 0 : i32
    %c0_i32_0 = arith.constant 0 : i32
    %c0_i32_1 = arith.constant 0 : i32
    return %c0_i32, %c0_i32_0 : i32, i32
  }
  func.func @transform_6(%arg0: i32) -> (i32, i32) {
    %c0_i32 = arith.constant 0 : i32
    %c0_i32_0 = arith.constant 0 : i32
    return %arg0, %c0_i32 : i32, i32
  }
}

module attributes {stable_mosaic.version = 14 : i64} {
  func.func @body(%arg0: i32, %arg1: memref<400x128xf32, #tpu.memory_space<vmem>>, %arg2: memref<2x400x128xf32, #tpu.memory_space<vmem>>, %arg3: memref<2x400x128xf32, #tpu.memory_space<vmem>>, %arg4: memref<128x128xf32, #tpu.memory_space<vmem>>, %arg5: memref<128x128xf32, #tpu.memory_space<vmem>>, %arg6: memref<1x128xf32, #tpu.memory_space<vmem>>, %arg7: memref<400x128xf32, #tpu.memory_space<vmem>>) attributes {dimension_semantics = [#tpu.dimension_semantics<arbitrary>], iteration_bounds = array<i64: 25>, scalar_prefetch = 0 : i64, scratch_operands = 0 : i64, tpu.core_type = #tpu.core_type<tc>, window_params = [{transform_indices = @transform_0, window_bounds = array<i64: 400, 128>}, {transform_indices = @transform_1, window_bounds = array<i64: 2, 400, 128>}, {transform_indices = @transform_2, window_bounds = array<i64: 2, 400, 128>}, {pipeline_mode = #tpu.pipeline_mode<synchronous>, transform_indices = @transform_3, window_bounds = array<i64: 128, 128>}, {pipeline_mode = #tpu.pipeline_mode<synchronous>, transform_indices = @transform_4, window_bounds = array<i64: 128, 128>}, {pipeline_mode = #tpu.pipeline_mode<synchronous>, transform_indices = @transform_5, window_bounds = array<i64: 1, 128>}, {transform_indices = @transform_6, window_bounds = array<i64: 400, 128>}]} {
    %get3A = arith.constant 0 : index
    %get3A_0 = arith.constant 0 : index
    %get3A_1 = arith.constant 0 : index
    %get3A_2 = vector.load %arg2[%get3A, %get3A_0, %get3A_1] : memref<2x400x128xf32, #tpu.memory_space<vmem>>, vector<1x400x128xf32>
    %get3A_3 = vector.shape_cast %get3A_2 : vector<1x400x128xf32> to vector<400x128xf32>
    %get3A_4 = arith.constant 1 : index
    %get3A_5 = arith.constant 0 : index
    %get3A_6 = arith.constant 0 : index
    %get3A_7 = vector.load %arg2[%get3A_4, %get3A_5, %get3A_6] : memref<2x400x128xf32, #tpu.memory_space<vmem>>, vector<1x400x128xf32>
    %get3A_8 = vector.shape_cast %get3A_7 : vector<1x400x128xf32> to vector<400x128xf32>
    %add3A = arith.addf %get3A_3, %get3A_8 : vector<400x128xf32>
    %get3A_9 = arith.constant 0 : index
    %get3A_10 = arith.constant 0 : index
    %get3A_11 = arith.constant 0 : index
    %get3A_12 = vector.load %arg3[%get3A_9, %get3A_10, %get3A_11] : memref<2x400x128xf32, #tpu.memory_space<vmem>>, vector<1x400x128xf32>
    %get3A_13 = vector.shape_cast %get3A_12 : vector<1x400x128xf32> to vector<400x128xf32>
    %slice3A = vector.extract_strided_slice %get3A_13 {offsets = [0, 0], sizes = [400, 1], strides = [1, 1]} : vector<400x128xf32> to vector<400x1xf32>
    %get3A_14 = arith.constant 1 : index
    %get3A_15 = arith.constant 0 : index
    %get3A_16 = arith.constant 0 : index
    %get3A_17 = vector.load %arg3[%get3A_14, %get3A_15, %get3A_16] : memref<2x400x128xf32, #tpu.memory_space<vmem>>, vector<1x400x128xf32>
    %get3A_18 = vector.shape_cast %get3A_17 : vector<1x400x128xf32> to vector<400x128xf32>
    %slice3A_19 = vector.extract_strided_slice %get3A_18 {offsets = [0, 0], sizes = [400, 1], strides = [1, 1]} : vector<400x128xf32> to vector<400x1xf32>
    %add3A_20 = arith.addf %slice3A, %slice3A_19 : vector<400x1xf32>
    %max3A = arith.constant 1.000000e+00 : f32
    %max3A_21 = vector.broadcast %max3A : f32 to vector<400x1xf32>
    %max3A_22 = arith.maximumf %add3A_20, %max3A_21 : vector<400x1xf32>
    %div3A = vector.broadcast %max3A_22 : vector<400x1xf32> to vector<400x128xf32>
    %div3A_23 = arith.divf %add3A, %div3A : vector<400x128xf32>
    %get3A_24 = arith.constant 0 : index
    %get3A_25 = arith.constant 0 : index
    %get3A_26 = vector.load %arg4[%get3A_24, %get3A_25] : memref<128x128xf32, #tpu.memory_space<vmem>>, vector<128x128xf32>
    %dot_general3A = arith.constant dense<0.000000e+00> : vector<400x128xf32>
    %dot_general3A_27 = tpu.matmul %div3A_23, %get3A_26, %dot_general3A {dimension_numbers = #tpu.dot_dimension_numbers<[1], [0], [0], [1], [0, 0, 1, 1], [], []>, precision = #tpu.contract_precision<fp32>, transpose_lhs_hint = false} : vector<400x128xf32>, vector<128x128xf32>, vector<400x128xf32> -> vector<400x128xf32>
    %get3A_28 = arith.constant 0 : index
    %get3A_29 = arith.constant 0 : index
    %get3A_30 = vector.load %arg1[%get3A_28, %get3A_29] : memref<400x128xf32, #tpu.memory_space<vmem>>, vector<400x128xf32>
    %get3A_31 = arith.constant 0 : index
    %get3A_32 = arith.constant 0 : index
    %get3A_33 = vector.load %arg5[%get3A_31, %get3A_32] : memref<128x128xf32, #tpu.memory_space<vmem>>, vector<128x128xf32>
    %dot_general3A_34 = arith.constant dense<0.000000e+00> : vector<400x128xf32>
    %dot_general3A_35 = tpu.matmul %get3A_30, %get3A_33, %dot_general3A_34 {dimension_numbers = #tpu.dot_dimension_numbers<[1], [0], [0], [1], [0, 0, 1, 1], [], []>, precision = #tpu.contract_precision<fp32>, transpose_lhs_hint = false} : vector<400x128xf32>, vector<128x128xf32>, vector<400x128xf32> -> vector<400x128xf32>
    %add3A_36 = arith.addf %dot_general3A_27, %dot_general3A_35 : vector<400x128xf32>
    %get3A_37 = arith.constant 0 : index
    %get3A_38 = arith.constant 0 : index
    %get3A_39 = vector.load %arg6[%get3A_37, %get3A_38] : memref<1x128xf32, #tpu.memory_space<vmem>>, vector<1x128xf32>
    %add3A_40 = vector.broadcast %get3A_39 : vector<1x128xf32> to vector<400x128xf32>
    %add3A_41 = arith.addf %add3A_36, %add3A_40 : vector<400x128xf32>
    %max3A_42 = arith.constant 0.000000e+00 : f32
    %max3A_43 = vector.broadcast %max3A_42 : f32 to vector<400x128xf32>
    %max3A_44 = arith.maximumf %add3A_41, %max3A_43 : vector<400x128xf32>
    %swap3A = arith.constant 0 : index
    %swap3A_45 = arith.constant 0 : index
    %swap3A_46 = vector.load %arg7[%swap3A, %swap3A_45] : memref<400x128xf32, #tpu.memory_space<vmem>>, vector<400x128xf32>
    tpu.vector_store %arg7[%swap3A, %swap3A_45], %max3A_44 {strides = array<i32>} : memref<400x128xf32, #tpu.memory_space<vmem>>, vector<400x128xf32>,
    return
  }
  func.func @transform_0(%arg0: i32) -> (i32, i32) {
    %c0_i32 = arith.constant 0 : i32
    %c0_i32_0 = arith.constant 0 : i32
    return %arg0, %c0_i32 : i32, i32
  }
  func.func @transform_1(%arg0: i32) -> (i32, i32, i32) {
    %c0_i32 = arith.constant 0 : i32
    %c0_i32_0 = arith.constant 0 : i32
    %c0_i32_1 = arith.constant 0 : i32
    return %c0_i32, %arg0, %c0_i32_0 : i32, i32, i32
  }
  func.func @transform_2(%arg0: i32) -> (i32, i32, i32) {
    %c0_i32 = arith.constant 0 : i32
    %c0_i32_0 = arith.constant 0 : i32
    %c0_i32_1 = arith.constant 0 : i32
    return %c0_i32, %arg0, %c0_i32_0 : i32, i32, i32
  }
  func.func @transform_3(%arg0: i32) -> (i32, i32) {
    %c0_i32 = arith.constant 0 : i32
    %c0_i32_0 = arith.constant 0 : i32
    %c0_i32_1 = arith.constant 0 : i32
    return %c0_i32, %c0_i32_0 : i32, i32
  }
  func.func @transform_4(%arg0: i32) -> (i32, i32) {
    %c0_i32 = arith.constant 0 : i32
    %c0_i32_0 = arith.constant 0 : i32
    %c0_i32_1 = arith.constant 0 : i32
    return %c0_i32, %c0_i32_0 : i32, i32
  }
  func.func @transform_5(%arg0: i32) -> (i32, i32) {
    %c0_i32 = arith.constant 0 : i32
    %c0_i32_0 = arith.constant 0 : i32
    %c0_i32_1 = arith.constant 0 : i32
    return %c0_i32, %c0_i32_0 : i32, i32
  }
  func.func @transform_6(%arg0: i32) -> (i32, i32) {
    %c0_i32 = arith.constant 0 : i32
    %c0_i32_0 = arith.constant 0 : i32
    return %arg0, %c0_i32 : i32, i32
  }
}

</mosaic_0001>

<sc_bundles>
// kernel: kernel.12.cloned.1.call-start
scs
__scs_entry_jumppad:
0x0: {  	(pc) =	sbr.rel $0x88, $3  }
0x1: {  	(tag) =	ssettag $0x0;
	lr =	simm.s32 $0x1  }
0x2: {  	[smem:$0x3F96] =	sst lr;
	_ =	strace $0xD0000000  }
0x3: {  	_ = 	snop  }
0x4: {  	_ = 	snop  }
0x5: {  	_ = 	snop  }
0x6: {  	_ = 	snop  }
0x7: {  	_ = 	snop  }
__scs_overlays_trampoline_lowered:
0x8: {  	[smem:$0x3FA5] =	sst s0  }
0x9: {  	[smem:$0x3FA6] =	sst s1  }
0xa: {  	[smem:$0x3FA7] =	sst s2  }
0xb: {  	[smem:$0x3FA8] =	sst s3  }
0xc: {  	[smem:$0x3FA9] =	sst s4  }
0xd: {  	[smem:$0x3FAA] =	sst s5  }
0xe: {  	[smem:$0x3FAB] =	sst s6  }
0xf: {  	[smem:$0x3FAC] =	sst s7  }
0x10: {  	[smem:$0x3FAD] =	sst s8  }
0x11: {  	[smem:$0x3FAE] =	sst s9;
	s0 =	simm.s32 @!p0 $0x0  }
0x12: {  	s1 =	sld [smem:$0x3F94];
	s0 =	simm.s32 @p0 $0x1  }
0x13: {  	[smem:$0x3FAF] =	sst s0;
	s0 =	simm.s32 @!p1 $0x0  }
0x14: {  	s2 =	sld [smem:$0x3F93];
	s0 =	simm.s32 @p1 $0x1  }
0x15: {  	[smem:$0x3FB0] =	sst s0;
	s0 =	simm.s32 @!p2 $0x0  }
0x16: {  	s3 =	sld [smem:$0x3FDB];
	s0 =	simm.s32 @p2 $0x1  }
0x17: {  	s4 =	simm.s32 $0x1BF5;
	[smem:$0x3FB2] =	sst s0  }
0x18: {  	s0 =	sld [smem:$0x3F95];
	_ =	swait.ge [sflag:s4], $0x0  }
0x19: {  	s7 =	sld [smem:$0x3F96]  }
0x1a: {  	s8 =	sadd.s32 $0xFFFFE003, lr  }
0x1b: {  	s9 =	sadd.s32 $0xFFFFFEF7, lr;
	s5 =	simm.s32 $0xFFFFFFFF;
	p2 =	slt.u32 s8, $0xFFFFF086  }
0x1c: {  	p1 =	slt.u32 s9, $0xF7A;
	s5 =	simm.s32 @!p2 $0x0  }
0x1d: {  	s5 =	simm.s32 @p1 $0x1;
	p0 =	seq.s32 s7, s2  }
0x1e: {  	s7 =	smul.u32 @!p0 $0xF7A, s2;
	p2 =	seq.s32 @!p0 s5, $0x0  }
0x1f: {  	s9 =	smul.u32 $0xF7A, s1;
	s8 =	simm.s32 @!p0 $0x1BF5;
	p2 =	por !p2, p0  }
0x20: {  	[sflag:s8] =	ssyncset.s32 @!p0 $0xFFFFF086;
	s6 =	sadd.s32 @!p0 s3, s7;
	s7 =	simm.s32 @!p0 $0x108  }
0x21: {  	s3 =	sadd.s32 s3, s9;
	s6 =	sadd.s32 @!p0 $0x88, s6;
	s7 =	simm.s32 @p2 $0x1082  }
0x22: {  	[simem:s7], [sflag:s8] =	dma.local @!p0 [hbm:s6], $0xF7A  }
0x23: {  	s9 =	sor.u32 $0xD0000000, s2;
	s6 =	simm.s32 $0x108;
	_ =	swait.ge @!p0 [sflag:s8], $0x0  }
0x24: {  	s3 =	sadd.s32 $0x88, s3;
	s6 =	simm.s32 @!p1 $0x1082;
	[sflag:s4] =	ssyncset.s32 $0xFFFFF086  }
0x25: {  	[simem:s6], [sflag:s4] =	dma.local [hbm:s3], $0xF7A  }
0x26: {  	[smem:$0x3F96] =	sst s1;
	(tag) =	ssettag s2;
	_ =	strace s9  }
0x27: {  	s1 =	sld [smem:$0x3FA6]  }
0x28: {  	s2 =	sld [smem:$0x3FA7]  }
0x29: {  	s4 =	sld [smem:$0x3FA9]  }
0x2a: {  	p0 =	seq.s32 s5, $0x0;
	s5 =	sld [smem:$0x3FAA]  }
0x2b: {  	s6 =	sld [smem:$0x3FAB]  }
0x2c: {  	s7 =	sld [smem:$0x3FAC]  }
0x2d: {  	s3 =	simm.s32 $0x108;
	s8 =	sld [smem:$0x3FAD]  }
0x2e: {  	s3 =	simm.s32 @!p0 $0x1082;
	s9 =	sld [smem:$0x3FAE]  }
0x2f: {  	lr =	sadd.s32 s0, s3;
	s0 =	sld [smem:$0x3FA5]  }
0x30: {  	s3 =	sld [smem:$0x3FA8]  }
0x31: {  	[smem:$0x3FB1] =	sst s10  }
0x32: {  	s10 =	sld [smem:$0x3FAF];
	_ =	sdelay $0x3  }
0x33: {  	p0 =	seq.s32 s10, $0x1;
	s10 =	sld [smem:$0x3FB1];
	_ =	sdelay $0x3  }
0x34: {  	[smem:$0x3FB1] =	sst s10  }
0x35: {  	s10 =	sld [smem:$0x3FB0];
	_ =	sdelay $0x3  }
0x36: {  	p1 =	seq.s32 s10, $0x1;
	s10 =	sld [smem:$0x3FB1];
	_ =	sdelay $0x3  }
0x37: {  	[smem:$0x3FB1] =	sst s10  }
0x38: {  	s10 =	sld [smem:$0x3FB2]  }
0x39: {  	_ = 	snop;
	(pc) =	sbr.ind lr, $3  }
0x3a: {  	_ = 	snop  }
0x3b: {  	_ = 	snop  }
0x3c: {  	p2 =	seq.s32 s10, $0x1;
	s10 =	sld [smem:$0x3FB1]  }
0x3d: {  	_ =	shalt  }
0x3e: {  	_ =	shalt  }
0x3f: {  	_ =	shalt  }
0x40: {  	_ =	shalt  }
0x41: {  	_ =	shalt  }
0x42: {  	_ =	shalt  }
0x43: {  	_ =	shalt  }
0x44: {  	_ =	shalt  }
0x45: {  	_ =	shalt  }
0x46: {  	_ =	shalt  }
0x47: {  	_ =	shalt  }
0x48: {  	_ =	shalt  }
0x49: {  	_ =	shalt  }
0x4a: {  	_ =	shalt  }
0x4b: {  	_ =	shalt  }
0x4c: {  	_ =	shalt  }
0x4d: {  	_ =	shalt  }
0x4e: {  	_ =	shalt  }
0x4f: {  	_ =	shalt  }
0x50: {  	_ =	shalt  }
0x51: {  	_ =	shalt  }
0x52: {  	_ =	shalt  }
0x53: {  	_ =	shalt  }
0x54: {  	_ =	shalt  }
0x55: {  	_ =	shalt  }
0x56: {  	_ =	shalt  }
0x57: {  	_ =	shalt  }
0x58: {  	_ =	shalt  }
0x59: {  	_ =	shalt  }
0x5a: {  	_ =	shalt  }
0x5b: {  	_ =	shalt  }
0x5c: {  	_ =	shalt  }
0x5d: {  	_ =	shalt  }
0x5e: {  	_ =	shalt  }
0x5f: {  	_ =	shalt  }
0x60: {  	_ =	shalt  }
0x61: {  	_ =	shalt  }
0x62: {  	_ =	shalt  }
0x63: {  	_ =	shalt  }
0x64: {  	_ =	shalt  }
0x65: {  	_ =	shalt  }
0x66: {  	_ =	shalt  }
0x67: {  	_ =	shalt  }
0x68: {  	_ =	shalt  }
0x69: {  	_ =	shalt  }
0x6a: {  	_ =	shalt  }
0x6b: {  	_ =	shalt  }
0x6c: {  	_ =	shalt  }
0x6d: {  	_ =	shalt  }
0x6e: {  	_ =	shalt  }
0x6f: {  	_ =	shalt  }
0x70: {  	_ =	shalt  }
0x71: {  	_ =	shalt  }
0x72: {  	_ =	shalt  }
0x73: {  	_ =	shalt  }
0x74: {  	_ =	shalt  }
0x75: {  	_ =	shalt  }
0x76: {  	_ =	shalt  }
0x77: {  	_ =	shalt  }
0x78: {  	_ =	shalt  }
0x79: {  	_ =	shalt  }
0x7a: {  	_ =	shalt  }
0x7b: {  	_ =	shalt  }
0x7c: {  	_ =	shalt  }
0x7d: {  	_ =	shalt  }
0x7e: {  	_ =	shalt  }
0x7f: {  	_ =	shalt  }
0x80: {  	_ =	shalt  }
0x81: {  	_ =	shalt  }
0x82: {  	_ =	shalt  }
0x83: {  	_ =	shalt  }
0x84: {  	_ =	shalt  }
0x85: {  	_ =	shalt  }
0x86: {  	_ =	shalt  }
0x87: {  	_ =	shalt  }
.Lfunc_end0:
.L_simem_size_0:
called_computation.1_lowered:
.L_overlay_start_0:
0x88: {  	s2 =	sld [smem:$0x3FD9]  }
0x89: {  	s3 =	sld [smem:$0x3FFE];
	_ =	sdelay $0x1  }
0x8a: {  	s1 =	srdreg.scid  }
0x8b: {  	s0 =	sand.u32 $0x1, s1  }
0x8c: {  	s17 =	sshll.u32 s0, $0xA;
	s2 =	sadd.s32 s3, s2  }
0x8d: {  	s2 =	sadd.s32 s2, s17  }
0x8e: {  	[smem:$0x3FBD] =	sst s2  }
0x8f: {  	_ = 	snop  }
0x90: {  	s2 =	sld [smem:$0x3FC9];
	(tm) =	ssettm $0x1  }
0x91: {  	s18 =	sld [smem:$0x3FFB];
	_ =	sdelay $0x3  }
0x92: {  	_ =	strace s18  }
0x93: {  	s3 =	sld [smem:$0x3FFC];
	_ =	sdelay $0x3  }
0x94: {  	_ =	strace s3  }
0x95: {  	s3 =	sld [smem:$0x3FFD];
	_ =	sdelay $0x3  }
0x96: {  	_ =	strace s3  }
0x97: {  	_ =	strace $0x8FFFFFFF  }
0x98: {  	s19 =	sld [smem:$0x3FDB];
	_ =	sdelay $0x1  }
0x99: {  	s4 =	simm.s32 $_scs_section_size  }
0x9a: {  	s5 =	simm.s32 $_size__tile_overlayer_lowered;
	s6 =	simm.s32 $_tile_overlayer_lowered  }
0x9b: {  	s22 =	simm.s32 $0x1BFF;
	s21 =	sshll.u32 s6, $0x1;
	s3 =	sadd.s32 s4, s19  }
0x9c: {  	s7 =	simm.s32 $0x0;
	s20 =	sshll.u32 s5, $0x1;
	s5 =	sadd.s32 s21, s3  }
0x9d: {  	[timem:s7], [sflag:s22] =	dma.local [hbm:s5], s20  }
0x9e: {  	_ =	swait.ge [sflag:s22], s20  }
0x9f: {  	s4 =	ssub.s32 $0x0, s20;
	[sflag:s22] =	ssyncset.done $0x0  }
0xa0: {  	[sflag:s22] =	ssyncadd.s32 s4;
	_ =	sdelay $0x1  }
0xa1: {  	s23 =	simm.s32 $0x1B8B  }
0xa2: {  	_ =	swait.ge [sflag:s23], $0x1  }
0xa3: {  	[sflag:s23] =	ssyncset.done $0x0  }
0xa4: {  	s25 =	simm.s32 $0x1B8E;
	s24 =	sld [smem:$0x3FFE];
	[sflag:s23] =	ssyncadd.s32 $0xFFFFFFFF  }
0xa5: {  	s26 =	simm.s32 $execute0_lowered;
	[smem:$0x3FD2] =	sst s25  }
0xa6: {  	s5 =	sshll.u32 s26, $0x1;
	_ =	strace $0x80000046;
	[dreg:$0x1] =	wrdreg $0xFFFFFFFF  }
0xa7: {  	s28 =	simm.s32 $_size_execute0_lowered;
	s3 =	sadd.s32 s3, s5;
	[dreg:$0x0] =	wrdreg $0x0  }
0xa8: {  	s5 =	sshll.u32 s28, $0x1;
	[dreg:$0x2] =	wrdreg s3  }
0xa9: {  	[dreg:$0x3] =	wrdreg s5  }
0xaa: {  	[dreg:$0x4] =	wrdreg $0xC0  }
0xab: {  	_ =	task [dreg:s7], $0x5FFFF  }
0xac: {  	[dreg:$0x1] =	wrdreg $0xFFFFFFFF  }
0xad: {  	[dreg:$0x0] =	wrdreg $0x60  }
0xae: {  	[dreg:$0x2] =	wrdreg s2  }
0xaf: {  	[dreg:$0x3] =	wrdreg s24  }
0xb0: {  	[dreg:$0x4] =	wrdreg $0xA4000  }
0xb1: {  	[dreg:$0x5] =	wrdreg $0xA  }
0xb2: {  	_ =	task.clear_ibuf [dreg:s7], $0x6FFFF;
	_ =	strace $0x90000046  }
0xb3: {  	s29 =	simm.s32 $0xA;
	_ =	strace $0x80000048  }
0xb4: {  	_ =	swait.ge [sflag:s29], $0x1  }
0xb5: {  	[sflag:s29] =	ssyncadd.s32 $0xFFFFFFFF  }
0xb6: {  	_ =	strace $0x90000048  }
0xb7: {  	_ =	sfence  }
0xb8: {  	s30 =	sld [smem:$0x0];
	_ =	sdelay $0x2  }
0xb9: {  	s31 =	sshll.u32 s1, $0xD;
	s1 =	sshrl.u32 s1, $0x2  }
0xba: {  	s3 =	sand.u32 $0x4000, s31;
	s1 =	sadd.s32 s1, s30  }
0xbb: {  	s0 =	sor.u32 s3, s0;
	s1 =	sshll.u32 s1, $0x11  }
0xbc: {  	s0 =	sor.u32 s1, s0  }
0xbd: {  	s0 =	sadd.s32 $0x8F2B, s0  }
0xbe: {  	[sflag:s0] =	ssyncadd.remote.s32 $0x1  }
0xbf: {  	_ =	sfence.sel $0xFFFF  }
0xc0: {  	[dreg:$0x0] =	wrdreg $0xFFFFFFFF;
	(pc) =	sbr.abs _section_cstart, $3  }
0xc1: {  	[dreg:$0x1] =	wrdreg $0xFFFFFFFF  }
0xc2: {  	_ =	task.clear_ibuf [dreg:s7], $0x2FFFF;
	_ =	strace $0x9FFFFFFF  }
0xc3: {  	(tm) =	ssettm $0x7FFFFFFF  }
tec
execute0_lowered:
.L_overlay_start_1:
0x0: {  	(tag) =	ssettag $0x1  }
0x1: {  	s1 =	rddreg [dreg:$0x0]  }
0x2: {  	s0 =	rddreg [dreg:$0x1];
	s13 =	stileid.u32  }
0x3: {  	s2 =	srdreg.scid;
	s3 =	rddreg [dreg:$0x2];
	s4 =	simm.s32 $0x0  }
0x4: {  	s28 =	simm.s32 $0x7C00;
	s29 =	simm.s32 $0x1;
	s7 =	smul.u32 $0x14000, s13  }
0x5: {  	s30 =	simm.s32 $0x2;
	s31 =	simm.s32 $0x3;
	s26 =	smul.u32 $0x50000, s13  }
0x6: {  	s2 =	sand.u32 $0x1, s2;
	[smem:$0x7FF] =	sst s4;
	s12 =	smul.u32 $0x2710, s13  }
0x7: {  	s5 =	sadd.s32 $0xD600, s0;
	s14 =	sshll.u32 s13, $0x6;
	s6 =	smul.u32 $0x140000, s2  }
0x8: {  	_ =	strace $0x80000047;
	s9 =	ssub.s32 $0x2, s2;
	s10 =	sshll.u32 s2, $0x4  }
0x9: {  	s2 =	smul.u32 $0x27100, s2;
	s11 =	sshrl.u32 s9, $0x1;
	s10 =	sor.u32 s13, s10  }
0xa: {  	s8 =	sadd.s32 s7, s6;
	s6 =	sadd.s32 $0x3800, s0;
	s7 =	sshrl.u32 s7, $0x3  }
0xb: {  	s9 =	ssub.s32 s9, s11;
	s10 =	smul.u32 $0x2710, s10;
	s2 =	sadd.s32 s12, s2  }
0xc: {  	s8 =	sshrl.u32 s8, $0x3;
	s7 =	sadd.s32 s7, s0;
	s12 =	sadd.s32 $0xF0, s2  }
0xd: {  	s18 =	sadd.s32 $0xA0, s2;
	s21 =	sadd.s32 $0x50, s2;
	s25 =	smax.u32 s9, $0x1  }
0xe: {  	s0 =	sadd.s32 s8, s0;
	s8 =	sshrl.u32 s26, $0x2;
	s7 =	sadd.s32 $0x17400, s7  }
0xf: {  	s10 =	sshrl.u32 s10, $0x3;
	s16 =	sshrl.u32 s12, $0x3;
	[dreg:$0xe] =	wrdreg s25  }
0x10: {  	s19 =	sshrl.u32 s18, $0x3;
	[dreg:$0xa] =	wrdreg s7;
	s15 =	sadd.s32 s5, s10  }
0x11: {  	s23 =	sshrl.u32 s21, $0x3;
	s10 =	sadd.s32 s6, s10;
	[dreg:$0xb] =	wrdreg s15  }
0x12: {  	s18 =	simm.s32 $0x400;
	s17 =	sadd.s32 s16, s6;
	[dreg:$0xc] =	wrdreg s10  }
0x13: {  	s21 =	simm.s32 $0x2C00;
	s7 =	sadd.s32 s16, s5;
	[dreg:$0x4] =	wrdreg s17  }
0x14: {  	s25 =	simm.s32 $0x300;
	s20 =	sadd.s32 s19, s6;
	[dreg:$0x5] =	wrdreg s7  }
0x15: {  	s11 =	sadd.s32 s8, s3;
	s0 =	sadd.s32 $0x3F400, s0;
	[dreg:$0x6] =	wrdreg s20  }
0x16: {  	s8 =	sor.u32 $0x1C05, s14;
	s22 =	sadd.s32 s19, s5;
	[dreg:$0xd] =	wrdreg s0  }
0x17: {  	s24 =	sadd.s32 s23, s6;
	s26 =	sadd.s32 s23, s5;
	[dreg:$0x7] =	wrdreg s22  }
0x18: {  	s16 =	simm.s32 $0x80;
	s19 =	simm.s32 $0x100;
	[dreg:$0x8] =	wrdreg s24  }
0x19: {  	s23 =	simm.s32 $0x280;
	s7 =	sadd.s32 $0x140, s2;
	[dreg:$0x9] =	wrdreg s26  }
0x1a: {  	s14 =	sshrl.u32 s11, $0x3;
	s15 =	simm.s32 $0x5;
	s17 =	simm.s32 $0x50  }
0x1b: {  	s20 =	simm.s32 $0x180;
	s22 =	simm.s32 $0x200;
	s24 =	simm.s32 $0x5400  }
0x1c: {  	s26 =	simm.s32 $0x380;
	s2 =	simm.s32 $0x4;
	s0 =	simm.s32 $0x0  }
.LBB2_1:
0x1d: {  	s9 =	rddreg [dreg:$0xa]  }
0x1e: {  	[spmem:s14], [sflag:s8] =	dma.local [hbm:s9], $0x2800  }
0x1f: {  	_ =	swait.ge [sflag:s15], $0x2800  }
0x20: {  	[sflag:s15] =	ssyncset.done $0x0  }
0x21: {  	s13 =	rddreg [dreg:$0xb];
	[sflag:s15] =	ssyncadd.s32 $0xFFFFD800  }
0x22: {  	[tilespmem:s4], [sflag:$0x5] =	stream.linear.gather [hbm4b:s13+s4], $0x50, $0x38;
	[tilespmem:$0x1E400] =	vst v63  }
0x23: {  	_ =	swait.ge [sflag:s15], $0x50  }
0x24: {  	[sflag:s15] =	ssyncset.done $0x0  }
0x25: {  	s10 =	rddreg [dreg:$0xc];
	[sflag:s15] =	ssyncadd.s32 $0xFFFFFFB0  }
0x26: {  	[tilespmem:s16], [sflag:$0x5] =	stream.linear.gather [hbm4b:s10+s4], $0x50, $0x38;
	[tilespmem:$0x1E400] =	vst v63  }
0x27: {  	_ =	swait.ge [sflag:s15], $0x50  }
0x28: {  	[sflag:s15] =	ssyncset.done $0x0  }
0x29: {  	[sflag:s15] =	ssyncadd.s32 $0xFFFFFFB0  }
0x2a: {  	[bflag:$0x0] =	sbarrier.arrive $0xFFFF  }
0x2b: {  	s11 =	rddreg [dreg:$0x9]  }
0x2c: {  	[tilespmem:s18], [sflag:$0x1] =	stream.indirect.gather [hbm4b:s1+s17], $0x80, s4, s17, $0xb8;
	[tilespmem:$0x1E400] =	vst v63  }
0x2d: {  	s9 =	sadd.s32 $0x0, s11  }
0x2e: {  	[tilespmem:s19], [sflag:$0x5] =	stream.linear.gather [hbm4b:s9+s4], $0x50, $0x38;
	[tilespmem:$0x1E400] =	vst v63  }
0x2f: {  	_ =	swait.ge [sflag:s15], $0x50  }
0x30: {  	s12 =	rddreg [dreg:$0x8];
	[sflag:s15] =	ssyncset.done $0x0  }
0x31: {  	[sflag:s15] =	ssyncadd.s32 $0xFFFFFFB0;
	s9 =	sadd.s32 $0x0, s12  }
0x32: {  	[tilespmem:s20], [sflag:$0x5] =	stream.linear.gather [hbm4b:s9+s4], $0x50, $0x38;
	[tilespmem:$0x1E400] =	vst v63  }
0x33: {  	_ =	swait.ge [sflag:s15], $0x50  }
0x34: {  	[sflag:s15] =	ssyncset.done $0x0  }
0x35: {  	s13 =	rddreg [dreg:$0x7];
	[sflag:s15] =	ssyncadd.s32 $0xFFFFFFB0  }
0x36: {  	[tilespmem:s21], [sflag:$0x2] =	stream.indirect.gather [hbm4b:s1+s17], $0x80, s19, s17, $0xb8;
	[tilespmem:$0x1E400] =	vst v63  }
0x37: {  	s9 =	sadd.s32 $0x0, s13  }
0x38: {  	[tilespmem:s22], [sflag:$0x5] =	stream.linear.gather [hbm4b:s9+s4], $0x50, $0x38;
	[tilespmem:$0x1E400] =	vst v63  }
0x39: {  	_ =	swait.ge [sflag:s15], $0x50  }
0x3a: {  	s10 =	rddreg [dreg:$0x6];
	[sflag:s15] =	ssyncset.done $0x0  }
0x3b: {  	[sflag:s15] =	ssyncadd.s32 $0xFFFFFFB0;
	s9 =	sadd.s32 $0x0, s10  }
0x3c: {  	[tilespmem:s23], [sflag:$0x5] =	stream.linear.gather [hbm4b:s9+s4], $0x50, $0x38;
	[tilespmem:$0x1E400] =	vst v63  }
0x3d: {  	_ =	swait.ge [sflag:s15], $0x50  }
0x3e: {  	[sflag:s15] =	ssyncset.done $0x0  }
0x3f: {  	s11 =	rddreg [dreg:$0x5];
	[sflag:s15] =	ssyncadd.s32 $0xFFFFFFB0  }
0x40: {  	[tilespmem:s24], [sflag:$0x3] =	stream.indirect.gather [hbm4b:s1+s17], $0x80, s22, s17, $0xb8;
	[tilespmem:$0x1E400] =	vst v63  }
0x41: {  	s9 =	sadd.s32 $0x0, s11  }
0x42: {  	[tilespmem:s25], [sflag:$0x5] =	stream.linear.gather [hbm4b:s9+s4], $0x50, $0x38;
	[tilespmem:$0x1E400] =	vst v63  }
0x43: {  	_ =	swait.ge [sflag:s15], $0x50  }
0x44: {  	s12 =	rddreg [dreg:$0x4];
	[sflag:s15] =	ssyncset.done $0x0  }
0x45: {  	[sflag:s15] =	ssyncadd.s32 $0xFFFFFFB0;
	s9 =	sadd.s32 $0x0, s12  }
0x46: {  	[tilespmem:s26], [sflag:$0x5] =	stream.linear.gather [hbm4b:s9+s4], $0x50, $0x38;
	[tilespmem:$0x1E400] =	vst v63  }
0x47: {  	_ =	swait.ge [sflag:s15], $0x50  }
0x48: {  	[sflag:s15] =	ssyncset.done $0x0  }
0x49: {  	[sflag:s15] =	ssyncadd.s32 $0xFFFFFFB0  }
0x4a: {  	[tilespmem:s28], [sflag:$0x4] =	stream.indirect.gather [hbm4b:s1+s17], $0x80, s25, s17, $0xb8;
	[tilespmem:$0x1E400] =	vst v63  }
0x4b: {  	_ =	swait.ge [sflag:s29], $0x2800  }
0x4c: {  	[sflag:s29] =	ssyncset.done $0x0  }
0x4d: {  	[sflag:s29] =	ssyncadd.s32 $0xFFFFD800  }
0x4e: {  	[spmem:s3] =	stream.indirect.scatter.add.f32 [tilespmem:s18], [sflag:$0x5], $0x80, s16, s17, $0xb8;
	[tilespmem:$0x1E400] =	vst v63  }
0x4f: {  	_ =	swait.ge [sflag:s15], $0x2800  }
0x50: {  	s13 =	sshrl.u32 s7, $0x3;
	[sflag:s15] =	ssyncset.done $0x0  }
0x51: {  	s10 =	sadd.s32 s5, s13;
	[sflag:s15] =	ssyncadd.s32 $0xFFFFD800  }
0x52: {  	[tilespmem:s4], [sflag:$0x5] =	stream.linear.gather [hbm4b:s10+s4], $0x50, $0x38;
	[tilespmem:$0x1E400] =	vst v63  }
0x53: {  	_ =	swait.ge [sflag:s15], $0x50  }
0x54: {  	[sflag:s15] =	ssyncset.done $0x0  }
0x55: {  	s9 =	sadd.s32 s6, s13;
	[sflag:s15] =	ssyncadd.s32 $0xFFFFFFB0  }
0x56: {  	[tilespmem:s16], [sflag:$0x5] =	stream.linear.gather [hbm4b:s9+s4], $0x50, $0x38;
	[tilespmem:$0x1E400] =	vst v63  }
0x57: {  	_ =	swait.ge [sflag:s15], $0x50  }
0x58: {  	[sflag:s15] =	ssyncset.done $0x0  }
0x59: {  	[sflag:s15] =	ssyncadd.s32 $0xFFFFFFB0  }
0x5a: {  	_ =	swait.ge [sflag:s30], $0x2800  }
0x5b: {  	[sflag:s30] =	ssyncset.done $0x0  }
0x5c: {  	[sflag:s30] =	ssyncadd.s32 $0xFFFFD800  }
0x5d: {  	[spmem:s3] =	stream.indirect.scatter.add.f32 [tilespmem:s21], [sflag:$0x5], $0x80, s20, s17, $0xb8;
	[tilespmem:$0x1E400] =	vst v63  }
0x5e: {  	_ =	swait.ge [sflag:s15], $0x2800  }
0x5f: {  	[sflag:s15] =	ssyncset.done $0x0  }
0x60: {  	[sflag:s15] =	ssyncadd.s32 $0xFFFFD800  }
0x61: {  	_ =	swait.ge [sflag:s31], $0x2800  }
0x62: {  	[sflag:s31] =	ssyncset.done $0x0  }
0x63: {  	[sflag:s31] =	ssyncadd.s32 $0xFFFFD800  }
0x64: {  	[spmem:s3] =	stream.indirect.scatter.add.f32 [tilespmem:s24], [sflag:$0x5], $0x80, s23, s17, $0xb8;
	[tilespmem:$0x1E400] =	vst v63  }
0x65: {  	_ =	swait.ge [sflag:s15], $0x2800  }
0x66: {  	[sflag:s15] =	ssyncset.done $0x0  }
0x67: {  	[sflag:s15] =	ssyncadd.s32 $0xFFFFD800  }
0x68: {  	_ =	swait.ge [sflag:s2], $0x2800  }
0x69: {  	[sflag:s2] =	ssyncset.done $0x0  }
0x6a: {  	[sflag:s2] =	ssyncadd.s32 $0xFFFFD800  }
0x6b: {  	[spmem:s3] =	stream.indirect.scatter.add.f32 [tilespmem:s28], [sflag:$0x5], $0x80, s26, s17, $0xb8;
	[tilespmem:$0x1E400] =	vst v63  }
0x6c: {  	s13 =	smov.u32 s7;
	s10 =	simm.s32 $0x50;
	_ =	swait.ge [sflag:s15], $0x2800  }
0x6d: {  	s9 =	simm.s32 $0x28;
	s11 =	rddreg [dreg:$0x9];
	[sflag:s15] =	ssyncset.done $0x0  }
.LBB2_2:
0x6e: {  	[sflag:s15] =	ssyncadd.s32 $0xFFFFD800  }
0x6f: {  	[tilespmem:s18], [sflag:$0x1] =	stream.indirect.gather [hbm4b:s1+s17], $0x80, s4, s17, $0xb8;
	[tilespmem:$0x1E400] =	vst v63  }
0x70: {  	s12 =	sadd.s32 s9, s11  }
0x71: {  	[tilespmem:s19], [sflag:$0x5] =	stream.linear.gather [hbm4b:s12+s4], $0x50, $0x38;
	[tilespmem:$0x1E400] =	vst v63  }
0x72: {  	_ =	swait.ge [sflag:s15], $0x50  }
0x73: {  	s12 =	rddreg [dreg:$0x8];
	[sflag:s15] =	ssyncset.done $0x0  }
0x74: {  	[sflag:s15] =	ssyncadd.s32 $0xFFFFFFB0;
	s12 =	sadd.s32 s9, s12  }
0x75: {  	[tilespmem:s20], [sflag:$0x5] =	stream.linear.gather [hbm4b:s12+s4], $0x50, $0x38;
	[tilespmem:$0x1E400] =	vst v63  }
0x76: {  	_ =	swait.ge [sflag:s15], $0x50  }
0x77: {  	[sflag:s15] =	ssyncset.done $0x0  }
0x78: {  	s12 =	rddreg [dreg:$0x7];
	[sflag:s15] =	ssyncadd.s32 $0xFFFFFFB0  }
0x79: {  	[tilespmem:s21], [sflag:$0x2] =	stream.indirect.gather [hbm4b:s1+s17], $0x80, s19, s17, $0xb8;
	[tilespmem:$0x1E400] =	vst v63  }
0x7a: {  	s12 =	sadd.s32 s9, s12  }
0x7b: {  	[tilespmem:s22], [sflag:$0x5] =	stream.linear.gather [hbm4b:s12+s4], $0x50, $0x38;
	[tilespmem:$0x1E400] =	vst v63  }
0x7c: {  	_ =	swait.ge [sflag:s15], $0x50  }
0x7d: {  	s12 =	rddreg [dreg:$0x6];
	[sflag:s15] =	ssyncset.done $0x0  }
0x7e: {  	[sflag:s15] =	ssyncadd.s32 $0xFFFFFFB0;
	s12 =	sadd.s32 s9, s12  }
0x7f: {  	[tilespmem:s23], [sflag:$0x5] =	stream.linear.gather [hbm4b:s12+s4], $0x50, $0x38;
	[tilespmem:$0x1E400] =	vst v63  }
0x80: {  	_ =	swait.ge [sflag:s15], $0x50  }
0x81: {  	[sflag:s15] =	ssyncset.done $0x0  }
0x82: {  	s12 =	rddreg [dreg:$0x5];
	[sflag:s15] =	ssyncadd.s32 $0xFFFFFFB0  }
0x83: {  	[tilespmem:s24], [sflag:$0x3] =	stream.indirect.gather [hbm4b:s1+s17], $0x80, s22, s17, $0xb8;
	[tilespmem:$0x1E400] =	vst v63  }
0x84: {  	s12 =	sadd.s32 s9, s12  }
0x85: {  	[tilespmem:s25], [sflag:$0x5] =	stream.linear.gather [hbm4b:s12+s4], $0x50, $0x38;
	[tilespmem:$0x1E400] =	vst v63  }
0x86: {  	_ =	swait.ge [sflag:s15], $0x50  }
0x87: {  	s12 =	rddreg [dreg:$0x4];
	[sflag:s15] =	ssyncset.done $0x0  }
0x88: {  	[sflag:s15] =	ssyncadd.s32 $0xFFFFFFB0;
	s12 =	sadd.s32 s9, s12  }
0x89: {  	[tilespmem:s26], [sflag:$0x5] =	stream.linear.gather [hbm4b:s12+s4], $0x50, $0x38;
	[tilespmem:$0x1E400] =	vst v63  }
0x8a: {  	_ =	swait.ge [sflag:s15], $0x50  }
0x8b: {  	[sflag:s15] =	ssyncset.done $0x0  }
0x8c: {  	[sflag:s15] =	ssyncadd.s32 $0xFFFFFFB0  }
0x8d: {  	[tilespmem:s28], [sflag:$0x4] =	stream.indirect.gather [hbm4b:s1+s17], $0x80, s25, s17, $0xb8;
	[tilespmem:$0x1E400] =	vst v63  }
0x8e: {  	_ =	swait.ge [sflag:s29], $0x2800  }
0x8f: {  	[sflag:s29] =	ssyncset.done $0x0  }
0x90: {  	[sflag:s29] =	ssyncadd.s32 $0xFFFFD800  }
0x91: {  	[spmem:s3] =	stream.indirect.scatter.add.f32 [tilespmem:s18], [sflag:$0x5], $0x80, s16, s17, $0xb8;
	[tilespmem:$0x1E400] =	vst v63  }
0x92: {  	s13 =	sadd.s32 $0x140, s13;
	s11 =	smov.u32 s10;
	_ =	swait.ge [sflag:s15], $0x2800  }
0x93: {  	s9 =	smov.u32 s11;
	s11 =	sshrl.u32 s13, $0x3;
	[sflag:s15] =	ssyncset.done $0x0  }
0x94: {  	s12 =	sadd.s32 s5, s11;
	[sflag:s15] =	ssyncadd.s32 $0xFFFFD800  }
0x95: {  	[tilespmem:s4], [sflag:$0x5] =	stream.linear.gather [hbm4b:s12+s4], $0x50, $0x38;
	[tilespmem:$0x1E400] =	vst v63  }
0x96: {  	_ =	swait.ge [sflag:s15], $0x50  }
0x97: {  	[sflag:s15] =	ssyncset.done $0x0  }
0x98: {  	s11 =	sadd.s32 s6, s11;
	[sflag:s15] =	ssyncadd.s32 $0xFFFFFFB0  }
0x99: {  	[tilespmem:s16], [sflag:$0x5] =	stream.linear.gather [hbm4b:s11+s4], $0x50, $0x38;
	[tilespmem:$0x1E400] =	vst v63  }
0x9a: {  	_ =	swait.ge [sflag:s15], $0x50  }
0x9b: {  	[sflag:s15] =	ssyncset.done $0x0  }
0x9c: {  	[sflag:s15] =	ssyncadd.s32 $0xFFFFFFB0  }
0x9d: {  	_ =	swait.ge [sflag:s30], $0x2800  }
0x9e: {  	[sflag:s30] =	ssyncset.done $0x0  }
0x9f: {  	[sflag:s30] =	ssyncadd.s32 $0xFFFFD800  }
0xa0: {  	[spmem:s3] =	stream.indirect.scatter.add.f32 [tilespmem:s21], [sflag:$0x5], $0x80, s20, s17, $0xb8;
	[tilespmem:$0x1E400] =	vst v63  }
0xa1: {  	_ =	swait.ge [sflag:s15], $0x2800  }
0xa2: {  	[sflag:s15] =	ssyncset.done $0x0  }
0xa3: {  	[sflag:s15] =	ssyncadd.s32 $0xFFFFD800  }
0xa4: {  	_ =	swait.ge [sflag:s31], $0x2800  }
0xa5: {  	[sflag:s31] =	ssyncset.done $0x0  }
0xa6: {  	[sflag:s31] =	ssyncadd.s32 $0xFFFFD800  }
0xa7: {  	[spmem:s3] =	stream.indirect.scatter.add.f32 [tilespmem:s24], [sflag:$0x5], $0x80, s23, s17, $0xb8;
	[tilespmem:$0x1E400] =	vst v63  }
0xa8: {  	_ =	swait.ge [sflag:s15], $0x2800  }
0xa9: {  	[sflag:s15] =	ssyncset.done $0x0  }
0xaa: {  	[sflag:s15] =	ssyncadd.s32 $0xFFFFD800  }
0xab: {  	p0 =	sne.s32 s10, $0x4B0;
	_ =	swait.ge [sflag:s2], $0x2800  }
.Ltmp0:
0xac: {  	[sflag:s2] =	ssyncset.done $0x0;
	(pc) =	sbr.rel @p0 .LBB2_2-.Ltmp0, $4  }
0xad: {  	[sflag:s2] =	ssyncadd.s32 $0xFFFFD800  }
0xae: {  	[spmem:s3] =	stream.indirect.scatter.add.f32 [tilespmem:s28], [sflag:$0x5], $0x80, s26, s17, $0xb8;
	[tilespmem:$0x1E400] =	vst v63  }
0xaf: {  	_ =	swait.ge [sflag:s15], $0x2800  }
0xb0: {  	s10 =	sadd.s32 $0x28, s10;
	s11 =	rddreg [dreg:$0x9];
	[sflag:s15] =	ssyncset.done $0x0  }
0xb1: {  	[sflag:s15] =	ssyncadd.s32 $0xFFFFD800  }
0xb2: {  	[tilespmem:s18], [sflag:$0x1] =	stream.indirect.gather [hbm4b:s1+s17], $0x80, s4, s17, $0xb8;
	[tilespmem:$0x1E400] =	vst v63  }
0xb3: {  	s10 =	sadd.s32 s9, s11  }
0xb4: {  	[tilespmem:s19], [sflag:$0x5] =	stream.linear.gather [hbm4b:s10+s4], $0x50, $0x38;
	[tilespmem:$0x1E400] =	vst v63  }
0xb5: {  	_ =	swait.ge [sflag:s15], $0x50  }
0xb6: {  	s11 =	rddreg [dreg:$0x8];
	[sflag:s15] =	ssyncset.done $0x0  }
0xb7: {  	[sflag:s15] =	ssyncadd.s32 $0xFFFFFFB0;
	s10 =	sadd.s32 s9, s11  }
0xb8: {  	[tilespmem:s20], [sflag:$0x5] =	stream.linear.gather [hbm4b:s10+s4], $0x50, $0x38;
	[tilespmem:$0x1E400] =	vst v63  }
0xb9: {  	_ =	swait.ge [sflag:s15], $0x50  }
0xba: {  	[sflag:s15] =	ssyncset.done $0x0  }
0xbb: {  	s12 =	rddreg [dreg:$0x7];
	[sflag:s15] =	ssyncadd.s32 $0xFFFFFFB0  }
0xbc: {  	[tilespmem:s21], [sflag:$0x2] =	stream.indirect.gather [hbm4b:s1+s17], $0x80, s19, s17, $0xb8;
	[tilespmem:$0x1E400] =	vst v63  }
0xbd: {  	s10 =	sadd.s32 s9, s12  }
0xbe: {  	[tilespmem:s22], [sflag:$0x5] =	stream.linear.gather [hbm4b:s10+s4], $0x50, $0x38;
	[tilespmem:$0x1E400] =	vst v63  }
0xbf: {  	_ =	swait.ge [sflag:s15], $0x50  }
0xc0: {  	s11 =	rddreg [dreg:$0x6];
	[sflag:s15] =	ssyncset.done $0x0  }
0xc1: {  	[sflag:s15] =	ssyncadd.s32 $0xFFFFFFB0;
	s10 =	sadd.s32 s9, s11  }
0xc2: {  	[tilespmem:s23], [sflag:$0x5] =	stream.linear.gather [hbm4b:s10+s4], $0x50, $0x38;
	[tilespmem:$0x1E400] =	vst v63  }
0xc3: {  	_ =	swait.ge [sflag:s15], $0x50  }
0xc4: {  	[sflag:s15] =	ssyncset.done $0x0  }
0xc5: {  	s12 =	rddreg [dreg:$0x5];
	[sflag:s15] =	ssyncadd.s32 $0xFFFFFFB0  }
0xc6: {  	[tilespmem:s24], [sflag:$0x3] =	stream.indirect.gather [hbm4b:s1+s17], $0x80, s22, s17, $0xb8;
	[tilespmem:$0x1E400] =	vst v63  }
0xc7: {  	s10 =	sadd.s32 s9, s12  }
0xc8: {  	[tilespmem:s25], [sflag:$0x5] =	stream.linear.gather [hbm4b:s10+s4], $0x50, $0x38;
	[tilespmem:$0x1E400] =	vst v63  }
0xc9: {  	_ =	swait.ge [sflag:s15], $0x50  }
0xca: {  	s11 =	rddreg [dreg:$0x4];
	[sflag:s15] =	ssyncset.done $0x0  }
0xcb: {  	s12 =	sadd.s32 s9, s11;
	[sflag:s15] =	ssyncadd.s32 $0xFFFFFFB0  }
0xcc: {  	[tilespmem:s26], [sflag:$0x5] =	stream.linear.gather [hbm4b:s12+s4], $0x50, $0x38;
	[tilespmem:$0x1E400] =	vst v63  }
0xcd: {  	_ =	swait.ge [sflag:s15], $0x50  }
0xce: {  	[sflag:s15] =	ssyncset.done $0x0  }
0xcf: {  	[sflag:s15] =	ssyncadd.s32 $0xFFFFFFB0  }
0xd0: {  	[tilespmem:s28], [sflag:$0x4] =	stream.indirect.gather [hbm4b:s1+s17], $0x80, s25, s17, $0xb8;
	[tilespmem:$0x1E400] =	vst v63  }
0xd1: {  	_ =	swait.ge [sflag:s29], $0x2800  }
0xd2: {  	[sflag:s29] =	ssyncset.done $0x0  }
0xd3: {  	[sflag:s29] =	ssyncadd.s32 $0xFFFFD800  }
0xd4: {  	[spmem:s3] =	stream.indirect.scatter.add.f32 [tilespmem:s18], [sflag:$0x5], $0x80, s16, s17, $0xb8;
	[tilespmem:$0x1E400] =	vst v63  }
0xd5: {  	s10 =	sadd.s32 $0x140, s13;
	_ =	swait.ge [sflag:s15], $0x2800  }
0xd6: {  	s9 =	sshrl.u32 s10, $0x3;
	[sflag:s15] =	ssyncset.done $0x0  }
0xd7: {  	s11 =	sadd.s32 s5, s9;
	[sflag:s15] =	ssyncadd.s32 $0xFFFFD800  }
0xd8: {  	[tilespmem:s4], [sflag:$0x5] =	stream.linear.gather [hbm4b:s11+s4], $0x50, $0x38;
	[tilespmem:$0x1E400] =	vst v63  }
0xd9: {  	_ =	swait.ge [sflag:s15], $0x50  }
0xda: {  	[sflag:s15] =	ssyncset.done $0x0  }
0xdb: {  	s9 =	sadd.s32 s6, s9;
	[sflag:s15] =	ssyncadd.s32 $0xFFFFFFB0  }
0xdc: {  	[tilespmem:s16], [sflag:$0x5] =	stream.linear.gather [hbm4b:s9+s4], $0x50, $0x38;
	[tilespmem:$0x1E400] =	vst v63  }
0xdd: {  	_ =	swait.ge [sflag:s15], $0x50  }
0xde: {  	[sflag:s15] =	ssyncset.done $0x0  }
0xdf: {  	[sflag:s15] =	ssyncadd.s32 $0xFFFFFFB0  }
0xe0: {  	_ =	swait.ge [sflag:s30], $0x2800  }
0xe1: {  	[sflag:s30] =	ssyncset.done $0x0  }
0xe2: {  	[sflag:s30] =	ssyncadd.s32 $0xFFFFD800  }
0xe3: {  	[spmem:s3] =	stream.indirect.scatter.add.f32 [tilespmem:s21], [sflag:$0x5], $0x80, s20, s17, $0xb8;
	[tilespmem:$0x1E400] =	vst v63  }
0xe4: {  	_ =	swait.ge [sflag:s15], $0x2800  }
0xe5: {  	[sflag:s15] =	ssyncset.done $0x0  }
0xe6: {  	[sflag:s15] =	ssyncadd.s32 $0xFFFFD800  }
0xe7: {  	_ =	swait.ge [sflag:s31], $0x2800  }
0xe8: {  	[sflag:s31] =	ssyncset.done $0x0  }
0xe9: {  	[sflag:s31] =	ssyncadd.s32 $0xFFFFD800  }
0xea: {  	[spmem:s3] =	stream.indirect.scatter.add.f32 [tilespmem:s24], [sflag:$0x5], $0x80, s23, s17, $0xb8;
	[tilespmem:$0x1E400] =	vst v63  }
0xeb: {  	_ =	swait.ge [sflag:s15], $0x2800  }
0xec: {  	[sflag:s15] =	ssyncset.done $0x0  }
0xed: {  	[sflag:s15] =	ssyncadd.s32 $0xFFFFD800  }
0xee: {  	_ =	swait.ge [sflag:s2], $0x2800  }
0xef: {  	[sflag:s2] =	ssyncset.done $0x0  }
0xf0: {  	[sflag:s2] =	ssyncadd.s32 $0xFFFFD800  }
0xf1: {  	[spmem:s3] =	stream.indirect.scatter.add.f32 [tilespmem:s28], [sflag:$0x5], $0x80, s26, s17, $0xb8;
	[tilespmem:$0x1E400] =	vst v63  }
0xf2: {  	_ =	swait.ge [sflag:s15], $0x2800  }
0xf3: {  	[sflag:s15] =	ssyncset.done $0x0  }
0xf4: {  	[sflag:s15] =	ssyncadd.s32 $0xFFFFD800  }
0xf5: {  	[tilespmem:s18], [sflag:$0x1] =	stream.indirect.gather [hbm4b:s1+s17], $0x80, s4, s17, $0xb8;
	[tilespmem:$0x1E400] =	vst v63  }
0xf6: {  	_ =	swait.ge [sflag:s29], $0x2800  }
0xf7: {  	[sflag:s29] =	ssyncset.done $0x0  }
0xf8: {  	[sflag:s29] =	ssyncadd.s32 $0xFFFFD800  }
0xf9: {  	[spmem:s3] =	stream.indirect.scatter.add.f32 [tilespmem:s18], [sflag:$0x5], $0x80, s16, s17, $0xb8;
	[tilespmem:$0x1E400] =	vst v63  }
0xfa: {  	_ =	swait.ge [sflag:s15], $0x2800  }
0xfb: {  	[sflag:s15] =	ssyncset.done $0x0  }
0xfc: {  	[sflag:s15] =	ssyncadd.s32 $0xFFFFD800  }
0xfd: {  	[bflag:$0x0] =	sbarrier.arrive $0xFFFF  }
0xfe: {  	s12 =	rddreg [dreg:$0xd]  }
0xff: {  	[hbm:s12], [sflag:s8] =	dma.local [spmem:s14], $0x2800  }
0x100: {  	_ =	swait.ge [sflag:s15], $0x2800  }
0x101: {  	s0 =	sadd.s32 $0x1, s0;
	s13 =	rddreg [dreg:$0xe]  }
0x102: {  	p0 =	sne.s32 s0, s13  }
.Ltmp1:
0x103: {  	_ = 	snop;
	(pc) =	sbr.rel @p0 .LBB2_1-.Ltmp1, $3  }
0x104: {  	_ =	sdelay $0x1  }
0x105: {  	[sflag:s15] =	ssyncset.done $0x0  }
0x106: {  	[sflag:s15] =	ssyncadd.s32 $0xFFFFD800  }
0x107: {  	_ =	sfence.sel $0x180000  }
0x108: {  	[bflag:$0x0] =	sbarrier.arrive $0xFFFF  }
0x109: {  	_ =	strace $0x90000047  }
0x10a: {  	s0 =	stileid.u32;
	[bflag:$0x2] =	sbarrier.arrive $0xFFFF  }
0x10b: {  	p0 =	sne.s32 s0, $0x0;
	s0 =	rddreg [dreg:$0x3]  }
0x10c: {  	s0 =	sadd.s32 @!p0 $0x100000, s0  }
0x10d: {  	[sflag:s0] =	ssyncadd.tile.s32 @!p0 $0x1;
	_ =	shalt  }
.Lfunc_end2:
_tile_overlayer_lowered:
.L_overlay_start_2:
0x10e: {  	(tag) =	ssettag $0x2  }
0x10f: {  	s0 =	rddreg [dreg:$0x0];
	s2 =	stileid.u32  }
0x110: {  	s1 =	rddreg [dreg:$0x1];
	p0 =	sne.s32 s2, $0x0  }
0x111: {  	s3 =	rddreg [dreg:$0x2];
	[bflag:$0x3] =	sbarrier.arrive $0xFFFF;
	s2 =	simm.s32 @!p0 $0x1C05  }
0x112: {  	[timem:s3], [sflag:s2] =	dma.local @!p0 [hbm:s0], s1  }
0x113: {  	s0 =	simm.s32 @!p0 $0x5  }
0x114: {  	_ =	swait.ge @!p0 [sflag:s0], s1  }
0x115: {  	s1 =	ssub.s32 @!p0 $0x0, s1;
	[sflag:s0] =	ssyncset.done @!p0 $0x0  }
0x116: {  	[sflag:s0] =	ssyncadd.s32 @!p0 s1  }
0x117: {  	[bflag:$0x3] =	sbarrier.arrive $0xFFFF  }
0x118: {  	_ =	shalt  }

// kernel: kernel.15.cloned.1.call-start
scs
__scs_entry_jumppad:
0x0: {  	(pc) =	sbr.rel $0x88, $3  }
0x1: {  	(tag) =	ssettag $0x0;
	lr =	simm.s32 $0x1  }
0x2: {  	[smem:$0x3F96] =	sst lr;
	_ =	strace $0xD0000000  }
0x3: {  	_ = 	snop  }
0x4: {  	_ = 	snop  }
0x5: {  	_ = 	snop  }
0x6: {  	_ = 	snop  }
0x7: {  	_ = 	snop  }
__scs_overlays_trampoline_lowered:
0x8: {  	[smem:$0x3FA5] =	sst s0  }
0x9: {  	[smem:$0x3FA6] =	sst s1  }
0xa: {  	[smem:$0x3FA7] =	sst s2  }
0xb: {  	[smem:$0x3FA8] =	sst s3  }
0xc: {  	[smem:$0x3FA9] =	sst s4  }
0xd: {  	[smem:$0x3FAA] =	sst s5  }
0xe: {  	[smem:$0x3FAB] =	sst s6  }
0xf: {  	[smem:$0x3FAC] =	sst s7  }
0x10: {  	[smem:$0x3FAD] =	sst s8  }
0x11: {  	[smem:$0x3FAE] =	sst s9;
	s0 =	simm.s32 @!p0 $0x0  }
0x12: {  	s1 =	sld [smem:$0x3F94];
	s0 =	simm.s32 @p0 $0x1  }
0x13: {  	[smem:$0x3FAF] =	sst s0;
	s0 =	simm.s32 @!p1 $0x0  }
0x14: {  	s2 =	sld [smem:$0x3F93];
	s0 =	simm.s32 @p1 $0x1  }
0x15: {  	[smem:$0x3FB0] =	sst s0;
	s0 =	simm.s32 @!p2 $0x0  }
0x16: {  	s3 =	sld [smem:$0x3FDB];
	s0 =	simm.s32 @p2 $0x1  }
0x17: {  	s4 =	simm.s32 $0x1BF5;
	[smem:$0x3FB2] =	sst s0  }
0x18: {  	s0 =	sld [smem:$0x3F95];
	_ =	swait.ge [sflag:s4], $0x0  }
0x19: {  	s7 =	sld [smem:$0x3F96]  }
0x1a: {  	s8 =	sadd.s32 $0xFFFFE003, lr  }
0x1b: {  	s9 =	sadd.s32 $0xFFFFFEF7, lr;
	s5 =	simm.s32 $0xFFFFFFFF;
	p2 =	slt.u32 s8, $0xFFFFF086  }
0x1c: {  	p1 =	slt.u32 s9, $0xF7A;
	s5 =	simm.s32 @!p2 $0x0  }
0x1d: {  	s5 =	simm.s32 @p1 $0x1;
	p0 =	seq.s32 s7, s2  }
0x1e: {  	s7 =	smul.u32 @!p0 $0xF7A, s2;
	p2 =	seq.s32 @!p0 s5, $0x0  }
0x1f: {  	s9 =	smul.u32 $0xF7A, s1;
	s8 =	simm.s32 @!p0 $0x1BF5;
	p2 =	por !p2, p0  }
0x20: {  	[sflag:s8] =	ssyncset.s32 @!p0 $0xFFFFF086;
	s6 =	sadd.s32 @!p0 s3, s7;
	s7 =	simm.s32 @!p0 $0x108  }
0x21: {  	s3 =	sadd.s32 s3, s9;
	s6 =	sadd.s32 @!p0 $0x88, s6;
	s7 =	simm.s32 @p2 $0x1082  }
0x22: {  	[simem:s7], [sflag:s8] =	dma.local @!p0 [hbm:s6], $0xF7A  }
0x23: {  	s9 =	sor.u32 $0xD0000000, s2;
	s6 =	simm.s32 $0x108;
	_ =	swait.ge @!p0 [sflag:s8], $0x0  }
0x24: {  	s3 =	sadd.s32 $0x88, s3;
	s6 =	simm.s32 @!p1 $0x1082;
	[sflag:s4] =	ssyncset.s32 $0xFFFFF086  }
0x25: {  	[simem:s6], [sflag:s4] =	dma.local [hbm:s3], $0xF7A  }
0x26: {  	[smem:$0x3F96] =	sst s1;
	(tag) =	ssettag s2;
	_ =	strace s9  }
0x27: {  	s1 =	sld [smem:$0x3FA6]  }
0x28: {  	s2 =	sld [smem:$0x3FA7]  }
0x29: {  	s4 =	sld [smem:$0x3FA9]  }
0x2a: {  	p0 =	seq.s32 s5, $0x0;
	s5 =	sld [smem:$0x3FAA]  }
0x2b: {  	s6 =	sld [smem:$0x3FAB]  }
0x2c: {  	s7 =	sld [smem:$0x3FAC]  }
0x2d: {  	s3 =	simm.s32 $0x108;
	s8 =	sld [smem:$0x3FAD]  }
0x2e: {  	s3 =	simm.s32 @!p0 $0x1082;
	s9 =	sld [smem:$0x3FAE]  }
0x2f: {  	lr =	sadd.s32 s0, s3;
	s0 =	sld [smem:$0x3FA5]  }
0x30: {  	s3 =	sld [smem:$0x3FA8]  }
0x31: {  	[smem:$0x3FB1] =	sst s10  }
0x32: {  	s10 =	sld [smem:$0x3FAF];
	_ =	sdelay $0x3  }
0x33: {  	p0 =	seq.s32 s10, $0x1;
	s10 =	sld [smem:$0x3FB1];
	_ =	sdelay $0x3  }
0x34: {  	[smem:$0x3FB1] =	sst s10  }
0x35: {  	s10 =	sld [smem:$0x3FB0];
	_ =	sdelay $0x3  }
0x36: {  	p1 =	seq.s32 s10, $0x1;
	s10 =	sld [smem:$0x3FB1];
	_ =	sdelay $0x3  }
0x37: {  	[smem:$0x3FB1] =	sst s10  }
0x38: {  	s10 =	sld [smem:$0x3FB2]  }
0x39: {  	_ = 	snop;
	(pc) =	sbr.ind lr, $3  }
0x3a: {  	_ = 	snop  }
0x3b: {  	_ = 	snop  }
0x3c: {  	p2 =	seq.s32 s10, $0x1;
	s10 =	sld [smem:$0x3FB1]  }
0x3d: {  	_ =	shalt  }
0x3e: {  	_ =	shalt  }
0x3f: {  	_ =	shalt  }
0x40: {  	_ =	shalt  }
0x41: {  	_ =	shalt  }
0x42: {  	_ =	shalt  }
0x43: {  	_ =	shalt  }
0x44: {  	_ =	shalt  }
0x45: {  	_ =	shalt  }
0x46: {  	_ =	shalt  }
0x47: {  	_ =	shalt  }
0x48: {  	_ =	shalt  }
0x49: {  	_ =	shalt  }
0x4a: {  	_ =	shalt  }
0x4b: {  	_ =	shalt  }
0x4c: {  	_ =	shalt  }
0x4d: {  	_ =	shalt  }
0x4e: {  	_ =	shalt  }
0x4f: {  	_ =	shalt  }
0x50: {  	_ =	shalt  }
0x51: {  	_ =	shalt  }
0x52: {  	_ =	shalt  }
0x53: {  	_ =	shalt  }
0x54: {  	_ =	shalt  }
0x55: {  	_ =	shalt  }
0x56: {  	_ =	shalt  }
0x57: {  	_ =	shalt  }
0x58: {  	_ =	shalt  }
0x59: {  	_ =	shalt  }
0x5a: {  	_ =	shalt  }
0x5b: {  	_ =	shalt  }
0x5c: {  	_ =	shalt  }
0x5d: {  	_ =	shalt  }
0x5e: {  	_ =	shalt  }
0x5f: {  	_ =	shalt  }
0x60: {  	_ =	shalt  }
0x61: {  	_ =	shalt  }
0x62: {  	_ =	shalt  }
0x63: {  	_ =	shalt  }
0x64: {  	_ =	shalt  }
0x65: {  	_ =	shalt  }
0x66: {  	_ =	shalt  }
0x67: {  	_ =	shalt  }
0x68: {  	_ =	shalt  }
0x69: {  	_ =	shalt  }
0x6a: {  	_ =	shalt  }
0x6b: {  	_ =	shalt  }
0x6c: {  	_ =	shalt  }
0x6d: {  	_ =	shalt  }
0x6e: {  	_ =	shalt  }
0x6f: {  	_ =	shalt  }
0x70: {  	_ =	shalt  }
0x71: {  	_ =	shalt  }
0x72: {  	_ =	shalt  }
0x73: {  	_ =	shalt  }
0x74: {  	_ =	shalt  }
0x75: {  	_ =	shalt  }
0x76: {  	_ =	shalt  }
0x77: {  	_ =	shalt  }
0x78: {  	_ =	shalt  }
0x79: {  	_ =	shalt  }
0x7a: {  	_ =	shalt  }
0x7b: {  	_ =	shalt  }
0x7c: {  	_ =	shalt  }
0x7d: {  	_ =	shalt  }
0x7e: {  	_ =	shalt  }
0x7f: {  	_ =	shalt  }
0x80: {  	_ =	shalt  }
0x81: {  	_ =	shalt  }
0x82: {  	_ =	shalt  }
0x83: {  	_ =	shalt  }
0x84: {  	_ =	shalt  }
0x85: {  	_ =	shalt  }
0x86: {  	_ =	shalt  }
0x87: {  	_ =	shalt  }
.Lfunc_end0:
.L_simem_size_0:
called_computation.2_lowered:
.L_overlay_start_0:
0x88: {  	s2 =	sld [smem:$0x3FD9]  }
0x89: {  	s3 =	sld [smem:$0x3FFE];
	_ =	sdelay $0x1  }
0x8a: {  	s1 =	srdreg.scid  }
0x8b: {  	s0 =	sand.u32 $0x1, s1  }
0x8c: {  	s17 =	sshll.u32 s0, $0xA;
	s2 =	sadd.s32 s3, s2  }
0x8d: {  	s2 =	sadd.s32 s2, s17  }
0x8e: {  	[smem:$0x3FBD] =	sst s2  }
0x8f: {  	_ = 	snop  }
0x90: {  	s2 =	sld [smem:$0x3FD0];
	(tm) =	ssettm $0x1  }
0x91: {  	s18 =	sld [smem:$0x3FFB];
	_ =	sdelay $0x3  }
0x92: {  	_ =	strace s18  }
0x93: {  	s3 =	sld [smem:$0x3FFC];
	_ =	sdelay $0x3  }
0x94: {  	_ =	strace s3  }
0x95: {  	s3 =	sld [smem:$0x3FFD];
	_ =	sdelay $0x3  }
0x96: {  	_ =	strace s3  }
0x97: {  	_ =	strace $0x8FFFFFFF  }
0x98: {  	s19 =	sld [smem:$0x3FDB];
	_ =	sdelay $0x1  }
0x99: {  	s4 =	simm.s32 $_scs_section_size  }
0x9a: {  	s5 =	simm.s32 $_size__tile_overlayer_lowered;
	s6 =	simm.s32 $_tile_overlayer_lowered  }
0x9b: {  	s22 =	simm.s32 $0x1BFF;
	s21 =	sshll.u32 s6, $0x1;
	s3 =	sadd.s32 s4, s19  }
0x9c: {  	s7 =	simm.s32 $0x0;
	s20 =	sshll.u32 s5, $0x1;
	s5 =	sadd.s32 s21, s3  }
0x9d: {  	[timem:s7], [sflag:s22] =	dma.local [hbm:s5], s20  }
0x9e: {  	_ =	swait.ge [sflag:s22], s20  }
0x9f: {  	s4 =	ssub.s32 $0x0, s20;
	[sflag:s22] =	ssyncset.done $0x0  }
0xa0: {  	[sflag:s22] =	ssyncadd.s32 s4;
	_ =	sdelay $0x1  }
0xa1: {  	s23 =	simm.s32 $0x1B8B  }
0xa2: {  	_ =	swait.ge [sflag:s23], $0x1  }
0xa3: {  	[sflag:s23] =	ssyncset.done $0x0  }
0xa4: {  	s25 =	simm.s32 $0x1B8E;
	s24 =	sld [smem:$0x3FFE];
	[sflag:s23] =	ssyncadd.s32 $0xFFFFFFFF  }
0xa5: {  	s26 =	simm.s32 $execute0_lowered;
	[smem:$0x3FD2] =	sst s25  }
0xa6: {  	s5 =	sshll.u32 s26, $0x1;
	_ =	strace $0x8000004C;
	[dreg:$0x1] =	wrdreg $0xFFFFFFFF  }
0xa7: {  	s28 =	simm.s32 $_size_execute0_lowered;
	s3 =	sadd.s32 s3, s5;
	[dreg:$0x0] =	wrdreg $0x0  }
0xa8: {  	s5 =	sshll.u32 s28, $0x1;
	[dreg:$0x2] =	wrdreg s3  }
0xa9: {  	[dreg:$0x3] =	wrdreg s5  }
0xaa: {  	[dreg:$0x4] =	wrdreg $0xC0  }
0xab: {  	_ =	task [dreg:s7], $0x5FFFF  }
0xac: {  	[dreg:$0x1] =	wrdreg $0xFFFFFFFF  }
0xad: {  	[dreg:$0x0] =	wrdreg $0x60  }
0xae: {  	[dreg:$0x2] =	wrdreg s2  }
0xaf: {  	[dreg:$0x3] =	wrdreg s24  }
0xb0: {  	[dreg:$0x4] =	wrdreg $0xA4000  }
0xb1: {  	[dreg:$0x5] =	wrdreg $0x9  }
0xb2: {  	_ =	task.clear_ibuf [dreg:s7], $0x6FFFF;
	_ =	strace $0x9000004C  }
0xb3: {  	s29 =	simm.s32 $0x9;
	_ =	strace $0x8000004E  }
0xb4: {  	_ =	swait.ge [sflag:s29], $0x1  }
0xb5: {  	[sflag:s29] =	ssyncadd.s32 $0xFFFFFFFF  }
0xb6: {  	_ =	strace $0x9000004E  }
0xb7: {  	_ =	sfence  }
0xb8: {  	s30 =	sld [smem:$0x0];
	_ =	sdelay $0x2  }
0xb9: {  	s31 =	sshll.u32 s1, $0xD;
	s1 =	sshrl.u32 s1, $0x2  }
0xba: {  	s3 =	sand.u32 $0x4000, s31;
	s1 =	sadd.s32 s1, s30  }
0xbb: {  	s0 =	sor.u32 s3, s0;
	s1 =	sshll.u32 s1, $0x11  }
0xbc: {  	s0 =	sor.u32 s1, s0  }
0xbd: {  	s0 =	sadd.s32 $0x8F2B, s0  }
0xbe: {  	[sflag:s0] =	ssyncadd.remote.s32 $0x1  }
0xbf: {  	_ =	sfence.sel $0xFFFF  }
0xc0: {  	[dreg:$0x0] =	wrdreg $0xFFFFFFFF;
	(pc) =	sbr.abs _section_cstart, $3  }
0xc1: {  	[dreg:$0x1] =	wrdreg $0xFFFFFFFF  }
0xc2: {  	_ =	task.clear_ibuf [dreg:s7], $0x2FFFF;
	_ =	strace $0x9FFFFFFF  }
0xc3: {  	(tm) =	ssettm $0x7FFFFFFF  }
tec
execute0_lowered:
.L_overlay_start_1:
0x0: {  	(tag) =	ssettag $0x1  }
0x1: {  	s1 =	rddreg [dreg:$0x0]  }
0x2: {  	s0 =	rddreg [dreg:$0x1];
	s13 =	stileid.u32  }
0x3: {  	s2 =	srdreg.scid;
	s3 =	rddreg [dreg:$0x2];
	s4 =	simm.s32 $0x0  }
0x4: {  	s28 =	simm.s32 $0x7C00;
	s29 =	simm.s32 $0x1;
	s7 =	smul.u32 $0x14000, s13  }
0x5: {  	s30 =	simm.s32 $0x2;
	s31 =	simm.s32 $0x3;
	s26 =	smul.u32 $0x50000, s13  }
0x6: {  	s2 =	sand.u32 $0x1, s2;
	[smem:$0x7FF] =	sst s4;
	s12 =	smul.u32 $0x2710, s13  }
0x7: {  	s5 =	sadd.s32 $0xD600, s0;
	s14 =	sshll.u32 s13, $0x6;
	s6 =	smul.u32 $0x140000, s2  }
0x8: {  	_ =	strace $0x8000004D;
	s9 =	ssub.s32 $0x2, s2;
	s10 =	sshll.u32 s2, $0x4  }
0x9: {  	s2 =	smul.u32 $0x27100, s2;
	s11 =	sshrl.u32 s9, $0x1;
	s10 =	sor.u32 s13, s10  }
0xa: {  	s8 =	sadd.s32 s7, s6;
	s6 =	sadd.s32 $0x3800, s0;
	s7 =	sshrl.u32 s7, $0x3  }
0xb: {  	s9 =	ssub.s32 s9, s11;
	s10 =	smul.u32 $0x2710, s10;
	s2 =	sadd.s32 s12, s2  }
0xc: {  	s8 =	sshrl.u32 s8, $0x3;
	s7 =	sadd.s32 s7, s0;
	s12 =	sadd.s32 $0xF0, s2  }
0xd: {  	s18 =	sadd.s32 $0xA0, s2;
	s21 =	sadd.s32 $0x50, s2;
	s25 =	smax.u32 s9, $0x1  }
0xe: {  	s0 =	sadd.s32 s8, s0;
	s8 =	sshrl.u32 s26, $0x2;
	s7 =	sadd.s32 $0x17400, s7  }
0xf: {  	s10 =	sshrl.u32 s10, $0x3;
	s16 =	sshrl.u32 s12, $0x3;
	[dreg:$0xe] =	wrdreg s25  }
0x10: {  	s19 =	sshrl.u32 s18, $0x3;
	[dreg:$0xa] =	wrdreg s7;
	s15 =	sadd.s32 s5, s10  }
0x11: {  	s23 =	sshrl.u32 s21, $0x3;
	s10 =	sadd.s32 s6, s10;
	[dreg:$0xb] =	wrdreg s15  }
0x12: {  	s18 =	simm.s32 $0x400;
	s17 =	sadd.s32 s16, s6;
	[dreg:$0xc] =	wrdreg s10  }
0x13: {  	s21 =	simm.s32 $0x2C00;
	s7 =	sadd.s32 s16, s5;
	[dreg:$0x4] =	wrdreg s17  }
0x14: {  	s25 =	simm.s32 $0x300;
	s20 =	sadd.s32 s19, s6;
	[dreg:$0x5] =	wrdreg s7  }
0x15: {  	s11 =	sadd.s32 s8, s3;
	s0 =	sadd.s32 $0x8D600, s0;
	[dreg:$0x6] =	wrdreg s20  }
0x16: {  	s8 =	sor.u32 $0x1C05, s14;
	s22 =	sadd.s32 s19, s5;
	[dreg:$0xd] =	wrdreg s0  }
0x17: {  	s24 =	sadd.s32 s23, s6;
	s26 =	sadd.s32 s23, s5;
	[dreg:$0x7] =	wrdreg s22  }
0x18: {  	s16 =	simm.s32 $0x80;
	s19 =	simm.s32 $0x100;
	[dreg:$0x8] =	wrdreg s24  }
0x19: {  	s23 =	simm.s32 $0x280;
	s7 =	sadd.s32 $0x140, s2;
	[dreg:$0x9] =	wrdreg s26  }
0x1a: {  	s14 =	sshrl.u32 s11, $0x3;
	s15 =	simm.s32 $0x5;
	s17 =	simm.s32 $0x50  }
0x1b: {  	s20 =	simm.s32 $0x180;
	s22 =	simm.s32 $0x200;
	s24 =	simm.s32 $0x5400  }
0x1c: {  	s26 =	simm.s32 $0x380;
	s2 =	simm.s32 $0x4;
	s0 =	simm.s32 $0x0  }
.LBB2_1:
0x1d: {  	s9 =	rddreg [dreg:$0xa]  }
0x1e: {  	[spmem:s14], [sflag:s8] =	dma.local [hbm:s9], $0x2800  }
0x1f: {  	_ =	swait.ge [sflag:s15], $0x2800  }
0x20: {  	[sflag:s15] =	ssyncset.done $0x0  }
0x21: {  	s13 =	rddreg [dreg:$0xb];
	[sflag:s15] =	ssyncadd.s32 $0xFFFFD800  }
0x22: {  	[tilespmem:s4], [sflag:$0x5] =	stream.linear.gather [hbm4b:s13+s4], $0x50, $0x38;
	[tilespmem:$0x1E400] =	vst v63  }
0x23: {  	_ =	swait.ge [sflag:s15], $0x50  }
0x24: {  	[sflag:s15] =	ssyncset.done $0x0  }
0x25: {  	s10 =	rddreg [dreg:$0xc];
	[sflag:s15] =	ssyncadd.s32 $0xFFFFFFB0  }
0x26: {  	[tilespmem:s16], [sflag:$0x5] =	stream.linear.gather [hbm4b:s10+s4], $0x50, $0x38;
	[tilespmem:$0x1E400] =	vst v63  }
0x27: {  	_ =	swait.ge [sflag:s15], $0x50  }
0x28: {  	[sflag:s15] =	ssyncset.done $0x0  }
0x29: {  	[sflag:s15] =	ssyncadd.s32 $0xFFFFFFB0  }
0x2a: {  	[bflag:$0x0] =	sbarrier.arrive $0xFFFF  }
0x2b: {  	s11 =	rddreg [dreg:$0x9]  }
0x2c: {  	[tilespmem:s18], [sflag:$0x1] =	stream.indirect.gather [hbm4b:s1+s17], $0x80, s4, s17, $0xb8;
	[tilespmem:$0x1E400] =	vst v63  }
0x2d: {  	s9 =	sadd.s32 $0x0, s11  }
0x2e: {  	[tilespmem:s19], [sflag:$0x5] =	stream.linear.gather [hbm4b:s9+s4], $0x50, $0x38;
	[tilespmem:$0x1E400] =	vst v63  }
0x2f: {  	_ =	swait.ge [sflag:s15], $0x50  }
0x30: {  	s12 =	rddreg [dreg:$0x8];
	[sflag:s15] =	ssyncset.done $0x0  }
0x31: {  	[sflag:s15] =	ssyncadd.s32 $0xFFFFFFB0;
	s9 =	sadd.s32 $0x0, s12  }
0x32: {  	[tilespmem:s20], [sflag:$0x5] =	stream.linear.gather [hbm4b:s9+s4], $0x50, $0x38;
	[tilespmem:$0x1E400] =	vst v63  }
0x33: {  	_ =	swait.ge [sflag:s15], $0x50  }
0x34: {  	[sflag:s15] =	ssyncset.done $0x0  }
0x35: {  	s13 =	rddreg [dreg:$0x7];
	[sflag:s15] =	ssyncadd.s32 $0xFFFFFFB0  }
0x36: {  	[tilespmem:s21], [sflag:$0x2] =	stream.indirect.gather [hbm4b:s1+s17], $0x80, s19, s17, $0xb8;
	[tilespmem:$0x1E400] =	vst v63  }
0x37: {  	s9 =	sadd.s32 $0x0, s13  }
0x38: {  	[tilespmem:s22], [sflag:$0x5] =	stream.linear.gather [hbm4b:s9+s4], $0x50, $0x38;
	[tilespmem:$0x1E400] =	vst v63  }
0x39: {  	_ =	swait.ge [sflag:s15], $0x50  }
0x3a: {  	s10 =	rddreg [dreg:$0x6];
	[sflag:s15] =	ssyncset.done $0x0  }
0x3b: {  	[sflag:s15] =	ssyncadd.s32 $0xFFFFFFB0;
	s9 =	sadd.s32 $0x0, s10  }
0x3c: {  	[tilespmem:s23], [sflag:$0x5] =	stream.linear.gather [hbm4b:s9+s4], $0x50, $0x38;
	[tilespmem:$0x1E400] =	vst v63  }
0x3d: {  	_ =	swait.ge [sflag:s15], $0x50  }
0x3e: {  	[sflag:s15] =	ssyncset.done $0x0  }
0x3f: {  	s11 =	rddreg [dreg:$0x5];
	[sflag:s15] =	ssyncadd.s32 $0xFFFFFFB0  }
0x40: {  	[tilespmem:s24], [sflag:$0x3] =	stream.indirect.gather [hbm4b:s1+s17], $0x80, s22, s17, $0xb8;
	[tilespmem:$0x1E400] =	vst v63  }
0x41: {  	s9 =	sadd.s32 $0x0, s11  }
0x42: {  	[tilespmem:s25], [sflag:$0x5] =	stream.linear.gather [hbm4b:s9+s4], $0x50, $0x38;
	[tilespmem:$0x1E400] =	vst v63  }
0x43: {  	_ =	swait.ge [sflag:s15], $0x50  }
0x44: {  	s12 =	rddreg [dreg:$0x4];
	[sflag:s15] =	ssyncset.done $0x0  }
0x45: {  	[sflag:s15] =	ssyncadd.s32 $0xFFFFFFB0;
	s9 =	sadd.s32 $0x0, s12  }
0x46: {  	[tilespmem:s26], [sflag:$0x5] =	stream.linear.gather [hbm4b:s9+s4], $0x50, $0x38;
	[tilespmem:$0x1E400] =	vst v63  }
0x47: {  	_ =	swait.ge [sflag:s15], $0x50  }
0x48: {  	[sflag:s15] =	ssyncset.done $0x0  }
0x49: {  	[sflag:s15] =	ssyncadd.s32 $0xFFFFFFB0  }
0x4a: {  	[tilespmem:s28], [sflag:$0x4] =	stream.indirect.gather [hbm4b:s1+s17], $0x80, s25, s17, $0xb8;
	[tilespmem:$0x1E400] =	vst v63  }
0x4b: {  	_ =	swait.ge [sflag:s29], $0x2800  }
0x4c: {  	[sflag:s29] =	ssyncset.done $0x0  }
0x4d: {  	[sflag:s29] =	ssyncadd.s32 $0xFFFFD800  }
0x4e: {  	[spmem:s3] =	stream.indirect.scatter.add.f32 [tilespmem:s18], [sflag:$0x5], $0x80, s16, s17, $0xb8;
	[tilespmem:$0x1E400] =	vst v63  }
0x4f: {  	_ =	swait.ge [sflag:s15], $0x2800  }
0x50: {  	s13 =	sshrl.u32 s7, $0x3;
	[sflag:s15] =	ssyncset.done $0x0  }
0x51: {  	s10 =	sadd.s32 s5, s13;
	[sflag:s15] =	ssyncadd.s32 $0xFFFFD800  }
0x52: {  	[tilespmem:s4], [sflag:$0x5] =	stream.linear.gather [hbm4b:s10+s4], $0x50, $0x38;
	[tilespmem:$0x1E400] =	vst v63  }
0x53: {  	_ =	swait.ge [sflag:s15], $0x50  }
0x54: {  	[sflag:s15] =	ssyncset.done $0x0  }
0x55: {  	s9 =	sadd.s32 s6, s13;
	[sflag:s15] =	ssyncadd.s32 $0xFFFFFFB0  }
0x56: {  	[tilespmem:s16], [sflag:$0x5] =	stream.linear.gather [hbm4b:s9+s4], $0x50, $0x38;
	[tilespmem:$0x1E400] =	vst v63  }
0x57: {  	_ =	swait.ge [sflag:s15], $0x50  }
0x58: {  	[sflag:s15] =	ssyncset.done $0x0  }
0x59: {  	[sflag:s15] =	ssyncadd.s32 $0xFFFFFFB0  }
0x5a: {  	_ =	swait.ge [sflag:s30], $0x2800  }
0x5b: {  	[sflag:s30] =	ssyncset.done $0x0  }
0x5c: {  	[sflag:s30] =	ssyncadd.s32 $0xFFFFD800  }
0x5d: {  	[spmem:s3] =	stream.indirect.scatter.add.f32 [tilespmem:s21], [sflag:$0x5], $0x80, s20, s17, $0xb8;
	[tilespmem:$0x1E400] =	vst v63  }
0x5e: {  	_ =	swait.ge [sflag:s15], $0x2800  }
0x5f: {  	[sflag:s15] =	ssyncset.done $0x0  }
0x60: {  	[sflag:s15] =	ssyncadd.s32 $0xFFFFD800  }
0x61: {  	_ =	swait.ge [sflag:s31], $0x2800  }
0x62: {  	[sflag:s31] =	ssyncset.done $0x0  }
0x63: {  	[sflag:s31] =	ssyncadd.s32 $0xFFFFD800  }
0x64: {  	[spmem:s3] =	stream.indirect.scatter.add.f32 [tilespmem:s24], [sflag:$0x5], $0x80, s23, s17, $0xb8;
	[tilespmem:$0x1E400] =	vst v63  }
0x65: {  	_ =	swait.ge [sflag:s15], $0x2800  }
0x66: {  	[sflag:s15] =	ssyncset.done $0x0  }
0x67: {  	[sflag:s15] =	ssyncadd.s32 $0xFFFFD800  }
0x68: {  	_ =	swait.ge [sflag:s2], $0x2800  }
0x69: {  	[sflag:s2] =	ssyncset.done $0x0  }
0x6a: {  	[sflag:s2] =	ssyncadd.s32 $0xFFFFD800  }
0x6b: {  	[spmem:s3] =	stream.indirect.scatter.add.f32 [tilespmem:s28], [sflag:$0x5], $0x80, s26, s17, $0xb8;
	[tilespmem:$0x1E400] =	vst v63  }
0x6c: {  	s13 =	smov.u32 s7;
	s10 =	simm.s32 $0x50;
	_ =	swait.ge [sflag:s15], $0x2800  }
0x6d: {  	s9 =	simm.s32 $0x28;
	s11 =	rddreg [dreg:$0x9];
	[sflag:s15] =	ssyncset.done $0x0  }
.LBB2_2:
0x6e: {  	[sflag:s15] =	ssyncadd.s32 $0xFFFFD800  }
0x6f: {  	[tilespmem:s18], [sflag:$0x1] =	stream.indirect.gather [hbm4b:s1+s17], $0x80, s4, s17, $0xb8;
	[tilespmem:$0x1E400] =	vst v63  }
0x70: {  	s12 =	sadd.s32 s9, s11  }
0x71: {  	[tilespmem:s19], [sflag:$0x5] =	stream.linear.gather [hbm4b:s12+s4], $0x50, $0x38;
	[tilespmem:$0x1E400] =	vst v63  }
0x72: {  	_ =	swait.ge [sflag:s15], $0x50  }
0x73: {  	s12 =	rddreg [dreg:$0x8];
	[sflag:s15] =	ssyncset.done $0x0  }
0x74: {  	[sflag:s15] =	ssyncadd.s32 $0xFFFFFFB0;
	s12 =	sadd.s32 s9, s12  }
0x75: {  	[tilespmem:s20], [sflag:$0x5] =	stream.linear.gather [hbm4b:s12+s4], $0x50, $0x38;
	[tilespmem:$0x1E400] =	vst v63  }
0x76: {  	_ =	swait.ge [sflag:s15], $0x50  }
0x77: {  	[sflag:s15] =	ssyncset.done $0x0  }
0x78: {  	s12 =	rddreg [dreg:$0x7];
	[sflag:s15] =	ssyncadd.s32 $0xFFFFFFB0  }
0x79: {  	[tilespmem:s21], [sflag:$0x2] =	stream.indirect.gather [hbm4b:s1+s17], $0x80, s19, s17, $0xb8;
	[tilespmem:$0x1E400] =	vst v63  }
0x7a: {  	s12 =	sadd.s32 s9, s12  }
0x7b: {  	[tilespmem:s22], [sflag:$0x5] =	stream.linear.gather [hbm4b:s12+s4], $0x50, $0x38;
	[tilespmem:$0x1E400] =	vst v63  }
0x7c: {  	_ =	swait.ge [sflag:s15], $0x50  }
0x7d: {  	s12 =	rddreg [dreg:$0x6];
	[sflag:s15] =	ssyncset.done $0x0  }
0x7e: {  	[sflag:s15] =	ssyncadd.s32 $0xFFFFFFB0;
	s12 =	sadd.s32 s9, s12  }
0x7f: {  	[tilespmem:s23], [sflag:$0x5] =	stream.linear.gather [hbm4b:s12+s4], $0x50, $0x38;
	[tilespmem:$0x1E400] =	vst v63  }
0x80: {  	_ =	swait.ge [sflag:s15], $0x50  }
0x81: {  	[sflag:s15] =	ssyncset.done $0x0  }
0x82: {  	s12 =	rddreg [dreg:$0x5];
	[sflag:s15] =	ssyncadd.s32 $0xFFFFFFB0  }
0x83: {  	[tilespmem:s24], [sflag:$0x3] =	stream.indirect.gather [hbm4b:s1+s17], $0x80, s22, s17, $0xb8;
	[tilespmem:$0x1E400] =	vst v63  }
0x84: {  	s12 =	sadd.s32 s9, s12  }
0x85: {  	[tilespmem:s25], [sflag:$0x5] =	stream.linear.gather [hbm4b:s12+s4], $0x50, $0x38;
	[tilespmem:$0x1E400] =	vst v63  }
0x86: {  	_ =	swait.ge [sflag:s15], $0x50  }
0x87: {  	s12 =	rddreg [dreg:$0x4];
	[sflag:s15] =	ssyncset.done $0x0  }
0x88: {  	[sflag:s15] =	ssyncadd.s32 $0xFFFFFFB0;
	s12 =	sadd.s32 s9, s12  }
0x89: {  	[tilespmem:s26], [sflag:$0x5] =	stream.linear.gather [hbm4b:s12+s4], $0x50, $0x38;
	[tilespmem:$0x1E400] =	vst v63  }
0x8a: {  	_ =	swait.ge [sflag:s15], $0x50  }
0x8b: {  	[sflag:s15] =	ssyncset.done $0x0  }
0x8c: {  	[sflag:s15] =	ssyncadd.s32 $0xFFFFFFB0  }
0x8d: {  	[tilespmem:s28], [sflag:$0x4] =	stream.indirect.gather [hbm4b:s1+s17], $0x80, s25, s17, $0xb8;
	[tilespmem:$0x1E400] =	vst v63  }
0x8e: {  	_ =	swait.ge [sflag:s29], $0x2800  }
0x8f: {  	[sflag:s29] =	ssyncset.done $0x0  }
0x90: {  	[sflag:s29] =	ssyncadd.s32 $0xFFFFD800  }
0x91: {  	[spmem:s3] =	stream.indirect.scatter.add.f32 [tilespmem:s18], [sflag:$0x5], $0x80, s16, s17, $0xb8;
	[tilespmem:$0x1E400] =	vst v63  }
0x92: {  	s13 =	sadd.s32 $0x140, s13;
	s11 =	smov.u32 s10;
	_ =	swait.ge [sflag:s15], $0x2800  }
0x93: {  	s9 =	smov.u32 s11;
	s11 =	sshrl.u32 s13, $0x3;
	[sflag:s15] =	ssyncset.done $0x0  }
0x94: {  	s12 =	sadd.s32 s5, s11;
	[sflag:s15] =	ssyncadd.s32 $0xFFFFD800  }
0x95: {  	[tilespmem:s4], [sflag:$0x5] =	stream.linear.gather [hbm4b:s12+s4], $0x50, $0x38;
	[tilespmem:$0x1E400] =	vst v63  }
0x96: {  	_ =	swait.ge [sflag:s15], $0x50  }
0x97: {  	[sflag:s15] =	ssyncset.done $0x0  }
0x98: {  	s11 =	sadd.s32 s6, s11;
	[sflag:s15] =	ssyncadd.s32 $0xFFFFFFB0  }
0x99: {  	[tilespmem:s16], [sflag:$0x5] =	stream.linear.gather [hbm4b:s11+s4], $0x50, $0x38;
	[tilespmem:$0x1E400] =	vst v63  }
0x9a: {  	_ =	swait.ge [sflag:s15], $0x50  }
0x9b: {  	[sflag:s15] =	ssyncset.done $0x0  }
0x9c: {  	[sflag:s15] =	ssyncadd.s32 $0xFFFFFFB0  }
0x9d: {  	_ =	swait.ge [sflag:s30], $0x2800  }
0x9e: {  	[sflag:s30] =	ssyncset.done $0x0  }
0x9f: {  	[sflag:s30] =	ssyncadd.s32 $0xFFFFD800  }
0xa0: {  	[spmem:s3] =	stream.indirect.scatter.add.f32 [tilespmem:s21], [sflag:$0x5], $0x80, s20, s17, $0xb8;
	[tilespmem:$0x1E400] =	vst v63  }
0xa1: {  	_ =	swait.ge [sflag:s15], $0x2800  }
0xa2: {  	[sflag:s15] =	ssyncset.done $0x0  }
0xa3: {  	[sflag:s15] =	ssyncadd.s32 $0xFFFFD800  }
0xa4: {  	_ =	swait.ge [sflag:s31], $0x2800  }
0xa5: {  	[sflag:s31] =	ssyncset.done $0x0  }
0xa6: {  	[sflag:s31] =	ssyncadd.s32 $0xFFFFD800  }
0xa7: {  	[spmem:s3] =	stream.indirect.scatter.add.f32 [tilespmem:s24], [sflag:$0x5], $0x80, s23, s17, $0xb8;
	[tilespmem:$0x1E400] =	vst v63  }
0xa8: {  	_ =	swait.ge [sflag:s15], $0x2800  }
0xa9: {  	[sflag:s15] =	ssyncset.done $0x0  }
0xaa: {  	[sflag:s15] =	ssyncadd.s32 $0xFFFFD800  }
0xab: {  	p0 =	sne.s32 s10, $0x4B0;
	_ =	swait.ge [sflag:s2], $0x2800  }
.Ltmp0:
0xac: {  	[sflag:s2] =	ssyncset.done $0x0;
	(pc) =	sbr.rel @p0 .LBB2_2-.Ltmp0, $4  }
0xad: {  	[sflag:s2] =	ssyncadd.s32 $0xFFFFD800  }
0xae: {  	[spmem:s3] =	stream.indirect.scatter.add.f32 [tilespmem:s28], [sflag:$0x5], $0x80, s26, s17, $0xb8;
	[tilespmem:$0x1E400] =	vst v63  }
0xaf: {  	_ =	swait.ge [sflag:s15], $0x2800  }
0xb0: {  	s10 =	sadd.s32 $0x28, s10;
	s11 =	rddreg [dreg:$0x9];
	[sflag:s15] =	ssyncset.done $0x0  }
0xb1: {  	[sflag:s15] =	ssyncadd.s32 $0xFFFFD800  }
0xb2: {  	[tilespmem:s18], [sflag:$0x1] =	stream.indirect.gather [hbm4b:s1+s17], $0x80, s4, s17, $0xb8;
	[tilespmem:$0x1E400] =	vst v63  }
0xb3: {  	s10 =	sadd.s32 s9, s11  }
0xb4: {  	[tilespmem:s19], [sflag:$0x5] =	stream.linear.gather [hbm4b:s10+s4], $0x50, $0x38;
	[tilespmem:$0x1E400] =	vst v63  }
0xb5: {  	_ =	swait.ge [sflag:s15], $0x50  }
0xb6: {  	s11 =	rddreg [dreg:$0x8];
	[sflag:s15] =	ssyncset.done $0x0  }
0xb7: {  	[sflag:s15] =	ssyncadd.s32 $0xFFFFFFB0;
	s10 =	sadd.s32 s9, s11  }
0xb8: {  	[tilespmem:s20], [sflag:$0x5] =	stream.linear.gather [hbm4b:s10+s4], $0x50, $0x38;
	[tilespmem:$0x1E400] =	vst v63  }
0xb9: {  	_ =	swait.ge [sflag:s15], $0x50  }
0xba: {  	[sflag:s15] =	ssyncset.done $0x0  }
0xbb: {  	s12 =	rddreg [dreg:$0x7];
	[sflag:s15] =	ssyncadd.s32 $0xFFFFFFB0  }
0xbc: {  	[tilespmem:s21], [sflag:$0x2] =	stream.indirect.gather [hbm4b:s1+s17], $0x80, s19, s17, $0xb8;
	[tilespmem:$0x1E400] =	vst v63  }
0xbd: {  	s10 =	sadd.s32 s9, s12  }
0xbe: {  	[tilespmem:s22], [sflag:$0x5] =	stream.linear.gather [hbm4b:s10+s4], $0x50, $0x38;
	[tilespmem:$0x1E400] =	vst v63  }
0xbf: {  	_ =	swait.ge [sflag:s15], $0x50  }
0xc0: {  	s11 =	rddreg [dreg:$0x6];
	[sflag:s15] =	ssyncset.done $0x0  }
0xc1: {  	[sflag:s15] =	ssyncadd.s32 $0xFFFFFFB0;
	s10 =	sadd.s32 s9, s11  }
0xc2: {  	[tilespmem:s23], [sflag:$0x5] =	stream.linear.gather [hbm4b:s10+s4], $0x50, $0x38;
	[tilespmem:$0x1E400] =	vst v63  }
0xc3: {  	_ =	swait.ge [sflag:s15], $0x50  }
0xc4: {  	[sflag:s15] =	ssyncset.done $0x0  }
0xc5: {  	s12 =	rddreg [dreg:$0x5];
	[sflag:s15] =	ssyncadd.s32 $0xFFFFFFB0  }
0xc6: {  	[tilespmem:s24], [sflag:$0x3] =	stream.indirect.gather [hbm4b:s1+s17], $0x80, s22, s17, $0xb8;
	[tilespmem:$0x1E400] =	vst v63  }
0xc7: {  	s10 =	sadd.s32 s9, s12  }
0xc8: {  	[tilespmem:s25], [sflag:$0x5] =	stream.linear.gather [hbm4b:s10+s4], $0x50, $0x38;
	[tilespmem:$0x1E400] =	vst v63  }
0xc9: {  	_ =	swait.ge [sflag:s15], $0x50  }
0xca: {  	s11 =	rddreg [dreg:$0x4];
	[sflag:s15] =	ssyncset.done $0x0  }
0xcb: {  	s12 =	sadd.s32 s9, s11;
	[sflag:s15] =	ssyncadd.s32 $0xFFFFFFB0  }
0xcc: {  	[tilespmem:s26], [sflag:$0x5] =	stream.linear.gather [hbm4b:s12+s4], $0x50, $0x38;
	[tilespmem:$0x1E400] =	vst v63  }
0xcd: {  	_ =	swait.ge [sflag:s15], $0x50  }
0xce: {  	[sflag:s15] =	ssyncset.done $0x0  }
0xcf: {  	[sflag:s15] =	ssyncadd.s32 $0xFFFFFFB0  }
0xd0: {  	[tilespmem:s28], [sflag:$0x4] =	stream.indirect.gather [hbm4b:s1+s17], $0x80, s25, s17, $0xb8;
	[tilespmem:$0x1E400] =	vst v63  }
0xd1: {  	_ =	swait.ge [sflag:s29], $0x2800  }
0xd2: {  	[sflag:s29] =	ssyncset.done $0x0  }
0xd3: {  	[sflag:s29] =	ssyncadd.s32 $0xFFFFD800  }
0xd4: {  	[spmem:s3] =	stream.indirect.scatter.add.f32 [tilespmem:s18], [sflag:$0x5], $0x80, s16, s17, $0xb8;
	[tilespmem:$0x1E400] =	vst v63  }
0xd5: {  	s10 =	sadd.s32 $0x140, s13;
	_ =	swait.ge [sflag:s15], $0x2800  }
0xd6: {  	s9 =	sshrl.u32 s10, $0x3;
	[sflag:s15] =	ssyncset.done $0x0  }
0xd7: {  	s11 =	sadd.s32 s5, s9;
	[sflag:s15] =	ssyncadd.s32 $0xFFFFD800  }
0xd8: {  	[tilespmem:s4], [sflag:$0x5] =	stream.linear.gather [hbm4b:s11+s4], $0x50, $0x38;
	[tilespmem:$0x1E400] =	vst v63  }
0xd9: {  	_ =	swait.ge [sflag:s15], $0x50  }
0xda: {  	[sflag:s15] =	ssyncset.done $0x0  }
0xdb: {  	s9 =	sadd.s32 s6, s9;
	[sflag:s15] =	ssyncadd.s32 $0xFFFFFFB0  }
0xdc: {  	[tilespmem:s16], [sflag:$0x5] =	stream.linear.gather [hbm4b:s9+s4], $0x50, $0x38;
	[tilespmem:$0x1E400] =	vst v63  }
0xdd: {  	_ =	swait.ge [sflag:s15], $0x50  }
0xde: {  	[sflag:s15] =	ssyncset.done $0x0  }
0xdf: {  	[sflag:s15] =	ssyncadd.s32 $0xFFFFFFB0  }
0xe0: {  	_ =	swait.ge [sflag:s30], $0x2800  }
0xe1: {  	[sflag:s30] =	ssyncset.done $0x0  }
0xe2: {  	[sflag:s30] =	ssyncadd.s32 $0xFFFFD800  }
0xe3: {  	[spmem:s3] =	stream.indirect.scatter.add.f32 [tilespmem:s21], [sflag:$0x5], $0x80, s20, s17, $0xb8;
	[tilespmem:$0x1E400] =	vst v63  }
0xe4: {  	_ =	swait.ge [sflag:s15], $0x2800  }
0xe5: {  	[sflag:s15] =	ssyncset.done $0x0  }
0xe6: {  	[sflag:s15] =	ssyncadd.s32 $0xFFFFD800  }
0xe7: {  	_ =	swait.ge [sflag:s31], $0x2800  }
0xe8: {  	[sflag:s31] =	ssyncset.done $0x0  }
0xe9: {  	[sflag:s31] =	ssyncadd.s32 $0xFFFFD800  }
0xea: {  	[spmem:s3] =	stream.indirect.scatter.add.f32 [tilespmem:s24], [sflag:$0x5], $0x80, s23, s17, $0xb8;
	[tilespmem:$0x1E400] =	vst v63  }
0xeb: {  	_ =	swait.ge [sflag:s15], $0x2800  }
0xec: {  	[sflag:s15] =	ssyncset.done $0x0  }
0xed: {  	[sflag:s15] =	ssyncadd.s32 $0xFFFFD800  }
0xee: {  	_ =	swait.ge [sflag:s2], $0x2800  }
0xef: {  	[sflag:s2] =	ssyncset.done $0x0  }
0xf0: {  	[sflag:s2] =	ssyncadd.s32 $0xFFFFD800  }
0xf1: {  	[spmem:s3] =	stream.indirect.scatter.add.f32 [tilespmem:s28], [sflag:$0x5], $0x80, s26, s17, $0xb8;
	[tilespmem:$0x1E400] =	vst v63  }
0xf2: {  	_ =	swait.ge [sflag:s15], $0x2800  }
0xf3: {  	[sflag:s15] =	ssyncset.done $0x0  }
0xf4: {  	[sflag:s15] =	ssyncadd.s32 $0xFFFFD800  }
0xf5: {  	[tilespmem:s18], [sflag:$0x1] =	stream.indirect.gather [hbm4b:s1+s17], $0x80, s4, s17, $0xb8;
	[tilespmem:$0x1E400] =	vst v63  }
0xf6: {  	_ =	swait.ge [sflag:s29], $0x2800  }
0xf7: {  	[sflag:s29] =	ssyncset.done $0x0  }
0xf8: {  	[sflag:s29] =	ssyncadd.s32 $0xFFFFD800  }
0xf9: {  	[spmem:s3] =	stream.indirect.scatter.add.f32 [tilespmem:s18], [sflag:$0x5], $0x80, s16, s17, $0xb8;
	[tilespmem:$0x1E400] =	vst v63  }
0xfa: {  	_ =	swait.ge [sflag:s15], $0x2800  }
0xfb: {  	[sflag:s15] =	ssyncset.done $0x0  }
0xfc: {  	[sflag:s15] =	ssyncadd.s32 $0xFFFFD800  }
0xfd: {  	[bflag:$0x0] =	sbarrier.arrive $0xFFFF  }
0xfe: {  	s12 =	rddreg [dreg:$0xd]  }
0xff: {  	[hbm:s12], [sflag:s8] =	dma.local [spmem:s14], $0x2800  }
0x100: {  	_ =	swait.ge [sflag:s15], $0x2800  }
0x101: {  	s0 =	sadd.s32 $0x1, s0;
	s13 =	rddreg [dreg:$0xe]  }
0x102: {  	p0 =	sne.s32 s0, s13  }
.Ltmp1:
0x103: {  	_ = 	snop;
	(pc) =	sbr.rel @p0 .LBB2_1-.Ltmp1, $3  }
0x104: {  	_ =	sdelay $0x1  }
0x105: {  	[sflag:s15] =	ssyncset.done $0x0  }
0x106: {  	[sflag:s15] =	ssyncadd.s32 $0xFFFFD800  }
0x107: {  	_ =	sfence.sel $0x180000  }
0x108: {  	[bflag:$0x0] =	sbarrier.arrive $0xFFFF  }
0x109: {  	_ =	strace $0x9000004D  }
0x10a: {  	s0 =	stileid.u32;
	[bflag:$0x2] =	sbarrier.arrive $0xFFFF  }
0x10b: {  	p0 =	sne.s32 s0, $0x0;
	s0 =	rddreg [dreg:$0x3]  }
0x10c: {  	s0 =	sadd.s32 @!p0 $0x100000, s0  }
0x10d: {  	[sflag:s0] =	ssyncadd.tile.s32 @!p0 $0x1;
	_ =	shalt  }
.Lfunc_end2:
_tile_overlayer_lowered:
.L_overlay_start_2:
0x10e: {  	(tag) =	ssettag $0x2  }
0x10f: {  	s0 =	rddreg [dreg:$0x0];
	s2 =	stileid.u32  }
0x110: {  	s1 =	rddreg [dreg:$0x1];
	p0 =	sne.s32 s2, $0x0  }
0x111: {  	s3 =	rddreg [dreg:$0x2];
	[bflag:$0x3] =	sbarrier.arrive $0xFFFF;
	s2 =	simm.s32 @!p0 $0x1C05  }
0x112: {  	[timem:s3], [sflag:s2] =	dma.local @!p0 [hbm:s0], s1  }
0x113: {  	s0 =	simm.s32 @!p0 $0x5  }
0x114: {  	_ =	swait.ge @!p0 [sflag:s0], s1  }
0x115: {  	s1 =	ssub.s32 @!p0 $0x0, s1;
	[sflag:s0] =	ssyncset.done @!p0 $0x0  }
0x116: {  	[sflag:s0] =	ssyncadd.s32 @!p0 s1  }
0x117: {  	[bflag:$0x3] =	sbarrier.arrive $0xFFFF  }
0x118: {  	_ =	shalt  }

// kernel: kernel.18.cloned.1.call-start
scs
__scs_entry_jumppad:
0x0: {  	(pc) =	sbr.rel $0x88, $3  }
0x1: {  	(tag) =	ssettag $0x0;
	lr =	simm.s32 $0x1  }
0x2: {  	[smem:$0x3F96] =	sst lr;
	_ =	strace $0xD0000000  }
0x3: {  	_ = 	snop  }
0x4: {  	_ = 	snop  }
0x5: {  	_ = 	snop  }
0x6: {  	_ = 	snop  }
0x7: {  	_ = 	snop  }
__scs_overlays_trampoline_lowered:
0x8: {  	[smem:$0x3FA5] =	sst s0  }
0x9: {  	[smem:$0x3FA6] =	sst s1  }
0xa: {  	[smem:$0x3FA7] =	sst s2  }
0xb: {  	[smem:$0x3FA8] =	sst s3  }
0xc: {  	[smem:$0x3FA9] =	sst s4  }
0xd: {  	[smem:$0x3FAA] =	sst s5  }
0xe: {  	[smem:$0x3FAB] =	sst s6  }
0xf: {  	[smem:$0x3FAC] =	sst s7  }
0x10: {  	[smem:$0x3FAD] =	sst s8  }
0x11: {  	[smem:$0x3FAE] =	sst s9;
	s0 =	simm.s32 @!p0 $0x0  }
0x12: {  	s1 =	sld [smem:$0x3F94];
	s0 =	simm.s32 @p0 $0x1  }
0x13: {  	[smem:$0x3FAF] =	sst s0;
	s0 =	simm.s32 @!p1 $0x0  }
0x14: {  	s2 =	sld [smem:$0x3F93];
	s0 =	simm.s32 @p1 $0x1  }
0x15: {  	[smem:$0x3FB0] =	sst s0;
	s0 =	simm.s32 @!p2 $0x0  }
0x16: {  	s3 =	sld [smem:$0x3FDB];
	s0 =	simm.s32 @p2 $0x1  }
0x17: {  	s4 =	simm.s32 $0x1BF5;
	[smem:$0x3FB2] =	sst s0  }
0x18: {  	s0 =	sld [smem:$0x3F95];
	_ =	swait.ge [sflag:s4], $0x0  }
0x19: {  	s7 =	sld [smem:$0x3F96]  }
0x1a: {  	s8 =	sadd.s32 $0xFFFFE003, lr  }
0x1b: {  	s9 =	sadd.s32 $0xFFFFFEF7, lr;
	s5 =	simm.s32 $0xFFFFFFFF;
	p2 =	slt.u32 s8, $0xFFFFF086  }
0x1c: {  	p1 =	slt.u32 s9, $0xF7A;
	s5 =	simm.s32 @!p2 $0x0  }
0x1d: {  	s5 =	simm.s32 @p1 $0x1;
	p0 =	seq.s32 s7, s2  }
0x1e: {  	s7 =	smul.u32 @!p0 $0xF7A, s2;
	p2 =	seq.s32 @!p0 s5, $0x0  }
0x1f: {  	s9 =	smul.u32 $0xF7A, s1;
	s8 =	simm.s32 @!p0 $0x1BF5;
	p2 =	por !p2, p0  }
0x20: {  	[sflag:s8] =	ssyncset.s32 @!p0 $0xFFFFF086;
	s6 =	sadd.s32 @!p0 s3, s7;
	s7 =	simm.s32 @!p0 $0x108  }
0x21: {  	s3 =	sadd.s32 s3, s9;
	s6 =	sadd.s32 @!p0 $0x88, s6;
	s7 =	simm.s32 @p2 $0x1082  }
0x22: {  	[simem:s7], [sflag:s8] =	dma.local @!p0 [hbm:s6], $0xF7A  }
0x23: {  	s9 =	sor.u32 $0xD0000000, s2;
	s6 =	simm.s32 $0x108;
	_ =	swait.ge @!p0 [sflag:s8], $0x0  }
0x24: {  	s3 =	sadd.s32 $0x88, s3;
	s6 =	simm.s32 @!p1 $0x1082;
	[sflag:s4] =	ssyncset.s32 $0xFFFFF086  }
0x25: {  	[simem:s6], [sflag:s4] =	dma.local [hbm:s3], $0xF7A  }
0x26: {  	[smem:$0x3F96] =	sst s1;
	(tag) =	ssettag s2;
	_ =	strace s9  }
0x27: {  	s1 =	sld [smem:$0x3FA6]  }
0x28: {  	s2 =	sld [smem:$0x3FA7]  }
0x29: {  	s4 =	sld [smem:$0x3FA9]  }
0x2a: {  	p0 =	seq.s32 s5, $0x0;
	s5 =	sld [smem:$0x3FAA]  }
0x2b: {  	s6 =	sld [smem:$0x3FAB]  }
0x2c: {  	s7 =	sld [smem:$0x3FAC]  }
0x2d: {  	s3 =	simm.s32 $0x108;
	s8 =	sld [smem:$0x3FAD]  }
0x2e: {  	s3 =	simm.s32 @!p0 $0x1082;
	s9 =	sld [smem:$0x3FAE]  }
0x2f: {  	lr =	sadd.s32 s0, s3;
	s0 =	sld [smem:$0x3FA5]  }
0x30: {  	s3 =	sld [smem:$0x3FA8]  }
0x31: {  	[smem:$0x3FB1] =	sst s10  }
0x32: {  	s10 =	sld [smem:$0x3FAF];
	_ =	sdelay $0x3  }
0x33: {  	p0 =	seq.s32 s10, $0x1;
	s10 =	sld [smem:$0x3FB1];
	_ =	sdelay $0x3  }
0x34: {  	[smem:$0x3FB1] =	sst s10  }
0x35: {  	s10 =	sld [smem:$0x3FB0];
	_ =	sdelay $0x3  }
0x36: {  	p1 =	seq.s32 s10, $0x1;
	s10 =	sld [smem:$0x3FB1];
	_ =	sdelay $0x3  }
0x37: {  	[smem:$0x3FB1] =	sst s10  }
0x38: {  	s10 =	sld [smem:$0x3FB2]  }
0x39: {  	_ = 	snop;
	(pc) =	sbr.ind lr, $3  }
0x3a: {  	_ = 	snop  }
0x3b: {  	_ = 	snop  }
0x3c: {  	p2 =	seq.s32 s10, $0x1;
	s10 =	sld [smem:$0x3FB1]  }
0x3d: {  	_ =	shalt  }
0x3e: {  	_ =	shalt  }
0x3f: {  	_ =	shalt  }
0x40: {  	_ =	shalt  }
0x41: {  	_ =	shalt  }
0x42: {  	_ =	shalt  }
0x43: {  	_ =	shalt  }
0x44: {  	_ =	shalt  }
0x45: {  	_ =	shalt  }
0x46: {  	_ =	shalt  }
0x47: {  	_ =	shalt  }
0x48: {  	_ =	shalt  }
0x49: {  	_ =	shalt  }
0x4a: {  	_ =	shalt  }
0x4b: {  	_ =	shalt  }
0x4c: {  	_ =	shalt  }
0x4d: {  	_ =	shalt  }
0x4e: {  	_ =	shalt  }
0x4f: {  	_ =	shalt  }
0x50: {  	_ =	shalt  }
0x51: {  	_ =	shalt  }
0x52: {  	_ =	shalt  }
0x53: {  	_ =	shalt  }
0x54: {  	_ =	shalt  }
0x55: {  	_ =	shalt  }
0x56: {  	_ =	shalt  }
0x57: {  	_ =	shalt  }
0x58: {  	_ =	shalt  }
0x59: {  	_ =	shalt  }
0x5a: {  	_ =	shalt  }
0x5b: {  	_ =	shalt  }
0x5c: {  	_ =	shalt  }
0x5d: {  	_ =	shalt  }
0x5e: {  	_ =	shalt  }
0x5f: {  	_ =	shalt  }
0x60: {  	_ =	shalt  }
0x61: {  	_ =	shalt  }
0x62: {  	_ =	shalt  }
0x63: {  	_ =	shalt  }
0x64: {  	_ =	shalt  }
0x65: {  	_ =	shalt  }
0x66: {  	_ =	shalt  }
0x67: {  	_ =	shalt  }
0x68: {  	_ =	shalt  }
0x69: {  	_ =	shalt  }
0x6a: {  	_ =	shalt  }
0x6b: {  	_ =	shalt  }
0x6c: {  	_ =	shalt  }
0x6d: {  	_ =	shalt  }
0x6e: {  	_ =	shalt  }
0x6f: {  	_ =	shalt  }
0x70: {  	_ =	shalt  }
0x71: {  	_ =	shalt  }
0x72: {  	_ =	shalt  }
0x73: {  	_ =	shalt  }
0x74: {  	_ =	shalt  }
0x75: {  	_ =	shalt  }
0x76: {  	_ =	shalt  }
0x77: {  	_ =	shalt  }
0x78: {  	_ =	shalt  }
0x79: {  	_ =	shalt  }
0x7a: {  	_ =	shalt  }
0x7b: {  	_ =	shalt  }
0x7c: {  	_ =	shalt  }
0x7d: {  	_ =	shalt  }
0x7e: {  	_ =	shalt  }
0x7f: {  	_ =	shalt  }
0x80: {  	_ =	shalt  }
0x81: {  	_ =	shalt  }
0x82: {  	_ =	shalt  }
0x83: {  	_ =	shalt  }
0x84: {  	_ =	shalt  }
0x85: {  	_ =	shalt  }
0x86: {  	_ =	shalt  }
0x87: {  	_ =	shalt  }
.Lfunc_end0:
.L_simem_size_0:
called_computation.3_lowered:
.L_overlay_start_0:
0x88: {  	s2 =	sld [smem:$0x3FD9]  }
0x89: {  	s3 =	sld [smem:$0x3FFE];
	_ =	sdelay $0x1  }
0x8a: {  	s1 =	srdreg.scid  }
0x8b: {  	s0 =	sand.u32 $0x1, s1  }
0x8c: {  	s17 =	sshll.u32 s0, $0xA;
	s2 =	sadd.s32 s3, s2  }
0x8d: {  	s2 =	sadd.s32 s2, s17  }
0x8e: {  	[smem:$0x3FBD] =	sst s2  }
0x8f: {  	_ = 	snop  }
0x90: {  	s2 =	sld [smem:$0x3FD0];
	(tm) =	ssettm $0x1  }
0x91: {  	s18 =	sld [smem:$0x3FFB];
	_ =	sdelay $0x3  }
0x92: {  	_ =	strace s18  }
0x93: {  	s3 =	sld [smem:$0x3FFC];
	_ =	sdelay $0x3  }
0x94: {  	_ =	strace s3  }
0x95: {  	s3 =	sld [smem:$0x3FFD];
	_ =	sdelay $0x3  }
0x96: {  	_ =	strace s3  }
0x97: {  	_ =	strace $0x8FFFFFFF  }
0x98: {  	s19 =	sld [smem:$0x3FDB];
	_ =	sdelay $0x1  }
0x99: {  	s4 =	simm.s32 $_scs_section_size  }
0x9a: {  	s5 =	simm.s32 $_size__tile_overlayer_lowered;
	s6 =	simm.s32 $_tile_overlayer_lowered  }
0x9b: {  	s22 =	simm.s32 $0x1BFF;
	s21 =	sshll.u32 s6, $0x1;
	s3 =	sadd.s32 s4, s19  }
0x9c: {  	s7 =	simm.s32 $0x0;
	s20 =	sshll.u32 s5, $0x1;
	s5 =	sadd.s32 s21, s3  }
0x9d: {  	[timem:s7], [sflag:s22] =	dma.local [hbm:s5], s20  }
0x9e: {  	_ =	swait.ge [sflag:s22], s20  }
0x9f: {  	s4 =	ssub.s32 $0x0, s20;
	[sflag:s22] =	ssyncset.done $0x0  }
0xa0: {  	[sflag:s22] =	ssyncadd.s32 s4;
	_ =	sdelay $0x1  }
0xa1: {  	s23 =	simm.s32 $0x1B8B  }
0xa2: {  	_ =	swait.ge [sflag:s23], $0x1  }
0xa3: {  	[sflag:s23] =	ssyncset.done $0x0  }
0xa4: {  	s25 =	simm.s32 $0x1B8E;
	s24 =	sld [smem:$0x3FFE];
	[sflag:s23] =	ssyncadd.s32 $0xFFFFFFFF  }
0xa5: {  	s26 =	simm.s32 $execute0_lowered;
	[smem:$0x3FD2] =	sst s25  }
0xa6: {  	s5 =	sshll.u32 s26, $0x1;
	_ =	strace $0x8000004F;
	[dreg:$0x1] =	wrdreg $0xFFFFFFFF  }
0xa7: {  	s28 =	simm.s32 $_size_execute0_lowered;
	s3 =	sadd.s32 s3, s5;
	[dreg:$0x0] =	wrdreg $0x0  }
0xa8: {  	s5 =	sshll.u32 s28, $0x1;
	[dreg:$0x2] =	wrdreg s3  }
0xa9: {  	[dreg:$0x3] =	wrdreg s5  }
0xaa: {  	[dreg:$0x4] =	wrdreg $0xC0  }
0xab: {  	_ =	task [dreg:s7], $0x5FFFF  }
0xac: {  	[dreg:$0x1] =	wrdreg $0xFFFFFFFF  }
0xad: {  	[dreg:$0x0] =	wrdreg $0x60  }
0xae: {  	[dreg:$0x2] =	wrdreg s2  }
0xaf: {  	[dreg:$0x3] =	wrdreg s24  }
0xb0: {  	[dreg:$0x4] =	wrdreg $0xA4000  }
0xb1: {  	[dreg:$0x5] =	wrdreg $0x9  }
0xb2: {  	_ =	task.clear_ibuf [dreg:s7], $0x6FFFF;
	_ =	strace $0x9000004F  }
0xb3: {  	s29 =	simm.s32 $0x9;
	_ =	strace $0x80000051  }
0xb4: {  	_ =	swait.ge [sflag:s29], $0x1  }
0xb5: {  	[sflag:s29] =	ssyncadd.s32 $0xFFFFFFFF  }
0xb6: {  	_ =	strace $0x90000051  }
0xb7: {  	_ =	sfence  }
0xb8: {  	s30 =	sld [smem:$0x0];
	_ =	sdelay $0x2  }
0xb9: {  	s31 =	sshll.u32 s1, $0xD;
	s1 =	sshrl.u32 s1, $0x2  }
0xba: {  	s3 =	sand.u32 $0x4000, s31;
	s1 =	sadd.s32 s1, s30  }
0xbb: {  	s0 =	sor.u32 s3, s0;
	s1 =	sshll.u32 s1, $0x11  }
0xbc: {  	s0 =	sor.u32 s1, s0  }
0xbd: {  	s0 =	sadd.s32 $0x8F2B, s0  }
0xbe: {  	[sflag:s0] =	ssyncadd.remote.s32 $0x1  }
0xbf: {  	_ =	sfence.sel $0xFFFF  }
0xc0: {  	[dreg:$0x0] =	wrdreg $0xFFFFFFFF;
	(pc) =	sbr.abs _section_cstart, $3  }
0xc1: {  	[dreg:$0x1] =	wrdreg $0xFFFFFFFF  }
0xc2: {  	_ =	task.clear_ibuf [dreg:s7], $0x2FFFF;
	_ =	strace $0x9FFFFFFF  }
0xc3: {  	(tm) =	ssettm $0x7FFFFFFF  }
tec
execute0_lowered:
.L_overlay_start_1:
0x0: {  	(tag) =	ssettag $0x1  }
0x1: {  	s1 =	rddreg [dreg:$0x0]  }
0x2: {  	s0 =	rddreg [dreg:$0x1];
	s13 =	stileid.u32  }
0x3: {  	s2 =	srdreg.scid;
	s3 =	rddreg [dreg:$0x2];
	s4 =	simm.s32 $0x0  }
0x4: {  	s28 =	simm.s32 $0x7C00;
	s29 =	simm.s32 $0x1;
	s7 =	smul.u32 $0x14000, s13  }
0x5: {  	s30 =	simm.s32 $0x2;
	s31 =	simm.s32 $0x3;
	s26 =	smul.u32 $0x50000, s13  }
0x6: {  	s2 =	sand.u32 $0x1, s2;
	[smem:$0x7FF] =	sst s4;
	s12 =	smul.u32 $0x2710, s13  }
0x7: {  	s5 =	sadd.s32 $0xD600, s0;
	s14 =	sshll.u32 s13, $0x6;
	s6 =	smul.u32 $0x140000, s2  }
0x8: {  	_ =	strace $0x80000050;
	s9 =	ssub.s32 $0x2, s2;
	s10 =	sshll.u32 s2, $0x4  }
0x9: {  	s2 =	smul.u32 $0x27100, s2;
	s11 =	sshrl.u32 s9, $0x1;
	s10 =	sor.u32 s13, s10  }
0xa: {  	s8 =	sadd.s32 s7, s6;
	s6 =	sadd.s32 $0x3800, s0;
	s7 =	sshrl.u32 s7, $0x3  }
0xb: {  	s9 =	ssub.s32 s9, s11;
	s10 =	smul.u32 $0x2710, s10;
	s2 =	sadd.s32 s12, s2  }
0xc: {  	s8 =	sshrl.u32 s8, $0x3;
	s7 =	sadd.s32 s7, s0;
	s12 =	sadd.s32 $0xF0, s2  }
0xd: {  	s18 =	sadd.s32 $0xA0, s2;
	s21 =	sadd.s32 $0x50, s2;
	s25 =	smax.u32 s9, $0x1  }
0xe: {  	s0 =	sadd.s32 s8, s0;
	s8 =	sshrl.u32 s26, $0x2;
	s7 =	sadd.s32 $0x17400, s7  }
0xf: {  	s10 =	sshrl.u32 s10, $0x3;
	s16 =	sshrl.u32 s12, $0x3;
	[dreg:$0xe] =	wrdreg s25  }
0x10: {  	s19 =	sshrl.u32 s18, $0x3;
	[dreg:$0xa] =	wrdreg s7;
	s15 =	sadd.s32 s5, s10  }
0x11: {  	s23 =	sshrl.u32 s21, $0x3;
	s10 =	sadd.s32 s6, s10;
	[dreg:$0xb] =	wrdreg s15  }
0x12: {  	s18 =	simm.s32 $0x400;
	s17 =	sadd.s32 s16, s6;
	[dreg:$0xc] =	wrdreg s10  }
0x13: {  	s21 =	simm.s32 $0x2C00;
	s7 =	sadd.s32 s16, s5;
	[dreg:$0x4] =	wrdreg s17  }
0x14: {  	s25 =	simm.s32 $0x300;
	s20 =	sadd.s32 s19, s6;
	[dreg:$0x5] =	wrdreg s7  }
0x15: {  	s11 =	sadd.s32 s8, s3;
	s0 =	sadd.s32 $0x8D600, s0;
	[dreg:$0x6] =	wrdreg s20  }
0x16: {  	s8 =	sor.u32 $0x1C05, s14;
	s22 =	sadd.s32 s19, s5;
	[dreg:$0xd] =	wrdreg s0  }
0x17: {  	s24 =	sadd.s32 s23, s6;
	s26 =	sadd.s32 s23, s5;
	[dreg:$0x7] =	wrdreg s22  }
0x18: {  	s16 =	simm.s32 $0x80;
	s19 =	simm.s32 $0x100;
	[dreg:$0x8] =	wrdreg s24  }
0x19: {  	s23 =	simm.s32 $0x280;
	s7 =	sadd.s32 $0x140, s2;
	[dreg:$0x9] =	wrdreg s26  }
0x1a: {  	s14 =	sshrl.u32 s11, $0x3;
	s15 =	simm.s32 $0x5;
	s17 =	simm.s32 $0x50  }
0x1b: {  	s20 =	simm.s32 $0x180;
	s22 =	simm.s32 $0x200;
	s24 =	simm.s32 $0x5400  }
0x1c: {  	s26 =	simm.s32 $0x380;
	s2 =	simm.s32 $0x4;
	s0 =	simm.s32 $0x0  }
.LBB2_1:
0x1d: {  	s9 =	rddreg [dreg:$0xa]  }
0x1e: {  	[spmem:s14], [sflag:s8] =	dma.local [hbm:s9], $0x2800  }
0x1f: {  	_ =	swait.ge [sflag:s15], $0x2800  }
0x20: {  	[sflag:s15] =	ssyncset.done $0x0  }
0x21: {  	s13 =	rddreg [dreg:$0xb];
	[sflag:s15] =	ssyncadd.s32 $0xFFFFD800  }
0x22: {  	[tilespmem:s4], [sflag:$0x5] =	stream.linear.gather [hbm4b:s13+s4], $0x50, $0x38;
	[tilespmem:$0x1E400] =	vst v63  }
0x23: {  	_ =	swait.ge [sflag:s15], $0x50  }
0x24: {  	[sflag:s15] =	ssyncset.done $0x0  }
0x25: {  	s10 =	rddreg [dreg:$0xc];
	[sflag:s15] =	ssyncadd.s32 $0xFFFFFFB0  }
0x26: {  	[tilespmem:s16], [sflag:$0x5] =	stream.linear.gather [hbm4b:s10+s4], $0x50, $0x38;
	[tilespmem:$0x1E400] =	vst v63  }
0x27: {  	_ =	swait.ge [sflag:s15], $0x50  }
0x28: {  	[sflag:s15] =	ssyncset.done $0x0  }
0x29: {  	[sflag:s15] =	ssyncadd.s32 $0xFFFFFFB0  }
0x2a: {  	[bflag:$0x0] =	sbarrier.arrive $0xFFFF  }
0x2b: {  	s11 =	rddreg [dreg:$0x9]  }
0x2c: {  	[tilespmem:s18], [sflag:$0x1] =	stream.indirect.gather [hbm4b:s1+s17], $0x80, s4, s17, $0xb8;
	[tilespmem:$0x1E400] =	vst v63  }
0x2d: {  	s9 =	sadd.s32 $0x0, s11  }
0x2e: {  	[tilespmem:s19], [sflag:$0x5] =	stream.linear.gather [hbm4b:s9+s4], $0x50, $0x38;
	[tilespmem:$0x1E400] =	vst v63  }
0x2f: {  	_ =	swait.ge [sflag:s15], $0x50  }
0x30: {  	s12 =	rddreg [dreg:$0x8];
	[sflag:s15] =	ssyncset.done $0x0  }
0x31: {  	[sflag:s15] =	ssyncadd.s32 $0xFFFFFFB0;
	s9 =	sadd.s32 $0x0, s12  }
0x32: {  	[tilespmem:s20], [sflag:$0x5] =	stream.linear.gather [hbm4b:s9+s4], $0x50, $0x38;
	[tilespmem:$0x1E400] =	vst v63  }
0x33: {  	_ =	swait.ge [sflag:s15], $0x50  }
0x34: {  	[sflag:s15] =	ssyncset.done $0x0  }
0x35: {  	s13 =	rddreg [dreg:$0x7];
	[sflag:s15] =	ssyncadd.s32 $0xFFFFFFB0  }
0x36: {  	[tilespmem:s21], [sflag:$0x2] =	stream.indirect.gather [hbm4b:s1+s17], $0x80, s19, s17, $0xb8;
	[tilespmem:$0x1E400] =	vst v63  }
0x37: {  	s9 =	sadd.s32 $0x0, s13  }
0x38: {  	[tilespmem:s22], [sflag:$0x5] =	stream.linear.gather [hbm4b:s9+s4], $0x50, $0x38;
	[tilespmem:$0x1E400] =	vst v63  }
0x39: {  	_ =	swait.ge [sflag:s15], $0x50  }
0x3a: {  	s10 =	rddreg [dreg:$0x6];
	[sflag:s15] =	ssyncset.done $0x0  }
0x3b: {  	[sflag:s15] =	ssyncadd.s32 $0xFFFFFFB0;
	s9 =	sadd.s32 $0x0, s10  }
0x3c: {  	[tilespmem:s23], [sflag:$0x5] =	stream.linear.gather [hbm4b:s9+s4], $0x50, $0x38;
	[tilespmem:$0x1E400] =	vst v63  }
0x3d: {  	_ =	swait.ge [sflag:s15], $0x50  }
0x3e: {  	[sflag:s15] =	ssyncset.done $0x0  }
0x3f: {  	s11 =	rddreg [dreg:$0x5];
	[sflag:s15] =	ssyncadd.s32 $0xFFFFFFB0  }
0x40: {  	[tilespmem:s24], [sflag:$0x3] =	stream.indirect.gather [hbm4b:s1+s17], $0x80, s22, s17, $0xb8;
	[tilespmem:$0x1E400] =	vst v63  }
0x41: {  	s9 =	sadd.s32 $0x0, s11  }
0x42: {  	[tilespmem:s25], [sflag:$0x5] =	stream.linear.gather [hbm4b:s9+s4], $0x50, $0x38;
	[tilespmem:$0x1E400] =	vst v63  }
0x43: {  	_ =	swait.ge [sflag:s15], $0x50  }
0x44: {  	s12 =	rddreg [dreg:$0x4];
	[sflag:s15] =	ssyncset.done $0x0  }
0x45: {  	[sflag:s15] =	ssyncadd.s32 $0xFFFFFFB0;
	s9 =	sadd.s32 $0x0, s12  }
0x46: {  	[tilespmem:s26], [sflag:$0x5] =	stream.linear.gather [hbm4b:s9+s4], $0x50, $0x38;
	[tilespmem:$0x1E400] =	vst v63  }
0x47: {  	_ =	swait.ge [sflag:s15], $0x50  }
0x48: {  	[sflag:s15] =	ssyncset.done $0x0  }
0x49: {  	[sflag:s15] =	ssyncadd.s32 $0xFFFFFFB0  }
0x4a: {  	[tilespmem:s28], [sflag:$0x4] =	stream.indirect.gather [hbm4b:s1+s17], $0x80, s25, s17, $0xb8;
	[tilespmem:$0x1E400] =	vst v63  }
0x4b: {  	_ =	swait.ge [sflag:s29], $0x2800  }
0x4c: {  	[sflag:s29] =	ssyncset.done $0x0  }
0x4d: {  	[sflag:s29] =	ssyncadd.s32 $0xFFFFD800  }
0x4e: {  	[spmem:s3] =	stream.indirect.scatter.add.f32 [tilespmem:s18], [sflag:$0x5], $0x80, s16, s17, $0xb8;
	[tilespmem:$0x1E400] =	vst v63  }
0x4f: {  	_ =	swait.ge [sflag:s15], $0x2800  }
0x50: {  	s13 =	sshrl.u32 s7, $0x3;
	[sflag:s15] =	ssyncset.done $0x0  }
0x51: {  	s10 =	sadd.s32 s5, s13;
	[sflag:s15] =	ssyncadd.s32 $0xFFFFD800  }
0x52: {  	[tilespmem:s4], [sflag:$0x5] =	stream.linear.gather [hbm4b:s10+s4], $0x50, $0x38;
	[tilespmem:$0x1E400] =	vst v63  }
0x53: {  	_ =	swait.ge [sflag:s15], $0x50  }
0x54: {  	[sflag:s15] =	ssyncset.done $0x0  }
0x55: {  	s9 =	sadd.s32 s6, s13;
	[sflag:s15] =	ssyncadd.s32 $0xFFFFFFB0  }
0x56: {  	[tilespmem:s16], [sflag:$0x5] =	stream.linear.gather [hbm4b:s9+s4], $0x50, $0x38;
	[tilespmem:$0x1E400] =	vst v63  }
0x57: {  	_ =	swait.ge [sflag:s15], $0x50  }
0x58: {  	[sflag:s15] =	ssyncset.done $0x0  }
0x59: {  	[sflag:s15] =	ssyncadd.s32 $0xFFFFFFB0  }
0x5a: {  	_ =	swait.ge [sflag:s30], $0x2800  }
0x5b: {  	[sflag:s30] =	ssyncset.done $0x0  }
0x5c: {  	[sflag:s30] =	ssyncadd.s32 $0xFFFFD800  }
0x5d: {  	[spmem:s3] =	stream.indirect.scatter.add.f32 [tilespmem:s21], [sflag:$0x5], $0x80, s20, s17, $0xb8;
	[tilespmem:$0x1E400] =	vst v63  }
0x5e: {  	_ =	swait.ge [sflag:s15], $0x2800  }
0x5f: {  	[sflag:s15] =	ssyncset.done $0x0  }
0x60: {  	[sflag:s15] =	ssyncadd.s32 $0xFFFFD800  }
0x61: {  	_ =	swait.ge [sflag:s31], $0x2800  }
0x62: {  	[sflag:s31] =	ssyncset.done $0x0  }
0x63: {  	[sflag:s31] =	ssyncadd.s32 $0xFFFFD800  }
0x64: {  	[spmem:s3] =	stream.indirect.scatter.add.f32 [tilespmem:s24], [sflag:$0x5], $0x80, s23, s17, $0xb8;
	[tilespmem:$0x1E400] =	vst v63  }
0x65: {  	_ =	swait.ge [sflag:s15], $0x2800  }
0x66: {  	[sflag:s15] =	ssyncset.done $0x0  }
0x67: {  	[sflag:s15] =	ssyncadd.s32 $0xFFFFD800  }
0x68: {  	_ =	swait.ge [sflag:s2], $0x2800  }
0x69: {  	[sflag:s2] =	ssyncset.done $0x0  }
0x6a: {  	[sflag:s2] =	ssyncadd.s32 $0xFFFFD800  }
0x6b: {  	[spmem:s3] =	stream.indirect.scatter.add.f32 [tilespmem:s28], [sflag:$0x5], $0x80, s26, s17, $0xb8;
	[tilespmem:$0x1E400] =	vst v63  }
0x6c: {  	s13 =	smov.u32 s7;
	s10 =	simm.s32 $0x50;
	_ =	swait.ge [sflag:s15], $0x2800  }
0x6d: {  	s9 =	simm.s32 $0x28;
	s11 =	rddreg [dreg:$0x9];
	[sflag:s15] =	ssyncset.done $0x0  }
.LBB2_2:
0x6e: {  	[sflag:s15] =	ssyncadd.s32 $0xFFFFD800  }
0x6f: {  	[tilespmem:s18], [sflag:$0x1] =	stream.indirect.gather [hbm4b:s1+s17], $0x80, s4, s17, $0xb8;
	[tilespmem:$0x1E400] =	vst v63  }
0x70: {  	s12 =	sadd.s32 s9, s11  }
0x71: {  	[tilespmem:s19], [sflag:$0x5] =	stream.linear.gather [hbm4b:s12+s4], $0x50, $0x38;
	[tilespmem:$0x1E400] =	vst v63  }
0x72: {  	_ =	swait.ge [sflag:s15], $0x50  }
0x73: {  	s12 =	rddreg [dreg:$0x8];
	[sflag:s15] =	ssyncset.done $0x0  }
0x74: {  	[sflag:s15] =	ssyncadd.s32 $0xFFFFFFB0;
	s12 =	sadd.s32 s9, s12  }
0x75: {  	[tilespmem:s20], [sflag:$0x5] =	stream.linear.gather [hbm4b:s12+s4], $0x50, $0x38;
	[tilespmem:$0x1E400] =	vst v63  }
0x76: {  	_ =	swait.ge [sflag:s15], $0x50  }
0x77: {  	[sflag:s15] =	ssyncset.done $0x0  }
0x78: {  	s12 =	rddreg [dreg:$0x7];
	[sflag:s15] =	ssyncadd.s32 $0xFFFFFFB0  }
0x79: {  	[tilespmem:s21], [sflag:$0x2] =	stream.indirect.gather [hbm4b:s1+s17], $0x80, s19, s17, $0xb8;
	[tilespmem:$0x1E400] =	vst v63  }
0x7a: {  	s12 =	sadd.s32 s9, s12  }
0x7b: {  	[tilespmem:s22], [sflag:$0x5] =	stream.linear.gather [hbm4b:s12+s4], $0x50, $0x38;
	[tilespmem:$0x1E400] =	vst v63  }
0x7c: {  	_ =	swait.ge [sflag:s15], $0x50  }
0x7d: {  	s12 =	rddreg [dreg:$0x6];
	[sflag:s15] =	ssyncset.done $0x0  }
0x7e: {  	[sflag:s15] =	ssyncadd.s32 $0xFFFFFFB0;
	s12 =	sadd.s32 s9, s12  }
0x7f: {  	[tilespmem:s23], [sflag:$0x5] =	stream.linear.gather [hbm4b:s12+s4], $0x50, $0x38;
	[tilespmem:$0x1E400] =	vst v63  }
0x80: {  	_ =	swait.ge [sflag:s15], $0x50  }
0x81: {  	[sflag:s15] =	ssyncset.done $0x0  }
0x82: {  	s12 =	rddreg [dreg:$0x5];
	[sflag:s15] =	ssyncadd.s32 $0xFFFFFFB0  }
0x83: {  	[tilespmem:s24], [sflag:$0x3] =	stream.indirect.gather [hbm4b:s1+s17], $0x80, s22, s17, $0xb8;
	[tilespmem:$0x1E400] =	vst v63  }
0x84: {  	s12 =	sadd.s32 s9, s12  }
0x85: {  	[tilespmem:s25], [sflag:$0x5] =	stream.linear.gather [hbm4b:s12+s4], $0x50, $0x38;
	[tilespmem:$0x1E400] =	vst v63  }
0x86: {  	_ =	swait.ge [sflag:s15], $0x50  }
0x87: {  	s12 =	rddreg [dreg:$0x4];
	[sflag:s15] =	ssyncset.done $0x0  }
0x88: {  	[sflag:s15] =	ssyncadd.s32 $0xFFFFFFB0;
	s12 =	sadd.s32 s9, s12  }
0x89: {  	[tilespmem:s26], [sflag:$0x5] =	stream.linear.gather [hbm4b:s12+s4], $0x50, $0x38;
	[tilespmem:$0x1E400] =	vst v63  }
0x8a: {  	_ =	swait.ge [sflag:s15], $0x50  }
0x8b: {  	[sflag:s15] =	ssyncset.done $0x0  }
0x8c: {  	[sflag:s15] =	ssyncadd.s32 $0xFFFFFFB0  }
0x8d: {  	[tilespmem:s28], [sflag:$0x4] =	stream.indirect.gather [hbm4b:s1+s17], $0x80, s25, s17, $0xb8;
	[tilespmem:$0x1E400] =	vst v63  }
0x8e: {  	_ =	swait.ge [sflag:s29], $0x2800  }
0x8f: {  	[sflag:s29] =	ssyncset.done $0x0  }
0x90: {  	[sflag:s29] =	ssyncadd.s32 $0xFFFFD800  }
0x91: {  	[spmem:s3] =	stream.indirect.scatter.add.f32 [tilespmem:s18], [sflag:$0x5], $0x80, s16, s17, $0xb8;
	[tilespmem:$0x1E400] =	vst v63  }
0x92: {  	s13 =	sadd.s32 $0x140, s13;
	s11 =	smov.u32 s10;
	_ =	swait.ge [sflag:s15], $0x2800  }
0x93: {  	s9 =	smov.u32 s11;
	s11 =	sshrl.u32 s13, $0x3;
	[sflag:s15] =	ssyncset.done $0x0  }
0x94: {  	s12 =	sadd.s32 s5, s11;
	[sflag:s15] =	ssyncadd.s32 $0xFFFFD800  }
0x95: {  	[tilespmem:s4], [sflag:$0x5] =	stream.linear.gather [hbm4b:s12+s4], $0x50, $0x38;
	[tilespmem:$0x1E400] =	vst v63  }
0x96: {  	_ =	swait.ge [sflag:s15], $0x50  }
0x97: {  	[sflag:s15] =	ssyncset.done $0x0  }
0x98: {  	s11 =	sadd.s32 s6, s11;
	[sflag:s15] =	ssyncadd.s32 $0xFFFFFFB0  }
0x99: {  	[tilespmem:s16], [sflag:$0x5] =	stream.linear.gather [hbm4b:s11+s4], $0x50, $0x38;
	[tilespmem:$0x1E400] =	vst v63  }
0x9a: {  	_ =	swait.ge [sflag:s15], $0x50  }
0x9b: {  	[sflag:s15] =	ssyncset.done $0x0  }
0x9c: {  	[sflag:s15] =	ssyncadd.s32 $0xFFFFFFB0  }
0x9d: {  	_ =	swait.ge [sflag:s30], $0x2800  }
0x9e: {  	[sflag:s30] =	ssyncset.done $0x0  }
0x9f: {  	[sflag:s30] =	ssyncadd.s32 $0xFFFFD800  }
0xa0: {  	[spmem:s3] =	stream.indirect.scatter.add.f32 [tilespmem:s21], [sflag:$0x5], $0x80, s20, s17, $0xb8;
	[tilespmem:$0x1E400] =	vst v63  }
0xa1: {  	_ =	swait.ge [sflag:s15], $0x2800  }
0xa2: {  	[sflag:s15] =	ssyncset.done $0x0  }
0xa3: {  	[sflag:s15] =	ssyncadd.s32 $0xFFFFD800  }
0xa4: {  	_ =	swait.ge [sflag:s31], $0x2800  }
0xa5: {  	[sflag:s31] =	ssyncset.done $0x0  }
0xa6: {  	[sflag:s31] =	ssyncadd.s32 $0xFFFFD800  }
0xa7: {  	[spmem:s3] =	stream.indirect.scatter.add.f32 [tilespmem:s24], [sflag:$0x5], $0x80, s23, s17, $0xb8;
	[tilespmem:$0x1E400] =	vst v63  }
0xa8: {  	_ =	swait.ge [sflag:s15], $0x2800  }
0xa9: {  	[sflag:s15] =	ssyncset.done $0x0  }
0xaa: {  	[sflag:s15] =	ssyncadd.s32 $0xFFFFD800  }
0xab: {  	p0 =	sne.s32 s10, $0x4B0;
	_ =	swait.ge [sflag:s2], $0x2800  }
.Ltmp0:
0xac: {  	[sflag:s2] =	ssyncset.done $0x0;
	(pc) =	sbr.rel @p0 .LBB2_2-.Ltmp0, $4  }
0xad: {  	[sflag:s2] =	ssyncadd.s32 $0xFFFFD800  }
0xae: {  	[spmem:s3] =	stream.indirect.scatter.add.f32 [tilespmem:s28], [sflag:$0x5], $0x80, s26, s17, $0xb8;
	[tilespmem:$0x1E400] =	vst v63  }
0xaf: {  	_ =	swait.ge [sflag:s15], $0x2800  }
0xb0: {  	s10 =	sadd.s32 $0x28, s10;
	s11 =	rddreg [dreg:$0x9];
	[sflag:s15] =	ssyncset.done $0x0  }
0xb1: {  	[sflag:s15] =	ssyncadd.s32 $0xFFFFD800  }
0xb2: {  	[tilespmem:s18], [sflag:$0x1] =	stream.indirect.gather [hbm4b:s1+s17], $0x80, s4, s17, $0xb8;
	[tilespmem:$0x1E400] =	vst v63  }
0xb3: {  	s10 =	sadd.s32 s9, s11  }
0xb4: {  	[tilespmem:s19], [sflag:$0x5] =	stream.linear.gather [hbm4b:s10+s4], $0x50, $0x38;
	[tilespmem:$0x1E400] =	vst v63  }
0xb5: {  	_ =	swait.ge [sflag:s15], $0x50  }
0xb6: {  	s11 =	rddreg [dreg:$0x8];
	[sflag:s15] =	ssyncset.done $0x0  }
0xb7: {  	[sflag:s15] =	ssyncadd.s32 $0xFFFFFFB0;
	s10 =	sadd.s32 s9, s11  }
0xb8: {  	[tilespmem:s20], [sflag:$0x5] =	stream.linear.gather [hbm4b:s10+s4], $0x50, $0x38;
	[tilespmem:$0x1E400] =	vst v63  }
0xb9: {  	_ =	swait.ge [sflag:s15], $0x50  }
0xba: {  	[sflag:s15] =	ssyncset.done $0x0  }
0xbb: {  	s12 =	rddreg [dreg:$0x7];
	[sflag:s15] =	ssyncadd.s32 $0xFFFFFFB0  }
0xbc: {  	[tilespmem:s21], [sflag:$0x2] =	stream.indirect.gather [hbm4b:s1+s17], $0x80, s19, s17, $0xb8;
	[tilespmem:$0x1E400] =	vst v63  }
0xbd: {  	s10 =	sadd.s32 s9, s12  }
0xbe: {  	[tilespmem:s22], [sflag:$0x5] =	stream.linear.gather [hbm4b:s10+s4], $0x50, $0x38;
	[tilespmem:$0x1E400] =	vst v63  }
0xbf: {  	_ =	swait.ge [sflag:s15], $0x50  }
0xc0: {  	s11 =	rddreg [dreg:$0x6];
	[sflag:s15] =	ssyncset.done $0x0  }
0xc1: {  	[sflag:s15] =	ssyncadd.s32 $0xFFFFFFB0;
	s10 =	sadd.s32 s9, s11  }
0xc2: {  	[tilespmem:s23], [sflag:$0x5] =	stream.linear.gather [hbm4b:s10+s4], $0x50, $0x38;
	[tilespmem:$0x1E400] =	vst v63  }
0xc3: {  	_ =	swait.ge [sflag:s15], $0x50  }
0xc4: {  	[sflag:s15] =	ssyncset.done $0x0  }
0xc5: {  	s12 =	rddreg [dreg:$0x5];
	[sflag:s15] =	ssyncadd.s32 $0xFFFFFFB0  }
0xc6: {  	[tilespmem:s24], [sflag:$0x3] =	stream.indirect.gather [hbm4b:s1+s17], $0x80, s22, s17, $0xb8;
	[tilespmem:$0x1E400] =	vst v63  }
0xc7: {  	s10 =	sadd.s32 s9, s12  }
0xc8: {  	[tilespmem:s25], [sflag:$0x5] =	stream.linear.gather [hbm4b:s10+s4], $0x50, $0x38;
	[tilespmem:$0x1E400] =	vst v63  }
0xc9: {  	_ =	swait.ge [sflag:s15], $0x50  }
0xca: {  	s11 =	rddreg [dreg:$0x4];
	[sflag:s15] =	ssyncset.done $0x0  }
0xcb: {  	s12 =	sadd.s32 s9, s11;
	[sflag:s15] =	ssyncadd.s32 $0xFFFFFFB0  }
0xcc: {  	[tilespmem:s26], [sflag:$0x5] =	stream.linear.gather [hbm4b:s12+s4], $0x50, $0x38;
	[tilespmem:$0x1E400] =	vst v63  }
0xcd: {  	_ =	swait.ge [sflag:s15], $0x50  }
0xce: {  	[sflag:s15] =	ssyncset.done $0x0  }
0xcf: {  	[sflag:s15] =	ssyncadd.s32 $0xFFFFFFB0  }
0xd0: {  	[tilespmem:s28], [sflag:$0x4] =	stream.indirect.gather [hbm4b:s1+s17], $0x80, s25, s17, $0xb8;
	[tilespmem:$0x1E400] =	vst v63  }
0xd1: {  	_ =	swait.ge [sflag:s29], $0x2800  }
0xd2: {  	[sflag:s29] =	ssyncset.done $0x0  }
0xd3: {  	[sflag:s29] =	ssyncadd.s32 $0xFFFFD800  }
0xd4: {  	[spmem:s3] =	stream.indirect.scatter.add.f32 [tilespmem:s18], [sflag:$0x5], $0x80, s16, s17, $0xb8;
	[tilespmem:$0x1E400] =	vst v63  }
0xd5: {  	s10 =	sadd.s32 $0x140, s13;
	_ =	swait.ge [sflag:s15], $0x2800  }
0xd6: {  	s9 =	sshrl.u32 s10, $0x3;
	[sflag:s15] =	ssyncset.done $0x0  }
0xd7: {  	s11 =	sadd.s32 s5, s9;
	[sflag:s15] =	ssyncadd.s32 $0xFFFFD800  }
0xd8: {  	[tilespmem:s4], [sflag:$0x5] =	stream.linear.gather [hbm4b:s11+s4], $0x50, $0x38;
	[tilespmem:$0x1E400] =	vst v63  }
0xd9: {  	_ =	swait.ge [sflag:s15], $0x50  }
0xda: {  	[sflag:s15] =	ssyncset.done $0x0  }
0xdb: {  	s9 =	sadd.s32 s6, s9;
	[sflag:s15] =	ssyncadd.s32 $0xFFFFFFB0  }
0xdc: {  	[tilespmem:s16], [sflag:$0x5] =	stream.linear.gather [hbm4b:s9+s4], $0x50, $0x38;
	[tilespmem:$0x1E400] =	vst v63  }
0xdd: {  	_ =	swait.ge [sflag:s15], $0x50  }
0xde: {  	[sflag:s15] =	ssyncset.done $0x0  }
0xdf: {  	[sflag:s15] =	ssyncadd.s32 $0xFFFFFFB0  }
0xe0: {  	_ =	swait.ge [sflag:s30], $0x2800  }
0xe1: {  	[sflag:s30] =	ssyncset.done $0x0  }
0xe2: {  	[sflag:s30] =	ssyncadd.s32 $0xFFFFD800  }
0xe3: {  	[spmem:s3] =	stream.indirect.scatter.add.f32 [tilespmem:s21], [sflag:$0x5], $0x80, s20, s17, $0xb8;
	[tilespmem:$0x1E400] =	vst v63  }
0xe4: {  	_ =	swait.ge [sflag:s15], $0x2800  }
0xe5: {  	[sflag:s15] =	ssyncset.done $0x0  }
0xe6: {  	[sflag:s15] =	ssyncadd.s32 $0xFFFFD800  }
0xe7: {  	_ =	swait.ge [sflag:s31], $0x2800  }
0xe8: {  	[sflag:s31] =	ssyncset.done $0x0  }
0xe9: {  	[sflag:s31] =	ssyncadd.s32 $0xFFFFD800  }
0xea: {  	[spmem:s3] =	stream.indirect.scatter.add.f32 [tilespmem:s24], [sflag:$0x5], $0x80, s23, s17, $0xb8;
	[tilespmem:$0x1E400] =	vst v63  }
0xeb: {  	_ =	swait.ge [sflag:s15], $0x2800  }
0xec: {  	[sflag:s15] =	ssyncset.done $0x0  }
0xed: {  	[sflag:s15] =	ssyncadd.s32 $0xFFFFD800  }
0xee: {  	_ =	swait.ge [sflag:s2], $0x2800  }
0xef: {  	[sflag:s2] =	ssyncset.done $0x0  }
0xf0: {  	[sflag:s2] =	ssyncadd.s32 $0xFFFFD800  }
0xf1: {  	[spmem:s3] =	stream.indirect.scatter.add.f32 [tilespmem:s28], [sflag:$0x5], $0x80, s26, s17, $0xb8;
	[tilespmem:$0x1E400] =	vst v63  }
0xf2: {  	_ =	swait.ge [sflag:s15], $0x2800  }
0xf3: {  	[sflag:s15] =	ssyncset.done $0x0  }
0xf4: {  	[sflag:s15] =	ssyncadd.s32 $0xFFFFD800  }
0xf5: {  	[tilespmem:s18], [sflag:$0x1] =	stream.indirect.gather [hbm4b:s1+s17], $0x80, s4, s17, $0xb8;
	[tilespmem:$0x1E400] =	vst v63  }
0xf6: {  	_ =	swait.ge [sflag:s29], $0x2800  }
0xf7: {  	[sflag:s29] =	ssyncset.done $0x0  }
0xf8: {  	[sflag:s29] =	ssyncadd.s32 $0xFFFFD800  }
0xf9: {  	[spmem:s3] =	stream.indirect.scatter.add.f32 [tilespmem:s18], [sflag:$0x5], $0x80, s16, s17, $0xb8;
	[tilespmem:$0x1E400] =	vst v63  }
0xfa: {  	_ =	swait.ge [sflag:s15], $0x2800  }
0xfb: {  	[sflag:s15] =	ssyncset.done $0x0  }
0xfc: {  	[sflag:s15] =	ssyncadd.s32 $0xFFFFD800  }
0xfd: {  	[bflag:$0x0] =	sbarrier.arrive $0xFFFF  }
0xfe: {  	s12 =	rddreg [dreg:$0xd]  }
0xff: {  	[hbm:s12], [sflag:s8] =	dma.local [spmem:s14], $0x2800  }
0x100: {  	_ =	swait.ge [sflag:s15], $0x2800  }
0x101: {  	s0 =	sadd.s32 $0x1, s0;
	s13 =	rddreg [dreg:$0xe]  }
0x102: {  	p0 =	sne.s32 s0, s13  }
.Ltmp1:
0x103: {  	_ = 	snop;
	(pc) =	sbr.rel @p0 .LBB2_1-.Ltmp1, $3  }
0x104: {  	_ =	sdelay $0x1  }
0x105: {  	[sflag:s15] =	ssyncset.done $0x0  }
0x106: {  	[sflag:s15] =	ssyncadd.s32 $0xFFFFD800  }
0x107: {  	_ =	sfence.sel $0x180000  }
0x108: {  	[bflag:$0x0] =	sbarrier.arrive $0xFFFF  }
0x109: {  	_ =	strace $0x90000050  }
0x10a: {  	s0 =	stileid.u32;
	[bflag:$0x2] =	sbarrier.arrive $0xFFFF  }
0x10b: {  	p0 =	sne.s32 s0, $0x0;
	s0 =	rddreg [dreg:$0x3]  }
0x10c: {  	s0 =	sadd.s32 @!p0 $0x100000, s0  }
0x10d: {  	[sflag:s0] =	ssyncadd.tile.s32 @!p0 $0x1;
	_ =	shalt  }
.Lfunc_end2:
_tile_overlayer_lowered:
.L_overlay_start_2:
0x10e: {  	(tag) =	ssettag $0x2  }
0x10f: {  	s0 =	rddreg [dreg:$0x0];
	s2 =	stileid.u32  }
0x110: {  	s1 =	rddreg [dreg:$0x1];
	p0 =	sne.s32 s2, $0x0  }
0x111: {  	s3 =	rddreg [dreg:$0x2];
	[bflag:$0x3] =	sbarrier.arrive $0xFFFF;
	s2 =	simm.s32 @!p0 $0x1C05  }
0x112: {  	[timem:s3], [sflag:s2] =	dma.local @!p0 [hbm:s0], s1  }
0x113: {  	s0 =	simm.s32 @!p0 $0x5  }
0x114: {  	_ =	swait.ge @!p0 [sflag:s0], s1  }
0x115: {  	s1 =	ssub.s32 @!p0 $0x0, s1;
	[sflag:s0] =	ssyncset.done @!p0 $0x0  }
0x116: {  	[sflag:s0] =	ssyncadd.s32 @!p0 s1  }
0x117: {  	[bflag:$0x3] =	sbarrier.arrive $0xFFFF  }
0x118: {  	_ =	shalt  }

// kernel: kernel.9.cloned.1.call-start
scs
__scs_entry_jumppad:
0x0: {  	(pc) =	sbr.rel $0x88, $3  }
0x1: {  	(tag) =	ssettag $0x0;
	lr =	simm.s32 $0x1  }
0x2: {  	[smem:$0x3F96] =	sst lr;
	_ =	strace $0xD0000000  }
0x3: {  	_ = 	snop  }
0x4: {  	_ = 	snop  }
0x5: {  	_ = 	snop  }
0x6: {  	_ = 	snop  }
0x7: {  	_ = 	snop  }
__scs_overlays_trampoline_lowered:
0x8: {  	[smem:$0x3FA5] =	sst s0  }
0x9: {  	[smem:$0x3FA6] =	sst s1  }
0xa: {  	[smem:$0x3FA7] =	sst s2  }
0xb: {  	[smem:$0x3FA8] =	sst s3  }
0xc: {  	[smem:$0x3FA9] =	sst s4  }
0xd: {  	[smem:$0x3FAA] =	sst s5  }
0xe: {  	[smem:$0x3FAB] =	sst s6  }
0xf: {  	[smem:$0x3FAC] =	sst s7  }
0x10: {  	[smem:$0x3FAD] =	sst s8  }
0x11: {  	[smem:$0x3FAE] =	sst s9;
	s0 =	simm.s32 @!p0 $0x0  }
0x12: {  	s1 =	sld [smem:$0x3F94];
	s0 =	simm.s32 @p0 $0x1  }
0x13: {  	[smem:$0x3FAF] =	sst s0;
	s0 =	simm.s32 @!p1 $0x0  }
0x14: {  	s2 =	sld [smem:$0x3F93];
	s0 =	simm.s32 @p1 $0x1  }
0x15: {  	[smem:$0x3FB0] =	sst s0;
	s0 =	simm.s32 @!p2 $0x0  }
0x16: {  	s3 =	sld [smem:$0x3FDB];
	s0 =	simm.s32 @p2 $0x1  }
0x17: {  	s4 =	simm.s32 $0x1BF5;
	[smem:$0x3FB2] =	sst s0  }
0x18: {  	s0 =	sld [smem:$0x3F95];
	_ =	swait.ge [sflag:s4], $0x0  }
0x19: {  	s7 =	sld [smem:$0x3F96]  }
0x1a: {  	s8 =	sadd.s32 $0xFFFFE003, lr  }
0x1b: {  	s9 =	sadd.s32 $0xFFFFFEF7, lr;
	s5 =	simm.s32 $0xFFFFFFFF;
	p2 =	slt.u32 s8, $0xFFFFF086  }
0x1c: {  	p1 =	slt.u32 s9, $0xF7A;
	s5 =	simm.s32 @!p2 $0x0  }
0x1d: {  	s5 =	simm.s32 @p1 $0x1;
	p0 =	seq.s32 s7, s2  }
0x1e: {  	s7 =	smul.u32 @!p0 $0xF7A, s2;
	p2 =	seq.s32 @!p0 s5, $0x0  }
0x1f: {  	s9 =	smul.u32 $0xF7A, s1;
	s8 =	simm.s32 @!p0 $0x1BF5;
	p2 =	por !p2, p0  }
0x20: {  	[sflag:s8] =	ssyncset.s32 @!p0 $0xFFFFF086;
	s6 =	sadd.s32 @!p0 s3, s7;
	s7 =	simm.s32 @!p0 $0x108  }
0x21: {  	s3 =	sadd.s32 s3, s9;
	s6 =	sadd.s32 @!p0 $0x88, s6;
	s7 =	simm.s32 @p2 $0x1082  }
0x22: {  	[simem:s7], [sflag:s8] =	dma.local @!p0 [hbm:s6], $0xF7A  }
0x23: {  	s9 =	sor.u32 $0xD0000000, s2;
	s6 =	simm.s32 $0x108;
	_ =	swait.ge @!p0 [sflag:s8], $0x0  }
0x24: {  	s3 =	sadd.s32 $0x88, s3;
	s6 =	simm.s32 @!p1 $0x1082;
	[sflag:s4] =	ssyncset.s32 $0xFFFFF086  }
0x25: {  	[simem:s6], [sflag:s4] =	dma.local [hbm:s3], $0xF7A  }
0x26: {  	[smem:$0x3F96] =	sst s1;
	(tag) =	ssettag s2;
	_ =	strace s9  }
0x27: {  	s1 =	sld [smem:$0x3FA6]  }
0x28: {  	s2 =	sld [smem:$0x3FA7]  }
0x29: {  	s4 =	sld [smem:$0x3FA9]  }
0x2a: {  	p0 =	seq.s32 s5, $0x0;
	s5 =	sld [smem:$0x3FAA]  }
0x2b: {  	s6 =	sld [smem:$0x3FAB]  }
0x2c: {  	s7 =	sld [smem:$0x3FAC]  }
0x2d: {  	s3 =	simm.s32 $0x108;
	s8 =	sld [smem:$0x3FAD]  }
0x2e: {  	s3 =	simm.s32 @!p0 $0x1082;
	s9 =	sld [smem:$0x3FAE]  }
0x2f: {  	lr =	sadd.s32 s0, s3;
	s0 =	sld [smem:$0x3FA5]  }
0x30: {  	s3 =	sld [smem:$0x3FA8]  }
0x31: {  	[smem:$0x3FB1] =	sst s10  }
0x32: {  	s10 =	sld [smem:$0x3FAF];
	_ =	sdelay $0x3  }
0x33: {  	p0 =	seq.s32 s10, $0x1;
	s10 =	sld [smem:$0x3FB1];
	_ =	sdelay $0x3  }
0x34: {  	[smem:$0x3FB1] =	sst s10  }
0x35: {  	s10 =	sld [smem:$0x3FB0];
	_ =	sdelay $0x3  }
0x36: {  	p1 =	seq.s32 s10, $0x1;
	s10 =	sld [smem:$0x3FB1];
	_ =	sdelay $0x3  }
0x37: {  	[smem:$0x3FB1] =	sst s10  }
0x38: {  	s10 =	sld [smem:$0x3FB2]  }
0x39: {  	_ = 	snop;
	(pc) =	sbr.ind lr, $3  }
0x3a: {  	_ = 	snop  }
0x3b: {  	_ = 	snop  }
0x3c: {  	p2 =	seq.s32 s10, $0x1;
	s10 =	sld [smem:$0x3FB1]  }
0x3d: {  	_ =	shalt  }
0x3e: {  	_ =	shalt  }
0x3f: {  	_ =	shalt  }
0x40: {  	_ =	shalt  }
0x41: {  	_ =	shalt  }
0x42: {  	_ =	shalt  }
0x43: {  	_ =	shalt  }
0x44: {  	_ =	shalt  }
0x45: {  	_ =	shalt  }
0x46: {  	_ =	shalt  }
0x47: {  	_ =	shalt  }
0x48: {  	_ =	shalt  }
0x49: {  	_ =	shalt  }
0x4a: {  	_ =	shalt  }
0x4b: {  	_ =	shalt  }
0x4c: {  	_ =	shalt  }
0x4d: {  	_ =	shalt  }
0x4e: {  	_ =	shalt  }
0x4f: {  	_ =	shalt  }
0x50: {  	_ =	shalt  }
0x51: {  	_ =	shalt  }
0x52: {  	_ =	shalt  }
0x53: {  	_ =	shalt  }
0x54: {  	_ =	shalt  }
0x55: {  	_ =	shalt  }
0x56: {  	_ =	shalt  }
0x57: {  	_ =	shalt  }
0x58: {  	_ =	shalt  }
0x59: {  	_ =	shalt  }
0x5a: {  	_ =	shalt  }
0x5b: {  	_ =	shalt  }
0x5c: {  	_ =	shalt  }
0x5d: {  	_ =	shalt  }
0x5e: {  	_ =	shalt  }
0x5f: {  	_ =	shalt  }
0x60: {  	_ =	shalt  }
0x61: {  	_ =	shalt  }
0x62: {  	_ =	shalt  }
0x63: {  	_ =	shalt  }
0x64: {  	_ =	shalt  }
0x65: {  	_ =	shalt  }
0x66: {  	_ =	shalt  }
0x67: {  	_ =	shalt  }
0x68: {  	_ =	shalt  }
0x69: {  	_ =	shalt  }
0x6a: {  	_ =	shalt  }
0x6b: {  	_ =	shalt  }
0x6c: {  	_ =	shalt  }
0x6d: {  	_ =	shalt  }
0x6e: {  	_ =	shalt  }
0x6f: {  	_ =	shalt  }
0x70: {  	_ =	shalt  }
0x71: {  	_ =	shalt  }
0x72: {  	_ =	shalt  }
0x73: {  	_ =	shalt  }
0x74: {  	_ =	shalt  }
0x75: {  	_ =	shalt  }
0x76: {  	_ =	shalt  }
0x77: {  	_ =	shalt  }
0x78: {  	_ =	shalt  }
0x79: {  	_ =	shalt  }
0x7a: {  	_ =	shalt  }
0x7b: {  	_ =	shalt  }
0x7c: {  	_ =	shalt  }
0x7d: {  	_ =	shalt  }
0x7e: {  	_ =	shalt  }
0x7f: {  	_ =	shalt  }
0x80: {  	_ =	shalt  }
0x81: {  	_ =	shalt  }
0x82: {  	_ =	shalt  }
0x83: {  	_ =	shalt  }
0x84: {  	_ =	shalt  }
0x85: {  	_ =	shalt  }
0x86: {  	_ =	shalt  }
0x87: {  	_ =	shalt  }
.Lfunc_end0:
.L_simem_size_0:
called_computation_lowered:
.L_overlay_start_0:
0x88: {  	s2 =	sld [smem:$0x3FD9]  }
0x89: {  	s3 =	sld [smem:$0x3FFE];
	_ =	sdelay $0x1  }
0x8a: {  	s1 =	srdreg.scid  }
0x8b: {  	s0 =	sand.u32 $0x1, s1  }
0x8c: {  	s17 =	sshll.u32 s0, $0xA;
	s2 =	sadd.s32 s3, s2  }
0x8d: {  	s2 =	sadd.s32 s2, s17  }
0x8e: {  	[smem:$0x3FBD] =	sst s2  }
0x8f: {  	_ = 	snop  }
0x90: {  	s18 =	sld [smem:$0x3FD0];
	(tm) =	ssettm $0x1  }
0x91: {  	s19 =	sld [smem:$0x3FFB];
	_ =	sdelay $0x3  }
0x92: {  	_ =	strace s19  }
0x93: {  	s2 =	sld [smem:$0x3FFC];
	_ =	sdelay $0x3  }
0x94: {  	_ =	strace s2  }
0x95: {  	s2 =	sld [smem:$0x3FFD];
	_ =	sdelay $0x3  }
0x96: {  	_ =	strace s2  }
0x97: {  	_ =	strace $0x8FFFFFFF  }
0x98: {  	s20 =	sld [smem:$0x3FDB];
	_ =	sdelay $0x1  }
0x99: {  	s4 =	simm.s32 $_scs_section_size  }
0x9a: {  	s5 =	simm.s32 $_size__tile_overlayer_lowered;
	s6 =	simm.s32 $_tile_overlayer_lowered  }
0x9b: {  	s7 =	simm.s32 $0x1BFF;
	s21 =	sshll.u32 s6, $0x1;
	s4 =	sadd.s32 s4, s20  }
0x9c: {  	s22 =	simm.s32 $0x0;
	s5 =	sshll.u32 s5, $0x1;
	s6 =	sadd.s32 s21, s4  }
0x9d: {  	[timem:s22], [sflag:s7] =	dma.local [hbm:s6], s5  }
0x9e: {  	_ =	swait.ge [sflag:s7], s5  }
0x9f: {  	s5 =	ssub.s32 $0x0, s5;
	[sflag:s7] =	ssyncset.done $0x0  }
0xa0: {  	[sflag:s7] =	ssyncadd.s32 s5;
	_ =	sdelay $0x1  }
0xa1: {  	s23 =	simm.s32 $0x1B8B  }
0xa2: {  	_ =	swait.ge [sflag:s23], $0x1  }
0xa3: {  	[sflag:s23] =	ssyncset.done $0x0  }
0xa4: {  	[sflag:s23] =	ssyncadd.s32 $0xFFFFFFFF  }
0xa5: {  	s5 =	sld [smem:$0x0]  }
0xa6: {  	s6 =	sand.u32 $0xFFFFFFFE, s1  }
0xa7: {  	p0 =	sne.s32 s1, s6  }
0xa8: {  	s6 =	sshll.u32 @p0 s6, $0xE  }
0xa9: {  	s6 =	sadd.s32 @p0 $0x11B8D, s6;
	s7 =	sshll.u32 @p0 s5, $0x11  }
0xaa: {  	s6 =	sor.u32 @p0 s7, s6  }
0xab: {  	[sflag:s6] =	ssyncadd.remote.s32 @p0 $0x1;
	_ =	sdelay $0x1  }
0xac: {  	s6 =	simm.s32 @p0 $0x1B8D  }
0xad: {  	_ =	swait.eq @p0 [sflag:s6], $0x1  }
0xae: {  	[sflag:s6] =	ssyncadd.s32 @p0 $0xFFFFFFFF  }
0xaf: {  	s7 =	sshll.u32 @!p0 s1, $0xE  }
0xb0: {  	s7 =	sor.u32 @!p0 $0x4000, s7;
	s6 =	simm.s32 @!p0 $0x1B8D  }
0xb1: {  	s5 =	sshll.u32 @!p0 s5, $0x11;
	s7 =	sadd.s32 @!p0 $0x11B8D, s7;
	_ =	swait.eq @!p0 [sflag:s6], $0x1  }
0xb2: {  	s5 =	sor.u32 @!p0 s5, s7;
	[sflag:s6] =	ssyncadd.s32 @!p0 $0xFFFFFFFF  }
0xb3: {  	s25 =	simm.s32 $0x1B8E;
	s24 =	sld [smem:$0x3FFE];
	[sflag:s5] =	ssyncadd.remote.s32 @!p0 $0x1  }
0xb4: {  	s26 =	simm.s32 $execute0_lowered;
	[smem:$0x3FD2] =	sst s25  }
0xb5: {  	s6 =	sshll.u32 s26, $0x1;
	_ =	strace $0x80000049;
	[dreg:$0x1] =	wrdreg $0xFFFFFFFF  }
0xb6: {  	s28 =	simm.s32 $_size_execute0_lowered;
	s4 =	sadd.s32 s4, s6;
	[dreg:$0x0] =	wrdreg $0x0  }
0xb7: {  	s6 =	sshll.u32 s28, $0x1;
	[dreg:$0x2] =	wrdreg s4  }
0xb8: {  	[dreg:$0x3] =	wrdreg s6  }
0xb9: {  	[dreg:$0x4] =	wrdreg $0xC0  }
0xba: {  	_ =	task [dreg:s22], $0x5FFFF  }
0xbb: {  	[dreg:$0x1] =	wrdreg $0xFFFFFFFF  }
0xbc: {  	[dreg:$0x0] =	wrdreg $0x60  }
0xbd: {  	[dreg:$0x2] =	wrdreg s18  }
0xbe: {  	[dreg:$0x3] =	wrdreg s24  }
0xbf: {  	[dreg:$0x4] =	wrdreg $0x68000  }
0xc0: {  	[dreg:$0x5] =	wrdreg $0x9  }
0xc1: {  	_ =	task.clear_ibuf [dreg:s22], $0x6FFFF;
	_ =	strace $0x90000049  }
0xc2: {  	s29 =	simm.s32 $0x9;
	_ =	strace $0x8000004B  }
0xc3: {  	_ =	swait.ge [sflag:s29], $0x1  }
0xc4: {  	[sflag:s29] =	ssyncadd.s32 $0xFFFFFFFF  }
0xc5: {  	_ =	strace $0x9000004B  }
0xc6: {  	_ =	sfence  }
0xc7: {  	s30 =	sld [smem:$0x0];
	_ =	sdelay $0x2  }
0xc8: {  	s31 =	sshll.u32 s1, $0xD;
	s1 =	sshrl.u32 s1, $0x2  }
0xc9: {  	s4 =	sand.u32 $0x4000, s31;
	s1 =	sadd.s32 s1, s30  }
0xca: {  	s0 =	sor.u32 s4, s0;
	s1 =	sshll.u32 s1, $0x11  }
0xcb: {  	s0 =	sor.u32 s1, s0  }
0xcc: {  	s0 =	sadd.s32 $0x8F2B, s0  }
0xcd: {  	[sflag:s0] =	ssyncadd.remote.s32 $0x1  }
0xce: {  	_ =	sfence.sel $0xFFFF  }
0xcf: {  	[dreg:$0x0] =	wrdreg $0xFFFFFFFF;
	(pc) =	sbr.abs _section_cstart, $3  }
0xd0: {  	[dreg:$0x1] =	wrdreg $0xFFFFFFFF  }
0xd1: {  	_ =	task.clear_ibuf [dreg:s22], $0x2FFFF;
	_ =	strace $0x9FFFFFFF  }
0xd2: {  	(tm) =	ssettm $0x7FFFFFFF  }
0xd3: {  	_ =	shalt  }
tec
execute0_lowered:
.L_overlay_start_1:
0x0: {  	(tag) =	ssettag $0x1  }
0x1: {  	s5 =	rddreg [dreg:$0x0]  }
0x2: {  	s0 =	stileid.u32;
	s6 =	rddreg [dreg:$0x1]  }
0x3: {  	s1 =	srdreg.scid;
	s2 =	rddreg [dreg:$0x2];
	s3 =	simm.s32 $0x0  }
0x4: {  	s13 =	simm.s32 $0x50;
	s14 =	simm.s32 $0x1;
	s15 =	simm.s32 $0x2  }
0x5: {  	s16 =	simm.s32 $0x3;
	s17 =	simm.s32 $0x4;
	s18 =	simm.s32 $0x0  }
0x6: {  	s4 =	smul.u32 $0x14000, s0;
	s7 =	sand.u32 $0x1, s1;
	s1 =	rddreg [dreg:$0x3]  }
0x7: {  	[smem:$0x7FF] =	sst s3;
	s10 =	sshll.u32 s0, $0xB;
	s11 =	smul.u32 $0x50000, s0  }
0x8: {  	s31 =	sshll.u32 s0, $0x6;
	s8 =	smul.u32 $0x140000, s7;
	_ =	strace $0x8000004A  }
0x9: {  	s28 =	ssub.s32 $0x2, s7;
	s7 =	sshll.u32 s7, $0xF;
	s5 =	sadd.s32 s5, s10  }
0xa: {  	s10 =	sor.u32 $0x1C05, s31;
	s12 =	sshrl.u32 s28, $0x1;
	s5 =	sadd.s32 s7, s5  }
0xb: {  	s30 =	sshrl.u32 s11, $0x2;
	s8 =	sadd.s32 s4, s8;
	s4 =	sshrl.u32 s4, $0x3  }
0xc: {  	s29 =	ssub.s32 s28, s12;
	s11 =	sadd.s32 s30, s2;
	s12 =	simm.s32 $0x4000  }
0xd: {  	s8 =	sshrl.u32 s8, $0x3;
	s9 =	sadd.s32 s4, s6;
	s4 =	sadd.s32 $0x8F400, s6  }
0xe: {  	s11 =	sshrl.u32 s11, $0x3;
	s8 =	sadd.s32 s8, s6;
	s6 =	sadd.s32 $0x17400, s9  }
0xf: {  	s9 =	simm.s32 $0x5;
	s7 =	sadd.s32 $0x8FA00, s8;
	s8 =	smax.u32 s29, $0x1  }
.LBB2_1:
0x10: {  	[tilespmem:s3], [sflag:$0x5] =	stream.linear.gather [hbm4b:s5+s3], $0x4000, $0x38;
	[tilespmem:$0x1A800] =	vst v63  }
0x11: {  	_ =	swait.ge [sflag:s9], $0x4000  }
0x12: {  	[sflag:s9] =	ssyncset.done $0x0  }
0x13: {  	[sflag:s9] =	ssyncadd.s32 $0xFFFFC000  }
0x14: {  	[spmem:s11], [sflag:s10] =	dma.local [hbm:s6], $0x2800  }
0x15: {  	_ =	swait.ge [sflag:s9], $0x2800  }
0x16: {  	[sflag:s9] =	ssyncset.done $0x0  }
0x17: {  	[sflag:s9] =	ssyncadd.s32 $0xFFFFD800  }
0x18: {  	[tilespmem:s12], [sflag:$0x5] =	stream.linear.gather [hbm4b:s4+s3], $0x2800, $0x38;
	[tilespmem:$0x1A800] =	vst v63  }
0x19: {  	_ =	swait.ge [sflag:s9], $0x2800  }
0x1a: {  	[sflag:s9] =	ssyncset.done $0x0  }
0x1b: {  	[sflag:s9] =	ssyncadd.s32 $0xFFFFD800  }
0x1c: {  	s19 =	simm.s32 $0x0;
	[bflag:$0x0] =	sbarrier.arrive $0xFFFF  }
0x1d: {  	[spmem:s2] =	stream.indirect.scatter.add.f32 [tilespmem:s12], [sflag:$0x1], $0x80, s19, s13, $0xb8;
	[tilespmem:$0x1A800] =	vst v63  }
0x1e: {  	s29 =	simm.s32 $0x80  }
0x1f: {  	[spmem:s2] =	stream.indirect.scatter.add.f32 [tilespmem:s12], [sflag:$0x2], $0x80, s29, s13, $0xb8;
	[tilespmem:$0x1A800] =	vst v63  }
0x20: {  	s30 =	simm.s32 $0x100  }
0x21: {  	[spmem:s2] =	stream.indirect.scatter.add.f32 [tilespmem:s12], [sflag:$0x3], $0x80, s30, s13, $0xb8;
	[tilespmem:$0x1A800] =	vst v63  }
0x22: {  	s31 =	simm.s32 $0x180  }
0x23: {  	[spmem:s2] =	stream.indirect.scatter.add.f32 [tilespmem:s12], [sflag:$0x4], $0x80, s31, s13, $0xb8;
	[tilespmem:$0x1A800] =	vst v63  }
0x24: {  	_ =	swait.ge [sflag:s14], $0x2800  }
0x25: {  	[sflag:s14] =	ssyncset.done $0x0  }
0x26: {  	[sflag:s14] =	ssyncadd.s32 $0xFFFFD800  }
0x27: {  	_ =	swait.ge [sflag:s15], $0x2800  }
0x28: {  	[sflag:s15] =	ssyncset.done $0x0  }
0x29: {  	[sflag:s15] =	ssyncadd.s32 $0xFFFFD800  }
0x2a: {  	_ =	swait.ge [sflag:s16], $0x2800  }
0x2b: {  	[sflag:s16] =	ssyncset.done $0x0  }
0x2c: {  	[sflag:s16] =	ssyncadd.s32 $0xFFFFD800  }
0x2d: {  	_ =	swait.ge [sflag:s17], $0x2800  }
0x2e: {  	s20 =	simm.s32 $0x1000;
	s19 =	simm.s32 $0x800;
	[sflag:s17] =	ssyncset.done $0x0  }
.LBB2_2:
0x2f: {  	s21 =	sshra.s32 s19, $0x2  }
0x30: {  	[sflag:s17] =	ssyncadd.s32 $0xFFFFD800;
	s19 =	smov.u32 s20;
	s22 =	sadd.s32 $0x800, s20  }
0x31: {  	[spmem:s2] =	stream.indirect.scatter.add.f32 [tilespmem:s12], [sflag:$0x1], $0x80, s21, s13, $0xb8;
	[tilespmem:$0x1A800] =	vst v63  }
0x32: {  	p0 =	sne.s32 s20, $0xF800;
	s20 =	sadd.s32 $0x80, s21  }
0x33: {  	[spmem:s2] =	stream.indirect.scatter.add.f32 [tilespmem:s12], [sflag:$0x2], $0x80, s20, s13, $0xb8;
	[tilespmem:$0x1A800] =	vst v63  }
0x34: {  	s20 =	sadd.s32 $0x100, s21  }
0x35: {  	[spmem:s2] =	stream.indirect.scatter.add.f32 [tilespmem:s12], [sflag:$0x3], $0x80, s20, s13, $0xb8;
	[tilespmem:$0x1A800] =	vst v63  }
0x36: {  	s20 =	sadd.s32 $0x180, s21  }
0x37: {  	[spmem:s2] =	stream.indirect.scatter.add.f32 [tilespmem:s12], [sflag:$0x4], $0x80, s20, s13, $0xb8;
	[tilespmem:$0x1A800] =	vst v63  }
0x38: {  	_ =	swait.ge [sflag:s14], $0x2800  }
0x39: {  	[sflag:s14] =	ssyncset.done $0x0  }
0x3a: {  	[sflag:s14] =	ssyncadd.s32 $0xFFFFD800  }
0x3b: {  	_ =	swait.ge [sflag:s15], $0x2800  }
0x3c: {  	[sflag:s15] =	ssyncset.done $0x0  }
0x3d: {  	[sflag:s15] =	ssyncadd.s32 $0xFFFFD800  }
.Ltmp0:
0x3e: {  	_ =	swait.ge [sflag:s16], $0x2800;
	(pc) =	sbr.rel @p0 .LBB2_2-.Ltmp0, $4  }
0x3f: {  	[sflag:s16] =	ssyncset.done $0x0  }
0x40: {  	[sflag:s16] =	ssyncadd.s32 $0xFFFFD800  }
0x41: {  	_ =	swait.ge [sflag:s17], $0x2800  }
0x42: {  	s20 =	smov.u32 s22;
	[sflag:s17] =	ssyncset.done $0x0  }
0x43: {  	s19 =	sshra.s32 s19, $0x2;
	[sflag:s17] =	ssyncadd.s32 $0xFFFFD800  }
0x44: {  	[spmem:s2] =	stream.indirect.scatter.add.f32 [tilespmem:s12], [sflag:$0x1], $0x80, s19, s13, $0xb8;
	[tilespmem:$0x1A800] =	vst v63  }
0x45: {  	s20 =	sadd.s32 $0x80, s19  }
0x46: {  	[spmem:s2] =	stream.indirect.scatter.add.f32 [tilespmem:s12], [sflag:$0x2], $0x80, s20, s13, $0xb8;
	[tilespmem:$0x1A800] =	vst v63  }
0x47: {  	s31 =	sadd.s32 $0x100, s19  }
0x48: {  	[spmem:s2] =	stream.indirect.scatter.add.f32 [tilespmem:s12], [sflag:$0x3], $0x80, s31, s13, $0xb8;
	[tilespmem:$0x1A800] =	vst v63  }
0x49: {  	s19 =	sadd.s32 $0x180, s19  }
0x4a: {  	[spmem:s2] =	stream.indirect.scatter.add.f32 [tilespmem:s12], [sflag:$0x4], $0x80, s19, s13, $0xb8;
	[tilespmem:$0x1A800] =	vst v63  }
0x4b: {  	_ =	swait.ge [sflag:s14], $0x2800  }
0x4c: {  	[sflag:s14] =	ssyncset.done $0x0  }
0x4d: {  	[sflag:s14] =	ssyncadd.s32 $0xFFFFD800  }
0x4e: {  	_ =	swait.ge [sflag:s15], $0x2800  }
0x4f: {  	[sflag:s15] =	ssyncset.done $0x0  }
0x50: {  	[sflag:s15] =	ssyncadd.s32 $0xFFFFD800  }
0x51: {  	_ =	swait.ge [sflag:s16], $0x2800  }
0x52: {  	[sflag:s16] =	ssyncset.done $0x0  }
0x53: {  	[sflag:s16] =	ssyncadd.s32 $0xFFFFD800  }
0x54: {  	_ =	swait.ge [sflag:s17], $0x2800  }
0x55: {  	s18 =	sadd.s32 $0x1, s18;
	[sflag:s17] =	ssyncset.done $0x0  }
0x56: {  	p0 =	sne.s32 s18, s8;
	[sflag:s17] =	ssyncadd.s32 $0xFFFFD800  }
.Ltmp1:
0x57: {  	[bflag:$0x0] =	sbarrier.arrive $0xFFFF;
	(pc) =	sbr.rel @p0 .LBB2_1-.Ltmp1, $4  }
0x58: {  	[hbm:s7], [sflag:s10] =	dma.local [spmem:s11], $0x2800  }
0x59: {  	_ =	swait.ge [sflag:s9], $0x2800  }
0x5a: {  	[sflag:s9] =	ssyncset.done $0x0  }
0x5b: {  	[sflag:s9] =	ssyncadd.s32 $0xFFFFD800  }
0x5c: {  	_ =	sfence.sel $0x180000  }
0x5d: {  	[bflag:$0x0] =	sbarrier.arrive $0xFFFF  }
0x5e: {  	p0 =	sne.s32 s0, $0x0;
	_ =	strace $0x9000004A  }
0x5f: {  	s0 =	sadd.s32 @!p0 $0x100000, s1;
	[bflag:$0x2] =	sbarrier.arrive $0xFFFF  }
0x60: {  	[sflag:s0] =	ssyncadd.tile.s32 @!p0 $0x1;
	_ =	shalt  }
.Lfunc_end2:
_tile_overlayer_lowered:
.L_overlay_start_2:
0x61: {  	(tag) =	ssettag $0x2  }
0x62: {  	s0 =	rddreg [dreg:$0x0];
	s2 =	stileid.u32  }
0x63: {  	s1 =	rddreg [dreg:$0x1];
	p0 =	sne.s32 s2, $0x0  }
0x64: {  	s3 =	rddreg [dreg:$0x2];
	[bflag:$0x3] =	sbarrier.arrive $0xFFFF;
	s2 =	simm.s32 @!p0 $0x1C05  }
0x65: {  	[timem:s3], [sflag:s2] =	dma.local @!p0 [hbm:s0], s1  }
0x66: {  	s0 =	simm.s32 @!p0 $0x5  }
0x67: {  	_ =	swait.ge @!p0 [sflag:s0], s1  }
0x68: {  	s1 =	ssub.s32 @!p0 $0x0, s1;
	[sflag:s0] =	ssyncset.done @!p0 $0x0  }
0x69: {  	[sflag:s0] =	ssyncadd.s32 @!p0 s1  }
0x6a: {  	[bflag:$0x3] =	sbarrier.arrive $0xFFFF  }
0x6b: {  	_ =	shalt  }

</sc_bundles>
